<compile_context>
chip_gen: v7x
topology: tpu7x:2x2x1
jax: 0.10.2.dev20260603
libtpu: 0.0.44.dev20260713+nightly
codegen_flags: <defaults>
</compile_context>

<pallas_src>
import functools

import jax
import jax.numpy as jnp
from jax import lax
from jax.experimental import pallas as pl
from jax.experimental.pallas import tpu as pltpu
from jax.experimental.pallas import tpu_sc as plsc

_B, _IN, _OUT, _T, _C = 8192, 1024, 1024, 16, 10
_R = 1 << _C
_SPAD = 256
_LANES = 128

_NC, _NS, _L = 2, 16, 16
_NW = _NC * _NS
_BPW = _B // _NW
_NG = _BPW


def _idx_body(x_ref, s_ref, w_ref, o_ref):
    h = lax.dot(x_ref[...], s_ref[...],
                precision=lax.Precision.HIGHEST,
                preferred_element_type=jnp.float32)
    bits = (h > 0.0).astype(jnp.float32)
    idxf = lax.dot(bits, w_ref[...],
                   preferred_element_type=jnp.float32)
    off = lax.broadcasted_iota(jnp.int32, idxf.shape, 1) * _R
    o_ref[...] = idxf.astype(jnp.int32) + off


def _compute_idx(x, s_mat, w_mat):
    nblk = 8
    blk = _B // nblk
    return pl.pallas_call(
        _idx_body,
        grid=(nblk,),
        in_specs=[
            pl.BlockSpec((blk, _IN), lambda i: (i, 0)),
            pl.BlockSpec((_IN, _SPAD), lambda i: (0, 0)),
            pl.BlockSpec((_SPAD, _LANES), lambda i: (0, 0)),
        ],
        out_specs=pl.BlockSpec((blk, _LANES), lambda i: (i, 0)),
        out_shape=jax.ShapeDtypeStruct((_B, _LANES), jnp.int32),
    )(x, s_mat, w_mat)


@functools.cache
def _build_gather_sum():
    @functools.partial(
        pl.kernel,
        mesh=plsc.VectorSubcoreMesh(core_axis_name="c", subcore_axis_name="s"),
        out_type=jax.ShapeDtypeStruct((_B, _OUT), jnp.float32),
        scratch_types=[
            pltpu.VMEM((_BPW * _T,), jnp.int32),
            pltpu.VMEM((_T, _OUT), jnp.float32),
            pltpu.VMEM((_T, _OUT), jnp.float32),
            pltpu.VMEM((_T, _OUT), jnp.float32),
            pltpu.VMEM((_T, _OUT), jnp.float32),
            pltpu.VMEM((1, _OUT), jnp.float32),
            pltpu.VMEM((1, _OUT), jnp.float32),
            pltpu.SemaphoreType.DMA,
            pltpu.SemaphoreType.DMA,
            pltpu.SemaphoreType.DMA,
            pltpu.SemaphoreType.DMA,
            pltpu.SemaphoreType.DMA,
            pltpu.SemaphoreType.DMA,
        ],
    )
    def _gather_sum(tab_ref, idx_ref, y_ref, idx_v, r0, r1, r2, r3,
                    yb0, yb1, gs0, gs1, gs2, gs3, ys0, ys1):
        wid = lax.axis_index("s") * _NC + lax.axis_index("c")
        base = wid * _BPW
        pltpu.sync_copy(idx_ref.at[pl.ds(base * _T, _BPW * _T)], idx_v)

        rbufs = (r0, r1, r2, r3)
        gsems = (gs0, gs1, gs2, gs3)
        ybufs = (yb0, yb1)
        ysems = (ys0, ys1)

        def startg(g, buf, sem):
            pltpu.async_copy(tab_ref.at[idx_v.at[pl.ds(g * _T, _T)]],
                             buf, sem)

        startg(0, r0, gs0)
        startg(1, r1, gs1)
        startg(2, r2, gs2)

        def outer(h, carry):
            for b in range(4):
                g = 4 * h + b
                buf, sem = rbufs[b], gsems[b]
                p = b % 2
                ybuf, ysem = ybufs[p], ysems[p]
                pltpu.make_async_copy(
                    tab_ref.at[idx_v.at[pl.ds(0, _T)]], buf, sem).wait()

                @pl.when(g + 3 < _NG)
                def _():
                    startg(g + 3, rbufs[(b + 3) % 4], gsems[(b + 3) % 4])

                @pl.when(g >= 2)
                def _():
                    pltpu.make_async_copy(
                        ybuf, y_ref.at[pl.ds(0, 1)], ysem).wait()

                @plsc.parallel_loop(0, _OUT, step=_L, unroll=8)
                def _(o):
                    vals = [buf[t, pl.ds(o, _L)] for t in range(_T)]
                    while len(vals) > 1:
                        nxt = [vals[i] + vals[i + 1]
                               for i in range(0, len(vals) - 1, 2)]
                        if len(vals) % 2:
                            nxt.append(vals[-1])
                        vals = nxt
                    ybuf[0, pl.ds(o, _L)] = vals[0]
                pltpu.async_copy(ybuf, y_ref.at[pl.ds(base + g, 1)], ysem)
            return carry

        lax.fori_loop(0, _NG // 4, outer, 0)
        for p in range(2):
            pltpu.make_async_copy(
                ybufs[p], y_ref.at[pl.ds(0, 1)], ysems[p]).wait()

    return _gather_sum


def kernel(x, table, anchors_a, anchors_b, bit_powers):
    rows = jnp.arange(_IN, dtype=jnp.int32)[:, None]
    aa = jnp.full((_SPAD,), -1, jnp.int32).at[: _T * _C].set(
        anchors_a.reshape(-1))
    ab = jnp.full((_SPAD,), -1, jnp.int32).at[: _T * _C].set(
        anchors_b.reshape(-1))
    s_mat = ((rows == aa[None, :]).astype(jnp.float32)
             - (rows == ab[None, :]).astype(jnp.float32))
    cols = jnp.arange(_T * _C, dtype=jnp.int32)
    tt = jnp.repeat(jnp.arange(_T, dtype=jnp.int32), _C)
    w_mat = jnp.zeros((_SPAD, _LANES), jnp.float32)
    w_mat = w_mat.at[cols, tt].set(jnp.tile(bit_powers.astype(jnp.float32), _T))

    idx128 = _compute_idx(x, s_mat, w_mat)
    flat_idx = idx128[:, :_T].reshape(-1)
    y = _build_gather_sum()(table.reshape(_T * _R, _OUT), flat_idx)
    return y

# --- scband reference (transcript-rebuilt; emitter-appended) ---
"""Pipeline reference for scband-lutblock-52364241273392 (READ-ONLY COPY).

The authoritative reference and input builder live on the scoring server;
editing this copy changes nothing except your own understanding.
"""

import jax, jax.numpy as jnp
import numpy as np

B, IN, OUT, T, C = 8192, 1024, 1024, 16, 10
R = 2 ** C


def setup_inputs(seed: int = 0):
    key = jax.random.key(seed)
    k1, k2 = jax.random.split(key)
    x = jax.random.normal(k1, (B, IN), dtype=jnp.float32)
    table = 0.02 * jax.random.normal(k2, (T, R, OUT), dtype=jnp.float32)
    rng = np.random.default_rng(0)
    a = rng.integers(0, IN, (T, C))
    b = rng.integers(0, IN, (T, C))
    eq = a == b
    while eq.any():
        b[eq] = rng.integers(0, IN, int(eq.sum()))
        eq = a == b
    anchors_a = jnp.asarray(a, dtype=jnp.int32)
    anchors_b = jnp.asarray(b, dtype=jnp.int32)
    bit_powers = jnp.asarray(2 ** np.arange(C), dtype=jnp.int32)
    return {"x": x, "table": table, "anchors_a": anchors_a, "anchors_b": anchors_b, "bit_powers": bit_powers}


def reference(x, table, anchors_a, anchors_b, bit_powers):
    # diffs[b, t, c] = x[b, anchors_a[t, c]] - x[b, anchors_b[t, c]]
    diffs = x[:, anchors_a] - x[:, anchors_b]            # [B, T, C]
    bits = (diffs > 0).astype(jnp.int32)                 # [B, T, C]
    idx = jnp.sum(bits * bit_powers[None, None, :], axis=-1)  # [B, T]
    # gather table[t, idx[b, t], :] -> [B, T, OUT]
    gathered = jax.vmap(lambda tab, i: tab[i], in_axes=(0, 1), out_axes=1)(table, idx)
    y = jnp.sum(gathered, axis=1)                        # [B, OUT]
    return y

if __name__ == "__main__":
    import jax
    _d = setup_inputs()
    print(jax.jit(kernel)(*tuple(_d.values())))

</pallas_src>

<mosaic_0001>
#map = affine_map<(d0, d1) -> (0, 0)>
#map1 = affine_map<(d0, d1) -> (0)>
module attributes {stable_mosaic.version = 14 : i64} {
  func.func @_gather_sum(%arg0: i32, %arg1: i32, %arg2: memref<16384x1024xf32, #tpu.memory_space<hbm>>, %arg3: memref<131072xi32, #tpu.memory_space<hbm>>, %arg4: memref<8192x1024xf32, #tpu.memory_space<hbm>>, %arg5: memref<4096xi32, #tpu.memory_space<vmem>>, %arg6: memref<16x1024xf32, #tpu.memory_space<vmem>>, %arg7: memref<16x1024xf32, #tpu.memory_space<vmem>>, %arg8: memref<16x1024xf32, #tpu.memory_space<vmem>>, %arg9: memref<16x1024xf32, #tpu.memory_space<vmem>>, %arg10: memref<1x1024xf32, #tpu.memory_space<vmem>>, %arg11: memref<1x1024xf32, #tpu.memory_space<vmem>>, %arg12: memref<!tpu.dma_semaphore, #tpu.memory_space<semaphore_mem>>, %arg13: memref<!tpu.dma_semaphore, #tpu.memory_space<semaphore_mem>>, %arg14: memref<!tpu.dma_semaphore, #tpu.memory_space<semaphore_mem>>, %arg15: memref<!tpu.dma_semaphore, #tpu.memory_space<semaphore_mem>>, %arg16: memref<!tpu.dma_semaphore, #tpu.memory_space<semaphore_mem>>, %arg17: memref<!tpu.dma_semaphore, #tpu.memory_space<semaphore_mem>>) attributes {dimension_semantics = [#tpu.dimension_semantics<core_parallel>, #tpu.dimension_semantics<subcore_parallel>], iteration_bounds = array<i64: 2, 16>, scalar_prefetch = 0 : i64, scratch_operands = 13 : i64, tpu.core_type = #tpu.core_type<sc_vector_subcore>, window_params = [{transform_indices = #map}, {transform_indices = #map1}, {transform_indices = #map}]} {
    %mul3A = arith.constant 2 : i32
    %mul3A_0 = arith.muli %arg1, %mul3A : i32
    %add3A = arith.addi %mul3A_0, %arg0 : i32
    %mul3A_1 = arith.constant 256 : i32
    %mul3A_2 = arith.muli %add3A, %mul3A_1 : i32
    %mul3A_3 = arith.constant 16 : i32
    %mul3A_4 = arith.muli %mul3A_2, %mul3A_3 : i32
    "tpu.region"() ({
      %run_scoped3A = tpu.sem_alloc : memref<!tpu.dma_semaphore, #tpu.memory_space<semaphore_mem>>
      %dma_start3A_35 = tpu.memref_slice %arg3[%mul3A_4] : memref<131072xi32, #tpu.memory_space<hbm>> -> memref<4096xi32, #tpu.memory_space<hbm>>
      %dma_start3A_36 = tpu.memref_slice %arg3[%mul3A_4] : memref<131072xi32, #tpu.memory_space<hbm>> -> memref<4096xi32, #tpu.memory_space<hbm>>
      tpu.enqueue_dma source(%dma_start3A_36 : memref<4096xi32, #tpu.memory_space<hbm>>) target(%arg5 : memref<4096xi32, #tpu.memory_space<vmem>>) target_semaphore(%run_scoped3A : memref<!tpu.dma_semaphore, #tpu.memory_space<semaphore_mem>>)
      %dma_wait3A_37 = tpu.memref_slice %arg3[%mul3A_4] : memref<131072xi32, #tpu.memory_space<hbm>> -> memref<4096xi32, #tpu.memory_space<hbm>>
      %dma_wait3A_38 = tpu.memref_slice %arg3[%mul3A_4] : memref<131072xi32, #tpu.memory_space<hbm>> -> memref<4096xi32, #tpu.memory_space<hbm>>
      tpu.wait_dma2 semaphore(%run_scoped3A : memref<!tpu.dma_semaphore, #tpu.memory_space<semaphore_mem>>) src(%dma_wait3A_38 : memref<4096xi32, #tpu.memory_space<hbm>>) dst(%arg5 : memref<4096xi32, #tpu.memory_space<vmem>>)
      tpu.yield
    }) : () -> ()
    %dma_start3A = arith.constant 0 : i32
    %dma_start3A_5 = tpu.memref_slice %arg5[%dma_start3A] : memref<4096xi32, #tpu.memory_space<vmem>> -> memref<16xi32, #tpu.memory_space<vmem>>
    %dma_start3A_6 = arith.constant 0 : i32
    %dma_start3A_7 = arith.constant 0 : i32
    %dma_start3A_8 = tpu.memref_slice %arg2[%dma_start3A_6, %dma_start3A_7] : memref<16384x1024xf32, #tpu.memory_space<hbm>> -> memref<16384x1024xf32, #tpu.memory_space<hbm>>
    tpu.enqueue_indirect_dma source(%dma_start3A_8 : memref<16384x1024xf32, #tpu.memory_space<hbm>>) target(%arg6 : memref<16x1024xf32, #tpu.memory_space<vmem>>) offsets(%dma_start3A_5 : memref<16xi32, #tpu.memory_space<vmem>>) semaphore(%arg12 : memref<!tpu.dma_semaphore, #tpu.memory_space<semaphore_mem>>)
    %dma_start3A_9 = arith.constant 16 : i32
    %dma_start3A_10 = tpu.memref_slice %arg5[%dma_start3A_9] : memref<4096xi32, #tpu.memory_space<vmem>> -> memref<16xi32, #tpu.memory_space<vmem>>
    %dma_start3A_11 = arith.constant 0 : i32
    %dma_start3A_12 = arith.constant 0 : i32
    %dma_start3A_13 = tpu.memref_slice %arg2[%dma_start3A_11, %dma_start3A_12] : memref<16384x1024xf32, #tpu.memory_space<hbm>> -> memref<16384x1024xf32, #tpu.memory_space<hbm>>
    tpu.enqueue_indirect_dma source(%dma_start3A_13 : memref<16384x1024xf32, #tpu.memory_space<hbm>>) target(%arg7 : memref<16x1024xf32, #tpu.memory_space<vmem>>) offsets(%dma_start3A_10 : memref<16xi32, #tpu.memory_space<vmem>>) semaphore(%arg13 : memref<!tpu.dma_semaphore, #tpu.memory_space<semaphore_mem>>)
    %dma_start3A_14 = arith.constant 32 : i32
    %dma_start3A_15 = tpu.memref_slice %arg5[%dma_start3A_14] : memref<4096xi32, #tpu.memory_space<vmem>> -> memref<16xi32, #tpu.memory_space<vmem>>
    %dma_start3A_16 = arith.constant 0 : i32
    %dma_start3A_17 = arith.constant 0 : i32
    %dma_start3A_18 = tpu.memref_slice %arg2[%dma_start3A_16, %dma_start3A_17] : memref<16384x1024xf32, #tpu.memory_space<hbm>> -> memref<16384x1024xf32, #tpu.memory_space<hbm>>
    tpu.enqueue_indirect_dma source(%dma_start3A_18 : memref<16384x1024xf32, #tpu.memory_space<hbm>>) target(%arg8 : memref<16x1024xf32, #tpu.memory_space<vmem>>) offsets(%dma_start3A_15 : memref<16xi32, #tpu.memory_space<vmem>>) semaphore(%arg14 : memref<!tpu.dma_semaphore, #tpu.memory_space<semaphore_mem>>)
    %scan3A = arith.constant 0 : i32
    %scan3A_19 = arith.constant 0 : i32
    %scan3A_20 = arith.constant 64 : i32
    %scan3A_21 = arith.addi %scan3A_19, %scan3A_20 : i32
    %scan3A_22 = arith.constant 1 : i32
    scf.for %scan3A_35 = %scan3A_19 to %scan3A_21 step %scan3A_22  : i32 {
      %mul3A_36 = arith.constant 4 : i32
      %mul3A_37 = arith.muli %mul3A_36, %scan3A_35 : i32
      %add3A_38 = arith.constant 0 : i32
      %add3A_39 = arith.addi %mul3A_37, %add3A_38 : i32
      %dma_wait3A_40 = arith.constant 0 : i32
      %dma_wait3A_41 = tpu.memref_slice %arg5[%dma_wait3A_40] : memref<4096xi32, #tpu.memory_space<vmem>> -> memref<16xi32, #tpu.memory_space<vmem>>
      %dma_wait3A_42 = arith.constant 0 : i32
      %dma_wait3A_43 = arith.constant 0 : i32
      %dma_wait3A_44 = tpu.memref_slice %arg2[%dma_wait3A_42, %dma_wait3A_43] : memref<16384x1024xf32, #tpu.memory_space<hbm>> -> memref<16384x1024xf32, #tpu.memory_space<hbm>>
      tpu.wait_indirect_dma semaphore(%arg12 : memref<!tpu.dma_semaphore, #tpu.memory_space<semaphore_mem>>) src(%dma_wait3A_44 : memref<16384x1024xf32, #tpu.memory_space<hbm>>) dst(%arg6 : memref<16x1024xf32, #tpu.memory_space<vmem>>)
      %add3A_45 = arith.constant 3 : i32
      %add3A_46 = arith.addi %add3A_39, %add3A_45 : i32
      %lt3A = arith.constant 256 : i32
      %lt3A_47 = arith.cmpi slt, %add3A_46, %lt3A : i32
      %convert_element_type3A = arith.extui %lt3A_47 : i1 to i32
      %cond3A = arith.constant 0 : i32
      %cond3A_48 = arith.cmpi ne, %convert_element_type3A, %cond3A : i32
      scf.if %cond3A_48 {
        %add3A_147 = arith.constant 3 : i32
        %add3A_148 = arith.addi %add3A_39, %add3A_147 : i32
        %mul3A_149 = arith.constant 16 : i32
        %mul3A_150 = arith.muli %add3A_148, %mul3A_149 : i32
        %dma_start3A_151 = tpu.memref_slice %arg5[%mul3A_150] : memref<4096xi32, #tpu.memory_space<vmem>> -> memref<16xi32, #tpu.memory_space<vmem>>
        %dma_start3A_152 = arith.constant 0 : i32
        %dma_start3A_153 = arith.constant 0 : i32
        %dma_start3A_154 = tpu.memref_slice %arg2[%dma_start3A_152, %dma_start3A_153] : memref<16384x1024xf32, #tpu.memory_space<hbm>> -> memref<16384x1024xf32, #tpu.memory_space<hbm>>
        tpu.enqueue_indirect_dma source(%dma_start3A_154 : memref<16384x1024xf32, #tpu.memory_space<hbm>>) target(%arg9 : memref<16x1024xf32, #tpu.memory_space<vmem>>) offsets(%dma_start3A_151 : memref<16xi32, #tpu.memory_space<vmem>>) semaphore(%arg15 : memref<!tpu.dma_semaphore, #tpu.memory_space<semaphore_mem>>)
      } else {
      }
      %ge3A = arith.constant 2 : i32
      %ge3A_49 = arith.cmpi sge, %add3A_39, %ge3A : i32
      %convert_element_type3A_50 = arith.extui %ge3A_49 : i1 to i32
      %cond3A_51 = arith.constant 0 : i32
      %cond3A_52 = arith.cmpi ne, %convert_element_type3A_50, %cond3A_51 : i32
      scf.if %cond3A_52 {
        %dma_wait3A_147 = arith.constant 0 : i32
        %dma_wait3A_148 = arith.constant 0 : i32
        %dma_wait3A_149 = tpu.memref_slice %arg4[%dma_wait3A_147, %dma_wait3A_148] : memref<8192x1024xf32, #tpu.memory_space<hbm>> -> memref<1x1024xf32, #tpu.memory_space<hbm>>
        %dma_wait3A_150 = arith.constant 0 : i32
        %dma_wait3A_151 = arith.constant 0 : i32
        %dma_wait3A_152 = tpu.memref_slice %arg4[%dma_wait3A_150, %dma_wait3A_151] : memref<8192x1024xf32, #tpu.memory_space<hbm>> -> memref<1x1024xf32, #tpu.memory_space<hbm>>
        tpu.wait_dma2 semaphore(%arg16 : memref<!tpu.dma_semaphore, #tpu.memory_space<semaphore_mem>>) src(%arg10 : memref<1x1024xf32, #tpu.memory_space<vmem>>) dst(%dma_wait3A_152 : memref<1x1024xf32, #tpu.memory_space<hbm>>)
      } else {
      }
      %parallel_loop3A = arith.constant 0 : i32
      %parallel_loop3A_53 = arith.constant 1024 : i32
      %parallel_loop3A_54 = arith.constant 16 : i32
      scf.for %parallel_loop3A_147 = %parallel_loop3A to %parallel_loop3A_53 step %parallel_loop3A_54  : i32 {
        %parallel_loop3A_148 = arith.constant 0 : i32
        %parallel_loop3A_149 = arith.index_cast %parallel_loop3A_148 : i32 to index
        %parallel_loop3A_150 = arith.index_cast %parallel_loop3A_147 : i32 to index
        %parallel_loop3A_151 = tpu.vector_load %arg6[%parallel_loop3A_149, %parallel_loop3A_150] {strides = array<i32>} : memref<16x1024xf32, #tpu.memory_space<vmem>>, vector<1x16xf32>,
        %parallel_loop3A_152 = vector.shape_cast %parallel_loop3A_151 : vector<1x16xf32> to vector<16xf32>
        %parallel_loop3A_153 = arith.constant 1 : i32
        %parallel_loop3A_154 = arith.index_cast %parallel_loop3A_153 : i32 to index
        %parallel_loop3A_155 = arith.index_cast %parallel_loop3A_147 : i32 to index
        %parallel_loop3A_156 = tpu.vector_load %arg6[%parallel_loop3A_154, %parallel_loop3A_155] {strides = array<i32>} : memref<16x1024xf32, #tpu.memory_space<vmem>>, vector<1x16xf32>,
        %parallel_loop3A_157 = vector.shape_cast %parallel_loop3A_156 : vector<1x16xf32> to vector<16xf32>
        %parallel_loop3A_158 = arith.constant 2 : i32
        %parallel_loop3A_159 = arith.index_cast %parallel_loop3A_158 : i32 to index
        %parallel_loop3A_160 = arith.index_cast %parallel_loop3A_147 : i32 to index
        %parallel_loop3A_161 = tpu.vector_load %arg6[%parallel_loop3A_159, %parallel_loop3A_160] {strides = array<i32>} : memref<16x1024xf32, #tpu.memory_space<vmem>>, vector<1x16xf32>,
        %parallel_loop3A_162 = vector.shape_cast %parallel_loop3A_161 : vector<1x16xf32> to vector<16xf32>
        %parallel_loop3A_163 = arith.constant 3 : i32
        %parallel_loop3A_164 = arith.index_cast %parallel_loop3A_163 : i32 to index
        %parallel_loop3A_165 = arith.index_cast %parallel_loop3A_147 : i32 to index
        %parallel_loop3A_166 = tpu.vector_load %arg6[%parallel_loop3A_164, %parallel_loop3A_165] {strides = array<i32>} : memref<16x1024xf32, #tpu.memory_space<vmem>>, vector<1x16xf32>,
        %parallel_loop3A_167 = vector.shape_cast %parallel_loop3A_166 : vector<1x16xf32> to vector<16xf32>
        %parallel_loop3A_168 = arith.constant 4 : i32
        %parallel_loop3A_169 = arith.index_cast %parallel_loop3A_168 : i32 to index
        %parallel_loop3A_170 = arith.index_cast %parallel_loop3A_147 : i32 to index
        %parallel_loop3A_171 = tpu.vector_load %arg6[%parallel_loop3A_169, %parallel_loop3A_170] {strides = array<i32>} : memref<16x1024xf32, #tpu.memory_space<vmem>>, vector<1x16xf32>,
        %parallel_loop3A_172 = vector.shape_cast %parallel_loop3A_171 : vector<1x16xf32> to vector<16xf32>
        %parallel_loop3A_173 = arith.constant 5 : i32
        %parallel_loop3A_174 = arith.index_cast %parallel_loop3A_173 : i32 to index
        %parallel_loop3A_175 = arith.index_cast %parallel_loop3A_147 : i32 to index
        %parallel_loop3A_176 = tpu.vector_load %arg6[%parallel_loop3A_174, %parallel_loop3A_175] {strides = array<i32>} : memref<16x1024xf32, #tpu.memory_space<vmem>>, vector<1x16xf32>,
        %parallel_loop3A_177 = vector.shape_cast %parallel_loop3A_176 : vector<1x16xf32> to vector<16xf32>
        %parallel_loop3A_178 = arith.constant 6 : i32
        %parallel_loop3A_179 = arith.index_cast %parallel_loop3A_178 : i32 to index
        %parallel_loop3A_180 = arith.index_cast %parallel_loop3A_147 : i32 to index
        %parallel_loop3A_181 = tpu.vector_load %arg6[%parallel_loop3A_179, %parallel_loop3A_180] {strides = array<i32>} : memref<16x1024xf32, #tpu.memory_space<vmem>>, vector<1x16xf32>,
        %parallel_loop3A_182 = vector.shape_cast %parallel_loop3A_181 : vector<1x16xf32> to vector<16xf32>
        %parallel_loop3A_183 = arith.constant 7 : i32
        %parallel_loop3A_184 = arith.index_cast %parallel_loop3A_183 : i32 to index
        %parallel_loop3A_185 = arith.index_cast %parallel_loop3A_147 : i32 to index
        %parallel_loop3A_186 = tpu.vector_load %arg6[%parallel_loop3A_184, %parallel_loop3A_185] {strides = array<i32>} : memref<16x1024xf32, #tpu.memory_space<vmem>>, vector<1x16xf32>,
        %parallel_loop3A_187 = vector.shape_cast %parallel_loop3A_186 : vector<1x16xf32> to vector<16xf32>
        %parallel_loop3A_188 = arith.constant 8 : i32
        %parallel_loop3A_189 = arith.index_cast %parallel_loop3A_188 : i32 to index
        %parallel_loop3A_190 = arith.index_cast %parallel_loop3A_147 : i32 to index
        %parallel_loop3A_191 = tpu.vector_load %arg6[%parallel_loop3A_189, %parallel_loop3A_190] {strides = array<i32>} : memref<16x1024xf32, #tpu.memory_space<vmem>>, vector<1x16xf32>,
        %parallel_loop3A_192 = vector.shape_cast %parallel_loop3A_191 : vector<1x16xf32> to vector<16xf32>
        %parallel_loop3A_193 = arith.constant 9 : i32
        %parallel_loop3A_194 = arith.index_cast %parallel_loop3A_193 : i32 to index
        %parallel_loop3A_195 = arith.index_cast %parallel_loop3A_147 : i32 to index
        %parallel_loop3A_196 = tpu.vector_load %arg6[%parallel_loop3A_194, %parallel_loop3A_195] {strides = array<i32>} : memref<16x1024xf32, #tpu.memory_space<vmem>>, vector<1x16xf32>,
        %parallel_loop3A_197 = vector.shape_cast %parallel_loop3A_196 : vector<1x16xf32> to vector<16xf32>
        %parallel_loop3A_198 = arith.constant 10 : i32
        %parallel_loop3A_199 = arith.index_cast %parallel_loop3A_198 : i32 to index
        %parallel_loop3A_200 = arith.index_cast %parallel_loop3A_147 : i32 to index
        %parallel_loop3A_201 = tpu.vector_load %arg6[%parallel_loop3A_199, %parallel_loop3A_200] {strides = array<i32>} : memref<16x1024xf32, #tpu.memory_space<vmem>>, vector<1x16xf32>,
        %parallel_loop3A_202 = vector.shape_cast %parallel_loop3A_201 : vector<1x16xf32> to vector<16xf32>
        %parallel_loop3A_203 = arith.constant 11 : i32
        %parallel_loop3A_204 = arith.index_cast %parallel_loop3A_203 : i32 to index
        %parallel_loop3A_205 = arith.index_cast %parallel_loop3A_147 : i32 to index
        %parallel_loop3A_206 = tpu.vector_load %arg6[%parallel_loop3A_204, %parallel_loop3A_205] {strides = array<i32>} : memref<16x1024xf32, #tpu.memory_space<vmem>>, vector<1x16xf32>,
        %parallel_loop3A_207 = vector.shape_cast %parallel_loop3A_206 : vector<1x16xf32> to vector<16xf32>
        %parallel_loop3A_208 = arith.constant 12 : i32
        %parallel_loop3A_209 = arith.index_cast %parallel_loop3A_208 : i32 to index
        %parallel_loop3A_210 = arith.index_cast %parallel_loop3A_147 : i32 to index
        %parallel_loop3A_211 = tpu.vector_load %arg6[%parallel_loop3A_209, %parallel_loop3A_210] {strides = array<i32>} : memref<16x1024xf32, #tpu.memory_space<vmem>>, vector<1x16xf32>,
        %parallel_loop3A_212 = vector.shape_cast %parallel_loop3A_211 : vector<1x16xf32> to vector<16xf32>
        %parallel_loop3A_213 = arith.constant 13 : i32
        %parallel_loop3A_214 = arith.index_cast %parallel_loop3A_213 : i32 to index
        %parallel_loop3A_215 = arith.index_cast %parallel_loop3A_147 : i32 to index
        %parallel_loop3A_216 = tpu.vector_load %arg6[%parallel_loop3A_214, %parallel_loop3A_215] {strides = array<i32>} : memref<16x1024xf32, #tpu.memory_space<vmem>>, vector<1x16xf32>,
        %parallel_loop3A_217 = vector.shape_cast %parallel_loop3A_216 : vector<1x16xf32> to vector<16xf32>
        %parallel_loop3A_218 = arith.constant 14 : i32
        %parallel_loop3A_219 = arith.index_cast %parallel_loop3A_218 : i32 to index
        %parallel_loop3A_220 = arith.index_cast %parallel_loop3A_147 : i32 to index
        %parallel_loop3A_221 = tpu.vector_load %arg6[%parallel_loop3A_219, %parallel_loop3A_220] {strides = array<i32>} : memref<16x1024xf32, #tpu.memory_space<vmem>>, vector<1x16xf32>,
        %parallel_loop3A_222 = vector.shape_cast %parallel_loop3A_221 : vector<1x16xf32> to vector<16xf32>
        %parallel_loop3A_223 = arith.constant 15 : i32
        %parallel_loop3A_224 = arith.index_cast %parallel_loop3A_223 : i32 to index
        %parallel_loop3A_225 = arith.index_cast %parallel_loop3A_147 : i32 to index
        %parallel_loop3A_226 = tpu.vector_load %arg6[%parallel_loop3A_224, %parallel_loop3A_225] {strides = array<i32>} : memref<16x1024xf32, #tpu.memory_space<vmem>>, vector<1x16xf32>,
        %parallel_loop3A_227 = vector.shape_cast %parallel_loop3A_226 : vector<1x16xf32> to vector<16xf32>
        %parallel_loop3A_228 = arith.addf %parallel_loop3A_152, %parallel_loop3A_157 : vector<16xf32>
        %parallel_loop3A_229 = arith.addf %parallel_loop3A_162, %parallel_loop3A_167 : vector<16xf32>
        %parallel_loop3A_230 = arith.addf %parallel_loop3A_172, %parallel_loop3A_177 : vector<16xf32>
        %parallel_loop3A_231 = arith.addf %parallel_loop3A_182, %parallel_loop3A_187 : vector<16xf32>
        %parallel_loop3A_232 = arith.addf %parallel_loop3A_192, %parallel_loop3A_197 : vector<16xf32>
        %parallel_loop3A_233 = arith.addf %parallel_loop3A_202, %parallel_loop3A_207 : vector<16xf32>
        %parallel_loop3A_234 = arith.addf %parallel_loop3A_212, %parallel_loop3A_217 : vector<16xf32>
        %parallel_loop3A_235 = arith.addf %parallel_loop3A_222, %parallel_loop3A_227 : vector<16xf32>
        %parallel_loop3A_236 = arith.addf %parallel_loop3A_228, %parallel_loop3A_229 : vector<16xf32>
        %parallel_loop3A_237 = arith.addf %parallel_loop3A_230, %parallel_loop3A_231 : vector<16xf32>
        %parallel_loop3A_238 = arith.addf %parallel_loop3A_232, %parallel_loop3A_233 : vector<16xf32>
        %parallel_loop3A_239 = arith.addf %parallel_loop3A_234, %parallel_loop3A_235 : vector<16xf32>
        %parallel_loop3A_240 = arith.addf %parallel_loop3A_236, %parallel_loop3A_237 : vector<16xf32>
        %parallel_loop3A_241 = arith.addf %parallel_loop3A_238, %parallel_loop3A_239 : vector<16xf32>
        %parallel_loop3A_242 = arith.addf %parallel_loop3A_240, %parallel_loop3A_241 : vector<16xf32>
        %parallel_loop3A_243 = arith.constant 0 : i32
        %parallel_loop3A_244 = arith.index_cast %parallel_loop3A_243 : i32 to index
        %parallel_loop3A_245 = arith.index_cast %parallel_loop3A_147 : i32 to index
        %parallel_loop3A_246 = tpu.vector_load %arg10[%parallel_loop3A_244, %parallel_loop3A_245] {strides = array<i32>} : memref<1x1024xf32, #tpu.memory_space<vmem>>, vector<1x16xf32>,
        %parallel_loop3A_247 = vector.shape_cast %parallel_loop3A_246 : vector<1x16xf32> to vector<16xf32>
        %parallel_loop3A_248 = vector.shape_cast %parallel_loop3A_242 : vector<16xf32> to vector<1x16xf32>
        tpu.vector_store %arg10[%parallel_loop3A_244, %parallel_loop3A_245], %parallel_loop3A_248 {strides = array<i32>} : memref<1x1024xf32, #tpu.memory_space<vmem>>, vector<1x16xf32>,
      } {sc.loop_unroll_factor = 8 : i64, sc.parallel_access}
      %add3A_55 = arith.addi %mul3A_2, %add3A_39 : i32
      %dma_start3A_56 = arith.constant 0 : i32
      %dma_start3A_57 = tpu.memref_slice %arg4[%add3A_55, %dma_start3A_56] : memref<8192x1024xf32, #tpu.memory_space<hbm>> -> memref<1x1024xf32, #tpu.memory_space<hbm>>
      %dma_start3A_58 = arith.constant 0 : i32
      %dma_start3A_59 = tpu.memref_slice %arg4[%add3A_55, %dma_start3A_58] : memref<8192x1024xf32, #tpu.memory_space<hbm>> -> memref<1x1024xf32, #tpu.memory_space<hbm>>
      tpu.enqueue_dma source(%arg10 : memref<1x1024xf32, #tpu.memory_space<vmem>>) target(%dma_start3A_59 : memref<1x1024xf32, #tpu.memory_space<hbm>>) target_semaphore(%arg16 : memref<!tpu.dma_semaphore, #tpu.memory_space<semaphore_mem>>)
      %mul3A_60 = arith.constant 4 : i32
      %mul3A_61 = arith.muli %mul3A_60, %scan3A_35 : i32
      %add3A_62 = arith.constant 1 : i32
      %add3A_63 = arith.addi %mul3A_61, %add3A_62 : i32
      %dma_wait3A_64 = arith.constant 0 : i32
      %dma_wait3A_65 = tpu.memref_slice %arg5[%dma_wait3A_64] : memref<4096xi32, #tpu.memory_space<vmem>> -> memref<16xi32, #tpu.memory_space<vmem>>
      %dma_wait3A_66 = arith.constant 0 : i32
      %dma_wait3A_67 = arith.constant 0 : i32
      %dma_wait3A_68 = tpu.memref_slice %arg2[%dma_wait3A_66, %dma_wait3A_67] : memref<16384x1024xf32, #tpu.memory_space<hbm>> -> memref<16384x1024xf32, #tpu.memory_space<hbm>>
      tpu.wait_indirect_dma semaphore(%arg13 : memref<!tpu.dma_semaphore, #tpu.memory_space<semaphore_mem>>) src(%dma_wait3A_68 : memref<16384x1024xf32, #tpu.memory_space<hbm>>) dst(%arg7 : memref<16x1024xf32, #tpu.memory_space<vmem>>)
      %add3A_69 = arith.constant 3 : i32
      %add3A_70 = arith.addi %add3A_63, %add3A_69 : i32
      %lt3A_71 = arith.constant 256 : i32
      %lt3A_72 = arith.cmpi slt, %add3A_70, %lt3A_71 : i32
      %convert_element_type3A_73 = arith.extui %lt3A_72 : i1 to i32
      %cond3A_74 = arith.constant 0 : i32
      %cond3A_75 = arith.cmpi ne, %convert_element_type3A_73, %cond3A_74 : i32
      scf.if %cond3A_75 {
        %add3A_147 = arith.constant 3 : i32
        %add3A_148 = arith.addi %add3A_63, %add3A_147 : i32
        %mul3A_149 = arith.constant 16 : i32
        %mul3A_150 = arith.muli %add3A_148, %mul3A_149 : i32
        %dma_start3A_151 = tpu.memref_slice %arg5[%mul3A_150] : memref<4096xi32, #tpu.memory_space<vmem>> -> memref<16xi32, #tpu.memory_space<vmem>>
        %dma_start3A_152 = arith.constant 0 : i32
        %dma_start3A_153 = arith.constant 0 : i32
        %dma_start3A_154 = tpu.memref_slice %arg2[%dma_start3A_152, %dma_start3A_153] : memref<16384x1024xf32, #tpu.memory_space<hbm>> -> memref<16384x1024xf32, #tpu.memory_space<hbm>>
        tpu.enqueue_indirect_dma source(%dma_start3A_154 : memref<16384x1024xf32, #tpu.memory_space<hbm>>) target(%arg6 : memref<16x1024xf32, #tpu.memory_space<vmem>>) offsets(%dma_start3A_151 : memref<16xi32, #tpu.memory_space<vmem>>) semaphore(%arg12 : memref<!tpu.dma_semaphore, #tpu.memory_space<semaphore_mem>>)
      } else {
      }
      %ge3A_76 = arith.constant 2 : i32
      %ge3A_77 = arith.cmpi sge, %add3A_63, %ge3A_76 : i32
      %convert_element_type3A_78 = arith.extui %ge3A_77 : i1 to i32
      %cond3A_79 = arith.constant 0 : i32
      %cond3A_80 = arith.cmpi ne, %convert_element_type3A_78, %cond3A_79 : i32
      scf.if %cond3A_80 {
        %dma_wait3A_147 = arith.constant 0 : i32
        %dma_wait3A_148 = arith.constant 0 : i32
        %dma_wait3A_149 = tpu.memref_slice %arg4[%dma_wait3A_147, %dma_wait3A_148] : memref<8192x1024xf32, #tpu.memory_space<hbm>> -> memref<1x1024xf32, #tpu.memory_space<hbm>>
        %dma_wait3A_150 = arith.constant 0 : i32
        %dma_wait3A_151 = arith.constant 0 : i32
        %dma_wait3A_152 = tpu.memref_slice %arg4[%dma_wait3A_150, %dma_wait3A_151] : memref<8192x1024xf32, #tpu.memory_space<hbm>> -> memref<1x1024xf32, #tpu.memory_space<hbm>>
        tpu.wait_dma2 semaphore(%arg17 : memref<!tpu.dma_semaphore, #tpu.memory_space<semaphore_mem>>) src(%arg11 : memref<1x1024xf32, #tpu.memory_space<vmem>>) dst(%dma_wait3A_152 : memref<1x1024xf32, #tpu.memory_space<hbm>>)
      } else {
      }
      %parallel_loop3A_81 = arith.constant 0 : i32
      %parallel_loop3A_82 = arith.constant 1024 : i32
      %parallel_loop3A_83 = arith.constant 16 : i32
      scf.for %parallel_loop3A_147 = %parallel_loop3A_81 to %parallel_loop3A_82 step %parallel_loop3A_83  : i32 {
        %parallel_loop3A_148 = arith.constant 0 : i32
        %parallel_loop3A_149 = arith.index_cast %parallel_loop3A_148 : i32 to index
        %parallel_loop3A_150 = arith.index_cast %parallel_loop3A_147 : i32 to index
        %parallel_loop3A_151 = tpu.vector_load %arg7[%parallel_loop3A_149, %parallel_loop3A_150] {strides = array<i32>} : memref<16x1024xf32, #tpu.memory_space<vmem>>, vector<1x16xf32>,
        %parallel_loop3A_152 = vector.shape_cast %parallel_loop3A_151 : vector<1x16xf32> to vector<16xf32>
        %parallel_loop3A_153 = arith.constant 1 : i32
        %parallel_loop3A_154 = arith.index_cast %parallel_loop3A_153 : i32 to index
        %parallel_loop3A_155 = arith.index_cast %parallel_loop3A_147 : i32 to index
        %parallel_loop3A_156 = tpu.vector_load %arg7[%parallel_loop3A_154, %parallel_loop3A_155] {strides = array<i32>} : memref<16x1024xf32, #tpu.memory_space<vmem>>, vector<1x16xf32>,
        %parallel_loop3A_157 = vector.shape_cast %parallel_loop3A_156 : vector<1x16xf32> to vector<16xf32>
        %parallel_loop3A_158 = arith.constant 2 : i32
        %parallel_loop3A_159 = arith.index_cast %parallel_loop3A_158 : i32 to index
        %parallel_loop3A_160 = arith.index_cast %parallel_loop3A_147 : i32 to index
        %parallel_loop3A_161 = tpu.vector_load %arg7[%parallel_loop3A_159, %parallel_loop3A_160] {strides = array<i32>} : memref<16x1024xf32, #tpu.memory_space<vmem>>, vector<1x16xf32>,
        %parallel_loop3A_162 = vector.shape_cast %parallel_loop3A_161 : vector<1x16xf32> to vector<16xf32>
        %parallel_loop3A_163 = arith.constant 3 : i32
        %parallel_loop3A_164 = arith.index_cast %parallel_loop3A_163 : i32 to index
        %parallel_loop3A_165 = arith.index_cast %parallel_loop3A_147 : i32 to index
        %parallel_loop3A_166 = tpu.vector_load %arg7[%parallel_loop3A_164, %parallel_loop3A_165] {strides = array<i32>} : memref<16x1024xf32, #tpu.memory_space<vmem>>, vector<1x16xf32>,
        %parallel_loop3A_167 = vector.shape_cast %parallel_loop3A_166 : vector<1x16xf32> to vector<16xf32>
        %parallel_loop3A_168 = arith.constant 4 : i32
        %parallel_loop3A_169 = arith.index_cast %parallel_loop3A_168 : i32 to index
        %parallel_loop3A_170 = arith.index_cast %parallel_loop3A_147 : i32 to index
        %parallel_loop3A_171 = tpu.vector_load %arg7[%parallel_loop3A_169, %parallel_loop3A_170] {strides = array<i32>} : memref<16x1024xf32, #tpu.memory_space<vmem>>, vector<1x16xf32>,
        %parallel_loop3A_172 = vector.shape_cast %parallel_loop3A_171 : vector<1x16xf32> to vector<16xf32>
        %parallel_loop3A_173 = arith.constant 5 : i32
        %parallel_loop3A_174 = arith.index_cast %parallel_loop3A_173 : i32 to index
        %parallel_loop3A_175 = arith.index_cast %parallel_loop3A_147 : i32 to index
        %parallel_loop3A_176 = tpu.vector_load %arg7[%parallel_loop3A_174, %parallel_loop3A_175] {strides = array<i32>} : memref<16x1024xf32, #tpu.memory_space<vmem>>, vector<1x16xf32>,
        %parallel_loop3A_177 = vector.shape_cast %parallel_loop3A_176 : vector<1x16xf32> to vector<16xf32>
        %parallel_loop3A_178 = arith.constant 6 : i32
        %parallel_loop3A_179 = arith.index_cast %parallel_loop3A_178 : i32 to index
        %parallel_loop3A_180 = arith.index_cast %parallel_loop3A_147 : i32 to index
        %parallel_loop3A_181 = tpu.vector_load %arg7[%parallel_loop3A_179, %parallel_loop3A_180] {strides = array<i32>} : memref<16x1024xf32, #tpu.memory_space<vmem>>, vector<1x16xf32>,
        %parallel_loop3A_182 = vector.shape_cast %parallel_loop3A_181 : vector<1x16xf32> to vector<16xf32>
        %parallel_loop3A_183 = arith.constant 7 : i32
        %parallel_loop3A_184 = arith.index_cast %parallel_loop3A_183 : i32 to index
        %parallel_loop3A_185 = arith.index_cast %parallel_loop3A_147 : i32 to index
        %parallel_loop3A_186 = tpu.vector_load %arg7[%parallel_loop3A_184, %parallel_loop3A_185] {strides = array<i32>} : memref<16x1024xf32, #tpu.memory_space<vmem>>, vector<1x16xf32>,
        %parallel_loop3A_187 = vector.shape_cast %parallel_loop3A_186 : vector<1x16xf32> to vector<16xf32>
        %parallel_loop3A_188 = arith.constant 8 : i32
        %parallel_loop3A_189 = arith.index_cast %parallel_loop3A_188 : i32 to index
        %parallel_loop3A_190 = arith.index_cast %parallel_loop3A_147 : i32 to index
        %parallel_loop3A_191 = tpu.vector_load %arg7[%parallel_loop3A_189, %parallel_loop3A_190] {strides = array<i32>} : memref<16x1024xf32, #tpu.memory_space<vmem>>, vector<1x16xf32>,
        %parallel_loop3A_192 = vector.shape_cast %parallel_loop3A_191 : vector<1x16xf32> to vector<16xf32>
        %parallel_loop3A_193 = arith.constant 9 : i32
        %parallel_loop3A_194 = arith.index_cast %parallel_loop3A_193 : i32 to index
        %parallel_loop3A_195 = arith.index_cast %parallel_loop3A_147 : i32 to index
        %parallel_loop3A_196 = tpu.vector_load %arg7[%parallel_loop3A_194, %parallel_loop3A_195] {strides = array<i32>} : memref<16x1024xf32, #tpu.memory_space<vmem>>, vector<1x16xf32>,
        %parallel_loop3A_197 = vector.shape_cast %parallel_loop3A_196 : vector<1x16xf32> to vector<16xf32>
        %parallel_loop3A_198 = arith.constant 10 : i32
        %parallel_loop3A_199 = arith.index_cast %parallel_loop3A_198 : i32 to index
        %parallel_loop3A_200 = arith.index_cast %parallel_loop3A_147 : i32 to index
        %parallel_loop3A_201 = tpu.vector_load %arg7[%parallel_loop3A_199, %parallel_loop3A_200] {strides = array<i32>} : memref<16x1024xf32, #tpu.memory_space<vmem>>, vector<1x16xf32>,
        %parallel_loop3A_202 = vector.shape_cast %parallel_loop3A_201 : vector<1x16xf32> to vector<16xf32>
        %parallel_loop3A_203 = arith.constant 11 : i32
        %parallel_loop3A_204 = arith.index_cast %parallel_loop3A_203 : i32 to index
        %parallel_loop3A_205 = arith.index_cast %parallel_loop3A_147 : i32 to index
        %parallel_loop3A_206 = tpu.vector_load %arg7[%parallel_loop3A_204, %parallel_loop3A_205] {strides = array<i32>} : memref<16x1024xf32, #tpu.memory_space<vmem>>, vector<1x16xf32>,
        %parallel_loop3A_207 = vector.shape_cast %parallel_loop3A_206 : vector<1x16xf32> to vector<16xf32>
        %parallel_loop3A_208 = arith.constant 12 : i32
        %parallel_loop3A_209 = arith.index_cast %parallel_loop3A_208 : i32 to index
        %parallel_loop3A_210 = arith.index_cast %parallel_loop3A_147 : i32 to index
        %parallel_loop3A_211 = tpu.vector_load %arg7[%parallel_loop3A_209, %parallel_loop3A_210] {strides = array<i32>} : memref<16x1024xf32, #tpu.memory_space<vmem>>, vector<1x16xf32>,
        %parallel_loop3A_212 = vector.shape_cast %parallel_loop3A_211 : vector<1x16xf32> to vector<16xf32>
        %parallel_loop3A_213 = arith.constant 13 : i32
        %parallel_loop3A_214 = arith.index_cast %parallel_loop3A_213 : i32 to index
        %parallel_loop3A_215 = arith.index_cast %parallel_loop3A_147 : i32 to index
        %parallel_loop3A_216 = tpu.vector_load %arg7[%parallel_loop3A_214, %parallel_loop3A_215] {strides = array<i32>} : memref<16x1024xf32, #tpu.memory_space<vmem>>, vector<1x16xf32>,
        %parallel_loop3A_217 = vector.shape_cast %parallel_loop3A_216 : vector<1x16xf32> to vector<16xf32>
        %parallel_loop3A_218 = arith.constant 14 : i32
        %parallel_loop3A_219 = arith.index_cast %parallel_loop3A_218 : i32 to index
        %parallel_loop3A_220 = arith.index_cast %parallel_loop3A_147 : i32 to index
        %parallel_loop3A_221 = tpu.vector_load %arg7[%parallel_loop3A_219, %parallel_loop3A_220] {strides = array<i32>} : memref<16x1024xf32, #tpu.memory_space<vmem>>, vector<1x16xf32>,
        %parallel_loop3A_222 = vector.shape_cast %parallel_loop3A_221 : vector<1x16xf32> to vector<16xf32>
        %parallel_loop3A_223 = arith.constant 15 : i32
        %parallel_loop3A_224 = arith.index_cast %parallel_loop3A_223 : i32 to index
        %parallel_loop3A_225 = arith.index_cast %parallel_loop3A_147 : i32 to index
        %parallel_loop3A_226 = tpu.vector_load %arg7[%parallel_loop3A_224, %parallel_loop3A_225] {strides = array<i32>} : memref<16x1024xf32, #tpu.memory_space<vmem>>, vector<1x16xf32>,
        %parallel_loop3A_227 = vector.shape_cast %parallel_loop3A_226 : vector<1x16xf32> to vector<16xf32>
        %parallel_loop3A_228 = arith.addf %parallel_loop3A_152, %parallel_loop3A_157 : vector<16xf32>
        %parallel_loop3A_229 = arith.addf %parallel_loop3A_162, %parallel_loop3A_167 : vector<16xf32>
        %parallel_loop3A_230 = arith.addf %parallel_loop3A_172, %parallel_loop3A_177 : vector<16xf32>
        %parallel_loop3A_231 = arith.addf %parallel_loop3A_182, %parallel_loop3A_187 : vector<16xf32>
        %parallel_loop3A_232 = arith.addf %parallel_loop3A_192, %parallel_loop3A_197 : vector<16xf32>
        %parallel_loop3A_233 = arith.addf %parallel_loop3A_202, %parallel_loop3A_207 : vector<16xf32>
        %parallel_loop3A_234 = arith.addf %parallel_loop3A_212, %parallel_loop3A_217 : vector<16xf32>
        %parallel_loop3A_235 = arith.addf %parallel_loop3A_222, %parallel_loop3A_227 : vector<16xf32>
        %parallel_loop3A_236 = arith.addf %parallel_loop3A_228, %parallel_loop3A_229 : vector<16xf32>
        %parallel_loop3A_237 = arith.addf %parallel_loop3A_230, %parallel_loop3A_231 : vector<16xf32>
        %parallel_loop3A_238 = arith.addf %parallel_loop3A_232, %parallel_loop3A_233 : vector<16xf32>
        %parallel_loop3A_239 = arith.addf %parallel_loop3A_234, %parallel_loop3A_235 : vector<16xf32>
        %parallel_loop3A_240 = arith.addf %parallel_loop3A_236, %parallel_loop3A_237 : vector<16xf32>
        %parallel_loop3A_241 = arith.addf %parallel_loop3A_238, %parallel_loop3A_239 : vector<16xf32>
        %parallel_loop3A_242 = arith.addf %parallel_loop3A_240, %parallel_loop3A_241 : vector<16xf32>
        %parallel_loop3A_243 = arith.constant 0 : i32
        %parallel_loop3A_244 = arith.index_cast %parallel_loop3A_243 : i32 to index
        %parallel_loop3A_245 = arith.index_cast %parallel_loop3A_147 : i32 to index
        %parallel_loop3A_246 = tpu.vector_load %arg11[%parallel_loop3A_244, %parallel_loop3A_245] {strides = array<i32>} : memref<1x1024xf32, #tpu.memory_space<vmem>>, vector<1x16xf32>,
        %parallel_loop3A_247 = vector.shape_cast %parallel_loop3A_246 : vector<1x16xf32> to vector<16xf32>
        %parallel_loop3A_248 = vector.shape_cast %parallel_loop3A_242 : vector<16xf32> to vector<1x16xf32>
        tpu.vector_store %arg11[%parallel_loop3A_244, %parallel_loop3A_245], %parallel_loop3A_248 {strides = array<i32>} : memref<1x1024xf32, #tpu.memory_space<vmem>>, vector<1x16xf32>,
      } {sc.loop_unroll_factor = 8 : i64, sc.parallel_access}
      %add3A_84 = arith.addi %mul3A_2, %add3A_63 : i32
      %dma_start3A_85 = arith.constant 0 : i32
      %dma_start3A_86 = tpu.memref_slice %arg4[%add3A_84, %dma_start3A_85] : memref<8192x1024xf32, #tpu.memory_space<hbm>> -> memref<1x1024xf32, #tpu.memory_space<hbm>>
      %dma_start3A_87 = arith.constant 0 : i32
      %dma_start3A_88 = tpu.memref_slice %arg4[%add3A_84, %dma_start3A_87] : memref<8192x1024xf32, #tpu.memory_space<hbm>> -> memref<1x1024xf32, #tpu.memory_space<hbm>>
      tpu.enqueue_dma source(%arg11 : memref<1x1024xf32, #tpu.memory_space<vmem>>) target(%dma_start3A_88 : memref<1x1024xf32, #tpu.memory_space<hbm>>) target_semaphore(%arg17 : memref<!tpu.dma_semaphore, #tpu.memory_space<semaphore_mem>>)
      %mul3A_89 = arith.constant 4 : i32
      %mul3A_90 = arith.muli %mul3A_89, %scan3A_35 : i32
      %add3A_91 = arith.constant 2 : i32
      %add3A_92 = arith.addi %mul3A_90, %add3A_91 : i32
      %dma_wait3A_93 = arith.constant 0 : i32
      %dma_wait3A_94 = tpu.memref_slice %arg5[%dma_wait3A_93] : memref<4096xi32, #tpu.memory_space<vmem>> -> memref<16xi32, #tpu.memory_space<vmem>>
      %dma_wait3A_95 = arith.constant 0 : i32
      %dma_wait3A_96 = arith.constant 0 : i32
      %dma_wait3A_97 = tpu.memref_slice %arg2[%dma_wait3A_95, %dma_wait3A_96] : memref<16384x1024xf32, #tpu.memory_space<hbm>> -> memref<16384x1024xf32, #tpu.memory_space<hbm>>
      tpu.wait_indirect_dma semaphore(%arg14 : memref<!tpu.dma_semaphore, #tpu.memory_space<semaphore_mem>>) src(%dma_wait3A_97 : memref<16384x1024xf32, #tpu.memory_space<hbm>>) dst(%arg8 : memref<16x1024xf32, #tpu.memory_space<vmem>>)
      %add3A_98 = arith.constant 3 : i32
      %add3A_99 = arith.addi %add3A_92, %add3A_98 : i32
      %lt3A_100 = arith.constant 256 : i32
      %lt3A_101 = arith.cmpi slt, %add3A_99, %lt3A_100 : i32
      %convert_element_type3A_102 = arith.extui %lt3A_101 : i1 to i32
      %cond3A_103 = arith.constant 0 : i32
      %cond3A_104 = arith.cmpi ne, %convert_element_type3A_102, %cond3A_103 : i32
      scf.if %cond3A_104 {
        %add3A_147 = arith.constant 3 : i32
        %add3A_148 = arith.addi %add3A_92, %add3A_147 : i32
        %mul3A_149 = arith.constant 16 : i32
        %mul3A_150 = arith.muli %add3A_148, %mul3A_149 : i32
        %dma_start3A_151 = tpu.memref_slice %arg5[%mul3A_150] : memref<4096xi32, #tpu.memory_space<vmem>> -> memref<16xi32, #tpu.memory_space<vmem>>
        %dma_start3A_152 = arith.constant 0 : i32
        %dma_start3A_153 = arith.constant 0 : i32
        %dma_start3A_154 = tpu.memref_slice %arg2[%dma_start3A_152, %dma_start3A_153] : memref<16384x1024xf32, #tpu.memory_space<hbm>> -> memref<16384x1024xf32, #tpu.memory_space<hbm>>
        tpu.enqueue_indirect_dma source(%dma_start3A_154 : memref<16384x1024xf32, #tpu.memory_space<hbm>>) target(%arg7 : memref<16x1024xf32, #tpu.memory_space<vmem>>) offsets(%dma_start3A_151 : memref<16xi32, #tpu.memory_space<vmem>>) semaphore(%arg13 : memref<!tpu.dma_semaphore, #tpu.memory_space<semaphore_mem>>)
      } else {
      }
      %ge3A_105 = arith.constant 2 : i32
      %ge3A_106 = arith.cmpi sge, %add3A_92, %ge3A_105 : i32
      %convert_element_type3A_107 = arith.extui %ge3A_106 : i1 to i32
      %cond3A_108 = arith.constant 0 : i32
      %cond3A_109 = arith.cmpi ne, %convert_element_type3A_107, %cond3A_108 : i32
      scf.if %cond3A_109 {
        %dma_wait3A_147 = arith.constant 0 : i32
        %dma_wait3A_148 = arith.constant 0 : i32
        %dma_wait3A_149 = tpu.memref_slice %arg4[%dma_wait3A_147, %dma_wait3A_148] : memref<8192x1024xf32, #tpu.memory_space<hbm>> -> memref<1x1024xf32, #tpu.memory_space<hbm>>
        %dma_wait3A_150 = arith.constant 0 : i32
        %dma_wait3A_151 = arith.constant 0 : i32
        %dma_wait3A_152 = tpu.memref_slice %arg4[%dma_wait3A_150, %dma_wait3A_151] : memref<8192x1024xf32, #tpu.memory_space<hbm>> -> memref<1x1024xf32, #tpu.memory_space<hbm>>
        tpu.wait_dma2 semaphore(%arg16 : memref<!tpu.dma_semaphore, #tpu.memory_space<semaphore_mem>>) src(%arg10 : memref<1x1024xf32, #tpu.memory_space<vmem>>) dst(%dma_wait3A_152 : memref<1x1024xf32, #tpu.memory_space<hbm>>)
      } else {
      }
      %parallel_loop3A_110 = arith.constant 0 : i32
      %parallel_loop3A_111 = arith.constant 1024 : i32
      %parallel_loop3A_112 = arith.constant 16 : i32
      scf.for %parallel_loop3A_147 = %parallel_loop3A_110 to %parallel_loop3A_111 step %parallel_loop3A_112  : i32 {
        %parallel_loop3A_148 = arith.constant 0 : i32
        %parallel_loop3A_149 = arith.index_cast %parallel_loop3A_148 : i32 to index
        %parallel_loop3A_150 = arith.index_cast %parallel_loop3A_147 : i32 to index
        %parallel_loop3A_151 = tpu.vector_load %arg8[%parallel_loop3A_149, %parallel_loop3A_150] {strides = array<i32>} : memref<16x1024xf32, #tpu.memory_space<vmem>>, vector<1x16xf32>,
        %parallel_loop3A_152 = vector.shape_cast %parallel_loop3A_151 : vector<1x16xf32> to vector<16xf32>
        %parallel_loop3A_153 = arith.constant 1 : i32
        %parallel_loop3A_154 = arith.index_cast %parallel_loop3A_153 : i32 to index
        %parallel_loop3A_155 = arith.index_cast %parallel_loop3A_147 : i32 to index
        %parallel_loop3A_156 = tpu.vector_load %arg8[%parallel_loop3A_154, %parallel_loop3A_155] {strides = array<i32>} : memref<16x1024xf32, #tpu.memory_space<vmem>>, vector<1x16xf32>,
        %parallel_loop3A_157 = vector.shape_cast %parallel_loop3A_156 : vector<1x16xf32> to vector<16xf32>
        %parallel_loop3A_158 = arith.constant 2 : i32
        %parallel_loop3A_159 = arith.index_cast %parallel_loop3A_158 : i32 to index
        %parallel_loop3A_160 = arith.index_cast %parallel_loop3A_147 : i32 to index
        %parallel_loop3A_161 = tpu.vector_load %arg8[%parallel_loop3A_159, %parallel_loop3A_160] {strides = array<i32>} : memref<16x1024xf32, #tpu.memory_space<vmem>>, vector<1x16xf32>,
        %parallel_loop3A_162 = vector.shape_cast %parallel_loop3A_161 : vector<1x16xf32> to vector<16xf32>
        %parallel_loop3A_163 = arith.constant 3 : i32
        %parallel_loop3A_164 = arith.index_cast %parallel_loop3A_163 : i32 to index
        %parallel_loop3A_165 = arith.index_cast %parallel_loop3A_147 : i32 to index
        %parallel_loop3A_166 = tpu.vector_load %arg8[%parallel_loop3A_164, %parallel_loop3A_165] {strides = array<i32>} : memref<16x1024xf32, #tpu.memory_space<vmem>>, vector<1x16xf32>,
        %parallel_loop3A_167 = vector.shape_cast %parallel_loop3A_166 : vector<1x16xf32> to vector<16xf32>
        %parallel_loop3A_168 = arith.constant 4 : i32
        %parallel_loop3A_169 = arith.index_cast %parallel_loop3A_168 : i32 to index
        %parallel_loop3A_170 = arith.index_cast %parallel_loop3A_147 : i32 to index
        %parallel_loop3A_171 = tpu.vector_load %arg8[%parallel_loop3A_169, %parallel_loop3A_170] {strides = array<i32>} : memref<16x1024xf32, #tpu.memory_space<vmem>>, vector<1x16xf32>,
        %parallel_loop3A_172 = vector.shape_cast %parallel_loop3A_171 : vector<1x16xf32> to vector<16xf32>
        %parallel_loop3A_173 = arith.constant 5 : i32
        %parallel_loop3A_174 = arith.index_cast %parallel_loop3A_173 : i32 to index
        %parallel_loop3A_175 = arith.index_cast %parallel_loop3A_147 : i32 to index
        %parallel_loop3A_176 = tpu.vector_load %arg8[%parallel_loop3A_174, %parallel_loop3A_175] {strides = array<i32>} : memref<16x1024xf32, #tpu.memory_space<vmem>>, vector<1x16xf32>,
        %parallel_loop3A_177 = vector.shape_cast %parallel_loop3A_176 : vector<1x16xf32> to vector<16xf32>
        %parallel_loop3A_178 = arith.constant 6 : i32
        %parallel_loop3A_179 = arith.index_cast %parallel_loop3A_178 : i32 to index
        %parallel_loop3A_180 = arith.index_cast %parallel_loop3A_147 : i32 to index
        %parallel_loop3A_181 = tpu.vector_load %arg8[%parallel_loop3A_179, %parallel_loop3A_180] {strides = array<i32>} : memref<16x1024xf32, #tpu.memory_space<vmem>>, vector<1x16xf32>,
        %parallel_loop3A_182 = vector.shape_cast %parallel_loop3A_181 : vector<1x16xf32> to vector<16xf32>
        %parallel_loop3A_183 = arith.constant 7 : i32
        %parallel_loop3A_184 = arith.index_cast %parallel_loop3A_183 : i32 to index
        %parallel_loop3A_185 = arith.index_cast %parallel_loop3A_147 : i32 to index
        %parallel_loop3A_186 = tpu.vector_load %arg8[%parallel_loop3A_184, %parallel_loop3A_185] {strides = array<i32>} : memref<16x1024xf32, #tpu.memory_space<vmem>>, vector<1x16xf32>,
        %parallel_loop3A_187 = vector.shape_cast %parallel_loop3A_186 : vector<1x16xf32> to vector<16xf32>
        %parallel_loop3A_188 = arith.constant 8 : i32
        %parallel_loop3A_189 = arith.index_cast %parallel_loop3A_188 : i32 to index
        %parallel_loop3A_190 = arith.index_cast %parallel_loop3A_147 : i32 to index
        %parallel_loop3A_191 = tpu.vector_load %arg8[%parallel_loop3A_189, %parallel_loop3A_190] {strides = array<i32>} : memref<16x1024xf32, #tpu.memory_space<vmem>>, vector<1x16xf32>,
        %parallel_loop3A_192 = vector.shape_cast %parallel_loop3A_191 : vector<1x16xf32> to vector<16xf32>
        %parallel_loop3A_193 = arith.constant 9 : i32
        %parallel_loop3A_194 = arith.index_cast %parallel_loop3A_193 : i32 to index
        %parallel_loop3A_195 = arith.index_cast %parallel_loop3A_147 : i32 to index
        %parallel_loop3A_196 = tpu.vector_load %arg8[%parallel_loop3A_194, %parallel_loop3A_195] {strides = array<i32>} : memref<16x1024xf32, #tpu.memory_space<vmem>>, vector<1x16xf32>,
        %parallel_loop3A_197 = vector.shape_cast %parallel_loop3A_196 : vector<1x16xf32> to vector<16xf32>
        %parallel_loop3A_198 = arith.constant 10 : i32
        %parallel_loop3A_199 = arith.index_cast %parallel_loop3A_198 : i32 to index
        %parallel_loop3A_200 = arith.index_cast %parallel_loop3A_147 : i32 to index
        %parallel_loop3A_201 = tpu.vector_load %arg8[%parallel_loop3A_199, %parallel_loop3A_200] {strides = array<i32>} : memref<16x1024xf32, #tpu.memory_space<vmem>>, vector<1x16xf32>,
        %parallel_loop3A_202 = vector.shape_cast %parallel_loop3A_201 : vector<1x16xf32> to vector<16xf32>
        %parallel_loop3A_203 = arith.constant 11 : i32
        %parallel_loop3A_204 = arith.index_cast %parallel_loop3A_203 : i32 to index
        %parallel_loop3A_205 = arith.index_cast %parallel_loop3A_147 : i32 to index
        %parallel_loop3A_206 = tpu.vector_load %arg8[%parallel_loop3A_204, %parallel_loop3A_205] {strides = array<i32>} : memref<16x1024xf32, #tpu.memory_space<vmem>>, vector<1x16xf32>,
        %parallel_loop3A_207 = vector.shape_cast %parallel_loop3A_206 : vector<1x16xf32> to vector<16xf32>
        %parallel_loop3A_208 = arith.constant 12 : i32
        %parallel_loop3A_209 = arith.index_cast %parallel_loop3A_208 : i32 to index
        %parallel_loop3A_210 = arith.index_cast %parallel_loop3A_147 : i32 to index
        %parallel_loop3A_211 = tpu.vector_load %arg8[%parallel_loop3A_209, %parallel_loop3A_210] {strides = array<i32>} : memref<16x1024xf32, #tpu.memory_space<vmem>>, vector<1x16xf32>,
        %parallel_loop3A_212 = vector.shape_cast %parallel_loop3A_211 : vector<1x16xf32> to vector<16xf32>
        %parallel_loop3A_213 = arith.constant 13 : i32
        %parallel_loop3A_214 = arith.index_cast %parallel_loop3A_213 : i32 to index
        %parallel_loop3A_215 = arith.index_cast %parallel_loop3A_147 : i32 to index
        %parallel_loop3A_216 = tpu.vector_load %arg8[%parallel_loop3A_214, %parallel_loop3A_215] {strides = array<i32>} : memref<16x1024xf32, #tpu.memory_space<vmem>>, vector<1x16xf32>,
        %parallel_loop3A_217 = vector.shape_cast %parallel_loop3A_216 : vector<1x16xf32> to vector<16xf32>
        %parallel_loop3A_218 = arith.constant 14 : i32
        %parallel_loop3A_219 = arith.index_cast %parallel_loop3A_218 : i32 to index
        %parallel_loop3A_220 = arith.index_cast %parallel_loop3A_147 : i32 to index
        %parallel_loop3A_221 = tpu.vector_load %arg8[%parallel_loop3A_219, %parallel_loop3A_220] {strides = array<i32>} : memref<16x1024xf32, #tpu.memory_space<vmem>>, vector<1x16xf32>,
        %parallel_loop3A_222 = vector.shape_cast %parallel_loop3A_221 : vector<1x16xf32> to vector<16xf32>
        %parallel_loop3A_223 = arith.constant 15 : i32
        %parallel_loop3A_224 = arith.index_cast %parallel_loop3A_223 : i32 to index
        %parallel_loop3A_225 = arith.index_cast %parallel_loop3A_147 : i32 to index
        %parallel_loop3A_226 = tpu.vector_load %arg8[%parallel_loop3A_224, %parallel_loop3A_225] {strides = array<i32>} : memref<16x1024xf32, #tpu.memory_space<vmem>>, vector<1x16xf32>,
        %parallel_loop3A_227 = vector.shape_cast %parallel_loop3A_226 : vector<1x16xf32> to vector<16xf32>
        %parallel_loop3A_228 = arith.addf %parallel_loop3A_152, %parallel_loop3A_157 : vector<16xf32>
        %parallel_loop3A_229 = arith.addf %parallel_loop3A_162, %parallel_loop3A_167 : vector<16xf32>
        %parallel_loop3A_230 = arith.addf %parallel_loop3A_172, %parallel_loop3A_177 : vector<16xf32>
        %parallel_loop3A_231 = arith.addf %parallel_loop3A_182, %parallel_loop3A_187 : vector<16xf32>
        %parallel_loop3A_232 = arith.addf %parallel_loop3A_192, %parallel_loop3A_197 : vector<16xf32>
        %parallel_loop3A_233 = arith.addf %parallel_loop3A_202, %parallel_loop3A_207 : vector<16xf32>
        %parallel_loop3A_234 = arith.addf %parallel_loop3A_212, %parallel_loop3A_217 : vector<16xf32>
        %parallel_loop3A_235 = arith.addf %parallel_loop3A_222, %parallel_loop3A_227 : vector<16xf32>
        %parallel_loop3A_236 = arith.addf %parallel_loop3A_228, %parallel_loop3A_229 : vector<16xf32>
        %parallel_loop3A_237 = arith.addf %parallel_loop3A_230, %parallel_loop3A_231 : vector<16xf32>
        %parallel_loop3A_238 = arith.addf %parallel_loop3A_232, %parallel_loop3A_233 : vector<16xf32>
        %parallel_loop3A_239 = arith.addf %parallel_loop3A_234, %parallel_loop3A_235 : vector<16xf32>
        %parallel_loop3A_240 = arith.addf %parallel_loop3A_236, %parallel_loop3A_237 : vector<16xf32>
        %parallel_loop3A_241 = arith.addf %parallel_loop3A_238, %parallel_loop3A_239 : vector<16xf32>
        %parallel_loop3A_242 = arith.addf %parallel_loop3A_240, %parallel_loop3A_241 : vector<16xf32>
        %parallel_loop3A_243 = arith.constant 0 : i32
        %parallel_loop3A_244 = arith.index_cast %parallel_loop3A_243 : i32 to index
        %parallel_loop3A_245 = arith.index_cast %parallel_loop3A_147 : i32 to index
        %parallel_loop3A_246 = tpu.vector_load %arg10[%parallel_loop3A_244, %parallel_loop3A_245] {strides = array<i32>} : memref<1x1024xf32, #tpu.memory_space<vmem>>, vector<1x16xf32>,
        %parallel_loop3A_247 = vector.shape_cast %parallel_loop3A_246 : vector<1x16xf32> to vector<16xf32>
        %parallel_loop3A_248 = vector.shape_cast %parallel_loop3A_242 : vector<16xf32> to vector<1x16xf32>
        tpu.vector_store %arg10[%parallel_loop3A_244, %parallel_loop3A_245], %parallel_loop3A_248 {strides = array<i32>} : memref<1x1024xf32, #tpu.memory_space<vmem>>, vector<1x16xf32>,
      } {sc.loop_unroll_factor = 8 : i64, sc.parallel_access}
      %add3A_113 = arith.addi %mul3A_2, %add3A_92 : i32
      %dma_start3A_114 = arith.constant 0 : i32
      %dma_start3A_115 = tpu.memref_slice %arg4[%add3A_113, %dma_start3A_114] : memref<8192x1024xf32, #tpu.memory_space<hbm>> -> memref<1x1024xf32, #tpu.memory_space<hbm>>
      %dma_start3A_116 = arith.constant 0 : i32
      %dma_start3A_117 = tpu.memref_slice %arg4[%add3A_113, %dma_start3A_116] : memref<8192x1024xf32, #tpu.memory_space<hbm>> -> memref<1x1024xf32, #tpu.memory_space<hbm>>
      tpu.enqueue_dma source(%arg10 : memref<1x1024xf32, #tpu.memory_space<vmem>>) target(%dma_start3A_117 : memref<1x1024xf32, #tpu.memory_space<hbm>>) target_semaphore(%arg16 : memref<!tpu.dma_semaphore, #tpu.memory_space<semaphore_mem>>)
      %mul3A_118 = arith.constant 4 : i32
      %mul3A_119 = arith.muli %mul3A_118, %scan3A_35 : i32
      %add3A_120 = arith.constant 3 : i32
      %add3A_121 = arith.addi %mul3A_119, %add3A_120 : i32
      %dma_wait3A_122 = arith.constant 0 : i32
      %dma_wait3A_123 = tpu.memref_slice %arg5[%dma_wait3A_122] : memref<4096xi32, #tpu.memory_space<vmem>> -> memref<16xi32, #tpu.memory_space<vmem>>
      %dma_wait3A_124 = arith.constant 0 : i32
      %dma_wait3A_125 = arith.constant 0 : i32
      %dma_wait3A_126 = tpu.memref_slice %arg2[%dma_wait3A_124, %dma_wait3A_125] : memref<16384x1024xf32, #tpu.memory_space<hbm>> -> memref<16384x1024xf32, #tpu.memory_space<hbm>>
      tpu.wait_indirect_dma semaphore(%arg15 : memref<!tpu.dma_semaphore, #tpu.memory_space<semaphore_mem>>) src(%dma_wait3A_126 : memref<16384x1024xf32, #tpu.memory_space<hbm>>) dst(%arg9 : memref<16x1024xf32, #tpu.memory_space<vmem>>)
      %add3A_127 = arith.constant 3 : i32
      %add3A_128 = arith.addi %add3A_121, %add3A_127 : i32
      %lt3A_129 = arith.constant 256 : i32
      %lt3A_130 = arith.cmpi slt, %add3A_128, %lt3A_129 : i32
      %convert_element_type3A_131 = arith.extui %lt3A_130 : i1 to i32
      %cond3A_132 = arith.constant 0 : i32
      %cond3A_133 = arith.cmpi ne, %convert_element_type3A_131, %cond3A_132 : i32
      scf.if %cond3A_133 {
        %add3A_147 = arith.constant 3 : i32
        %add3A_148 = arith.addi %add3A_121, %add3A_147 : i32
        %mul3A_149 = arith.constant 16 : i32
        %mul3A_150 = arith.muli %add3A_148, %mul3A_149 : i32
        %dma_start3A_151 = tpu.memref_slice %arg5[%mul3A_150] : memref<4096xi32, #tpu.memory_space<vmem>> -> memref<16xi32, #tpu.memory_space<vmem>>
        %dma_start3A_152 = arith.constant 0 : i32
        %dma_start3A_153 = arith.constant 0 : i32
        %dma_start3A_154 = tpu.memref_slice %arg2[%dma_start3A_152, %dma_start3A_153] : memref<16384x1024xf32, #tpu.memory_space<hbm>> -> memref<16384x1024xf32, #tpu.memory_space<hbm>>
        tpu.enqueue_indirect_dma source(%dma_start3A_154 : memref<16384x1024xf32, #tpu.memory_space<hbm>>) target(%arg8 : memref<16x1024xf32, #tpu.memory_space<vmem>>) offsets(%dma_start3A_151 : memref<16xi32, #tpu.memory_space<vmem>>) semaphore(%arg14 : memref<!tpu.dma_semaphore, #tpu.memory_space<semaphore_mem>>)
      } else {
      }
      %ge3A_134 = arith.constant 2 : i32
      %ge3A_135 = arith.cmpi sge, %add3A_121, %ge3A_134 : i32
      %convert_element_type3A_136 = arith.extui %ge3A_135 : i1 to i32
      %cond3A_137 = arith.constant 0 : i32
      %cond3A_138 = arith.cmpi ne, %convert_element_type3A_136, %cond3A_137 : i32
      scf.if %cond3A_138 {
        %dma_wait3A_147 = arith.constant 0 : i32
        %dma_wait3A_148 = arith.constant 0 : i32
        %dma_wait3A_149 = tpu.memref_slice %arg4[%dma_wait3A_147, %dma_wait3A_148] : memref<8192x1024xf32, #tpu.memory_space<hbm>> -> memref<1x1024xf32, #tpu.memory_space<hbm>>
        %dma_wait3A_150 = arith.constant 0 : i32
        %dma_wait3A_151 = arith.constant 0 : i32
        %dma_wait3A_152 = tpu.memref_slice %arg4[%dma_wait3A_150, %dma_wait3A_151] : memref<8192x1024xf32, #tpu.memory_space<hbm>> -> memref<1x1024xf32, #tpu.memory_space<hbm>>
        tpu.wait_dma2 semaphore(%arg17 : memref<!tpu.dma_semaphore, #tpu.memory_space<semaphore_mem>>) src(%arg11 : memref<1x1024xf32, #tpu.memory_space<vmem>>) dst(%dma_wait3A_152 : memref<1x1024xf32, #tpu.memory_space<hbm>>)
      } else {
      }
      %parallel_loop3A_139 = arith.constant 0 : i32
      %parallel_loop3A_140 = arith.constant 1024 : i32
      %parallel_loop3A_141 = arith.constant 16 : i32
      scf.for %parallel_loop3A_147 = %parallel_loop3A_139 to %parallel_loop3A_140 step %parallel_loop3A_141  : i32 {
        %parallel_loop3A_148 = arith.constant 0 : i32
        %parallel_loop3A_149 = arith.index_cast %parallel_loop3A_148 : i32 to index
        %parallel_loop3A_150 = arith.index_cast %parallel_loop3A_147 : i32 to index
        %parallel_loop3A_151 = tpu.vector_load %arg9[%parallel_loop3A_149, %parallel_loop3A_150] {strides = array<i32>} : memref<16x1024xf32, #tpu.memory_space<vmem>>, vector<1x16xf32>,
        %parallel_loop3A_152 = vector.shape_cast %parallel_loop3A_151 : vector<1x16xf32> to vector<16xf32>
        %parallel_loop3A_153 = arith.constant 1 : i32
        %parallel_loop3A_154 = arith.index_cast %parallel_loop3A_153 : i32 to index
        %parallel_loop3A_155 = arith.index_cast %parallel_loop3A_147 : i32 to index
        %parallel_loop3A_156 = tpu.vector_load %arg9[%parallel_loop3A_154, %parallel_loop3A_155] {strides = array<i32>} : memref<16x1024xf32, #tpu.memory_space<vmem>>, vector<1x16xf32>,
        %parallel_loop3A_157 = vector.shape_cast %parallel_loop3A_156 : vector<1x16xf32> to vector<16xf32>
        %parallel_loop3A_158 = arith.constant 2 : i32
        %parallel_loop3A_159 = arith.index_cast %parallel_loop3A_158 : i32 to index
        %parallel_loop3A_160 = arith.index_cast %parallel_loop3A_147 : i32 to index
        %parallel_loop3A_161 = tpu.vector_load %arg9[%parallel_loop3A_159, %parallel_loop3A_160] {strides = array<i32>} : memref<16x1024xf32, #tpu.memory_space<vmem>>, vector<1x16xf32>,
        %parallel_loop3A_162 = vector.shape_cast %parallel_loop3A_161 : vector<1x16xf32> to vector<16xf32>
        %parallel_loop3A_163 = arith.constant 3 : i32
        %parallel_loop3A_164 = arith.index_cast %parallel_loop3A_163 : i32 to index
        %parallel_loop3A_165 = arith.index_cast %parallel_loop3A_147 : i32 to index
        %parallel_loop3A_166 = tpu.vector_load %arg9[%parallel_loop3A_164, %parallel_loop3A_165] {strides = array<i32>} : memref<16x1024xf32, #tpu.memory_space<vmem>>, vector<1x16xf32>,
        %parallel_loop3A_167 = vector.shape_cast %parallel_loop3A_166 : vector<1x16xf32> to vector<16xf32>
        %parallel_loop3A_168 = arith.constant 4 : i32
        %parallel_loop3A_169 = arith.index_cast %parallel_loop3A_168 : i32 to index
        %parallel_loop3A_170 = arith.index_cast %parallel_loop3A_147 : i32 to index
        %parallel_loop3A_171 = tpu.vector_load %arg9[%parallel_loop3A_169, %parallel_loop3A_170] {strides = array<i32>} : memref<16x1024xf32, #tpu.memory_space<vmem>>, vector<1x16xf32>,
        %parallel_loop3A_172 = vector.shape_cast %parallel_loop3A_171 : vector<1x16xf32> to vector<16xf32>
        %parallel_loop3A_173 = arith.constant 5 : i32
        %parallel_loop3A_174 = arith.index_cast %parallel_loop3A_173 : i32 to index
        %parallel_loop3A_175 = arith.index_cast %parallel_loop3A_147 : i32 to index
        %parallel_loop3A_176 = tpu.vector_load %arg9[%parallel_loop3A_174, %parallel_loop3A_175] {strides = array<i32>} : memref<16x1024xf32, #tpu.memory_space<vmem>>, vector<1x16xf32>,
        %parallel_loop3A_177 = vector.shape_cast %parallel_loop3A_176 : vector<1x16xf32> to vector<16xf32>
        %parallel_loop3A_178 = arith.constant 6 : i32
        %parallel_loop3A_179 = arith.index_cast %parallel_loop3A_178 : i32 to index
        %parallel_loop3A_180 = arith.index_cast %parallel_loop3A_147 : i32 to index
        %parallel_loop3A_181 = tpu.vector_load %arg9[%parallel_loop3A_179, %parallel_loop3A_180] {strides = array<i32>} : memref<16x1024xf32, #tpu.memory_space<vmem>>, vector<1x16xf32>,
        %parallel_loop3A_182 = vector.shape_cast %parallel_loop3A_181 : vector<1x16xf32> to vector<16xf32>
        %parallel_loop3A_183 = arith.constant 7 : i32
        %parallel_loop3A_184 = arith.index_cast %parallel_loop3A_183 : i32 to index
        %parallel_loop3A_185 = arith.index_cast %parallel_loop3A_147 : i32 to index
        %parallel_loop3A_186 = tpu.vector_load %arg9[%parallel_loop3A_184, %parallel_loop3A_185] {strides = array<i32>} : memref<16x1024xf32, #tpu.memory_space<vmem>>, vector<1x16xf32>,
        %parallel_loop3A_187 = vector.shape_cast %parallel_loop3A_186 : vector<1x16xf32> to vector<16xf32>
        %parallel_loop3A_188 = arith.constant 8 : i32
        %parallel_loop3A_189 = arith.index_cast %parallel_loop3A_188 : i32 to index
        %parallel_loop3A_190 = arith.index_cast %parallel_loop3A_147 : i32 to index
        %parallel_loop3A_191 = tpu.vector_load %arg9[%parallel_loop3A_189, %parallel_loop3A_190] {strides = array<i32>} : memref<16x1024xf32, #tpu.memory_space<vmem>>, vector<1x16xf32>,
        %parallel_loop3A_192 = vector.shape_cast %parallel_loop3A_191 : vector<1x16xf32> to vector<16xf32>
        %parallel_loop3A_193 = arith.constant 9 : i32
        %parallel_loop3A_194 = arith.index_cast %parallel_loop3A_193 : i32 to index
        %parallel_loop3A_195 = arith.index_cast %parallel_loop3A_147 : i32 to index
        %parallel_loop3A_196 = tpu.vector_load %arg9[%parallel_loop3A_194, %parallel_loop3A_195] {strides = array<i32>} : memref<16x1024xf32, #tpu.memory_space<vmem>>, vector<1x16xf32>,
        %parallel_loop3A_197 = vector.shape_cast %parallel_loop3A_196 : vector<1x16xf32> to vector<16xf32>
        %parallel_loop3A_198 = arith.constant 10 : i32
        %parallel_loop3A_199 = arith.index_cast %parallel_loop3A_198 : i32 to index
        %parallel_loop3A_200 = arith.index_cast %parallel_loop3A_147 : i32 to index
        %parallel_loop3A_201 = tpu.vector_load %arg9[%parallel_loop3A_199, %parallel_loop3A_200] {strides = array<i32>} : memref<16x1024xf32, #tpu.memory_space<vmem>>, vector<1x16xf32>,
        %parallel_loop3A_202 = vector.shape_cast %parallel_loop3A_201 : vector<1x16xf32> to vector<16xf32>
        %parallel_loop3A_203 = arith.constant 11 : i32
        %parallel_loop3A_204 = arith.index_cast %parallel_loop3A_203 : i32 to index
        %parallel_loop3A_205 = arith.index_cast %parallel_loop3A_147 : i32 to index
        %parallel_loop3A_206 = tpu.vector_load %arg9[%parallel_loop3A_204, %parallel_loop3A_205] {strides = array<i32>} : memref<16x1024xf32, #tpu.memory_space<vmem>>, vector<1x16xf32>,
        %parallel_loop3A_207 = vector.shape_cast %parallel_loop3A_206 : vector<1x16xf32> to vector<16xf32>
        %parallel_loop3A_208 = arith.constant 12 : i32
        %parallel_loop3A_209 = arith.index_cast %parallel_loop3A_208 : i32 to index
        %parallel_loop3A_210 = arith.index_cast %parallel_loop3A_147 : i32 to index
        %parallel_loop3A_211 = tpu.vector_load %arg9[%parallel_loop3A_209, %parallel_loop3A_210] {strides = array<i32>} : memref<16x1024xf32, #tpu.memory_space<vmem>>, vector<1x16xf32>,
        %parallel_loop3A_212 = vector.shape_cast %parallel_loop3A_211 : vector<1x16xf32> to vector<16xf32>
        %parallel_loop3A_213 = arith.constant 13 : i32
        %parallel_loop3A_214 = arith.index_cast %parallel_loop3A_213 : i32 to index
        %parallel_loop3A_215 = arith.index_cast %parallel_loop3A_147 : i32 to index
        %parallel_loop3A_216 = tpu.vector_load %arg9[%parallel_loop3A_214, %parallel_loop3A_215] {strides = array<i32>} : memref<16x1024xf32, #tpu.memory_space<vmem>>, vector<1x16xf32>,
        %parallel_loop3A_217 = vector.shape_cast %parallel_loop3A_216 : vector<1x16xf32> to vector<16xf32>
        %parallel_loop3A_218 = arith.constant 14 : i32
        %parallel_loop3A_219 = arith.index_cast %parallel_loop3A_218 : i32 to index
        %parallel_loop3A_220 = arith.index_cast %parallel_loop3A_147 : i32 to index
        %parallel_loop3A_221 = tpu.vector_load %arg9[%parallel_loop3A_219, %parallel_loop3A_220] {strides = array<i32>} : memref<16x1024xf32, #tpu.memory_space<vmem>>, vector<1x16xf32>,
        %parallel_loop3A_222 = vector.shape_cast %parallel_loop3A_221 : vector<1x16xf32> to vector<16xf32>
        %parallel_loop3A_223 = arith.constant 15 : i32
        %parallel_loop3A_224 = arith.index_cast %parallel_loop3A_223 : i32 to index
        %parallel_loop3A_225 = arith.index_cast %parallel_loop3A_147 : i32 to index
        %parallel_loop3A_226 = tpu.vector_load %arg9[%parallel_loop3A_224, %parallel_loop3A_225] {strides = array<i32>} : memref<16x1024xf32, #tpu.memory_space<vmem>>, vector<1x16xf32>,
        %parallel_loop3A_227 = vector.shape_cast %parallel_loop3A_226 : vector<1x16xf32> to vector<16xf32>
        %parallel_loop3A_228 = arith.addf %parallel_loop3A_152, %parallel_loop3A_157 : vector<16xf32>
        %parallel_loop3A_229 = arith.addf %parallel_loop3A_162, %parallel_loop3A_167 : vector<16xf32>
        %parallel_loop3A_230 = arith.addf %parallel_loop3A_172, %parallel_loop3A_177 : vector<16xf32>
        %parallel_loop3A_231 = arith.addf %parallel_loop3A_182, %parallel_loop3A_187 : vector<16xf32>
        %parallel_loop3A_232 = arith.addf %parallel_loop3A_192, %parallel_loop3A_197 : vector<16xf32>
        %parallel_loop3A_233 = arith.addf %parallel_loop3A_202, %parallel_loop3A_207 : vector<16xf32>
        %parallel_loop3A_234 = arith.addf %parallel_loop3A_212, %parallel_loop3A_217 : vector<16xf32>
        %parallel_loop3A_235 = arith.addf %parallel_loop3A_222, %parallel_loop3A_227 : vector<16xf32>
        %parallel_loop3A_236 = arith.addf %parallel_loop3A_228, %parallel_loop3A_229 : vector<16xf32>
        %parallel_loop3A_237 = arith.addf %parallel_loop3A_230, %parallel_loop3A_231 : vector<16xf32>
        %parallel_loop3A_238 = arith.addf %parallel_loop3A_232, %parallel_loop3A_233 : vector<16xf32>
        %parallel_loop3A_239 = arith.addf %parallel_loop3A_234, %parallel_loop3A_235 : vector<16xf32>
        %parallel_loop3A_240 = arith.addf %parallel_loop3A_236, %parallel_loop3A_237 : vector<16xf32>
        %parallel_loop3A_241 = arith.addf %parallel_loop3A_238, %parallel_loop3A_239 : vector<16xf32>
        %parallel_loop3A_242 = arith.addf %parallel_loop3A_240, %parallel_loop3A_241 : vector<16xf32>
        %parallel_loop3A_243 = arith.constant 0 : i32
        %parallel_loop3A_244 = arith.index_cast %parallel_loop3A_243 : i32 to index
        %parallel_loop3A_245 = arith.index_cast %parallel_loop3A_147 : i32 to index
        %parallel_loop3A_246 = tpu.vector_load %arg11[%parallel_loop3A_244, %parallel_loop3A_245] {strides = array<i32>} : memref<1x1024xf32, #tpu.memory_space<vmem>>, vector<1x16xf32>,
        %parallel_loop3A_247 = vector.shape_cast %parallel_loop3A_246 : vector<1x16xf32> to vector<16xf32>
        %parallel_loop3A_248 = vector.shape_cast %parallel_loop3A_242 : vector<16xf32> to vector<1x16xf32>
        tpu.vector_store %arg11[%parallel_loop3A_244, %parallel_loop3A_245], %parallel_loop3A_248 {strides = array<i32>} : memref<1x1024xf32, #tpu.memory_space<vmem>>, vector<1x16xf32>,
      } {sc.loop_unroll_factor = 8 : i64, sc.parallel_access}
      %add3A_142 = arith.addi %mul3A_2, %add3A_121 : i32
      %dma_start3A_143 = arith.constant 0 : i32
      %dma_start3A_144 = tpu.memref_slice %arg4[%add3A_142, %dma_start3A_143] : memref<8192x1024xf32, #tpu.memory_space<hbm>> -> memref<1x1024xf32, #tpu.memory_space<hbm>>
      %dma_start3A_145 = arith.constant 0 : i32
      %dma_start3A_146 = tpu.memref_slice %arg4[%add3A_142, %dma_start3A_145] : memref<8192x1024xf32, #tpu.memory_space<hbm>> -> memref<1x1024xf32, #tpu.memory_space<hbm>>
      tpu.enqueue_dma source(%arg11 : memref<1x1024xf32, #tpu.memory_space<vmem>>) target(%dma_start3A_146 : memref<1x1024xf32, #tpu.memory_space<hbm>>) target_semaphore(%arg17 : memref<!tpu.dma_semaphore, #tpu.memory_space<semaphore_mem>>)
    }
    %scan3A_23 = arith.constant 64 : i32
    %dma_wait3A = arith.constant 0 : i32
    %dma_wait3A_24 = arith.constant 0 : i32
    %dma_wait3A_25 = tpu.memref_slice %arg4[%dma_wait3A, %dma_wait3A_24] : memref<8192x1024xf32, #tpu.memory_space<hbm>> -> memref<1x1024xf32, #tpu.memory_space<hbm>>
    %dma_wait3A_26 = arith.constant 0 : i32
    %dma_wait3A_27 = arith.constant 0 : i32
    %dma_wait3A_28 = tpu.memref_slice %arg4[%dma_wait3A_26, %dma_wait3A_27] : memref<8192x1024xf32, #tpu.memory_space<hbm>> -> memref<1x1024xf32, #tpu.memory_space<hbm>>
    tpu.wait_dma2 semaphore(%arg16 : memref<!tpu.dma_semaphore, #tpu.memory_space<semaphore_mem>>) src(%arg10 : memref<1x1024xf32, #tpu.memory_space<vmem>>) dst(%dma_wait3A_28 : memref<1x1024xf32, #tpu.memory_space<hbm>>)
    %dma_wait3A_29 = arith.constant 0 : i32
    %dma_wait3A_30 = arith.constant 0 : i32
    %dma_wait3A_31 = tpu.memref_slice %arg4[%dma_wait3A_29, %dma_wait3A_30] : memref<8192x1024xf32, #tpu.memory_space<hbm>> -> memref<1x1024xf32, #tpu.memory_space<hbm>>
    %dma_wait3A_32 = arith.constant 0 : i32
    %dma_wait3A_33 = arith.constant 0 : i32
    %dma_wait3A_34 = tpu.memref_slice %arg4[%dma_wait3A_32, %dma_wait3A_33] : memref<8192x1024xf32, #tpu.memory_space<hbm>> -> memref<1x1024xf32, #tpu.memory_space<hbm>>
    tpu.wait_dma2 semaphore(%arg17 : memref<!tpu.dma_semaphore, #tpu.memory_space<semaphore_mem>>) src(%arg11 : memref<1x1024xf32, #tpu.memory_space<vmem>>) dst(%dma_wait3A_34 : memref<1x1024xf32, #tpu.memory_space<hbm>>)
    return
  }
}

module attributes {stable_mosaic.version = 14 : i64} {
  func.func @_idx_body(%arg0: i32, %arg1: memref<1024x1024xf32, #tpu.memory_space<vmem>>, %arg2: memref<1024x256xf32, #tpu.memory_space<vmem>>, %arg3: memref<256x128xf32, #tpu.memory_space<vmem>>, %arg4: memref<1024x128xi32, #tpu.memory_space<vmem>>) attributes {dimension_semantics = [#tpu.dimension_semantics<arbitrary>], iteration_bounds = array<i64: 8>, scalar_prefetch = 0 : i64, scratch_operands = 0 : i64, tpu.core_type = #tpu.core_type<tc>, window_params = [{transform_indices = @transform_0, window_bounds = array<i64: 1024, 1024>}, {pipeline_mode = #tpu.pipeline_mode<synchronous>, transform_indices = @transform_1, window_bounds = array<i64: 1024, 256>}, {pipeline_mode = #tpu.pipeline_mode<synchronous>, transform_indices = @transform_2, window_bounds = array<i64: 256, 128>}, {transform_indices = @transform_3, window_bounds = array<i64: 1024, 128>}]} {
    %get3A = arith.constant 0 : index
    %get3A_0 = arith.constant 0 : index
    %get3A_1 = vector.load %arg1[%get3A, %get3A_0] : memref<1024x1024xf32, #tpu.memory_space<vmem>>, vector<1024x1024xf32>
    %get3A_2 = arith.constant 0 : index
    %get3A_3 = arith.constant 0 : index
    %get3A_4 = vector.load %arg2[%get3A_2, %get3A_3] : memref<1024x256xf32, #tpu.memory_space<vmem>>, vector<1024x256xf32>
    %dot_general3A = arith.constant dense<0.000000e+00> : vector<1024x256xf32>
    %dot_general3A_5 = tpu.matmul %get3A_1, %get3A_4, %dot_general3A {dimension_numbers = #tpu.dot_dimension_numbers<[1], [0], [0], [1], [0, 0, 1, 1], [], []>, precision = #tpu.contract_precision<fp32>, transpose_lhs_hint = false} : vector<1024x1024xf32>, vector<1024x256xf32>, vector<1024x256xf32> -> vector<1024x256xf32>
    %gt3A = arith.constant 0.000000e+00 : f32
    %gt3A_6 = vector.broadcast %gt3A : f32 to vector<1024x256xf32>
    %gt3A_7 = arith.cmpf ogt, %dot_general3A_5, %gt3A_6 : vector<1024x256xf32>
    %convert_element_type3A = arith.extui %gt3A_7 : vector<1024x256xi1> to vector<1024x256xi32>
    %convert_element_type3A_8 = arith.sitofp %convert_element_type3A : vector<1024x256xi32> to vector<1024x256xf32>
    %get3A_9 = arith.constant 0 : index
    %get3A_10 = arith.constant 0 : index
    %get3A_11 = vector.load %arg3[%get3A_9, %get3A_10] : memref<256x128xf32, #tpu.memory_space<vmem>>, vector<256x128xf32>
    %dot_general3A_12 = arith.constant dense<0.000000e+00> : vector<1024x128xf32>
    %dot_general3A_13 = tpu.matmul %convert_element_type3A_8, %get3A_11, %dot_general3A_12 {dimension_numbers = #tpu.dot_dimension_numbers<[1], [0], [0], [1], [0, 0, 1, 1], [], []>, transpose_lhs_hint = false} : vector<1024x256xf32>, vector<256x128xf32>, vector<1024x128xf32> -> vector<1024x128xf32>
    %iota3A = tpu.iota {dimensions = array<i32: 1>} : vector<1024x128xi32>
    %mul3A = arith.constant 1024 : i32
    %mul3A_14 = vector.broadcast %mul3A : i32 to vector<1024x128xi32>
    %mul3A_15 = arith.muli %iota3A, %mul3A_14 : vector<1024x128xi32>
    %convert_element_type3A_16 = arith.fptosi %dot_general3A_13 : vector<1024x128xf32> to vector<1024x128xi32>
    %add3A = arith.addi %convert_element_type3A_16, %mul3A_15 : vector<1024x128xi32>
    %swap3A = arith.constant 0 : index
    %swap3A_17 = arith.constant 0 : index
    %swap3A_18 = vector.load %arg4[%swap3A, %swap3A_17] : memref<1024x128xi32, #tpu.memory_space<vmem>>, vector<1024x128xi32>
    tpu.vector_store %arg4[%swap3A, %swap3A_17], %add3A {strides = array<i32>} : memref<1024x128xi32, #tpu.memory_space<vmem>>, vector<1024x128xi32>,
    return
  }
  func.func @transform_0(%arg0: i32) -> (i32, i32) {
    %c0_i32 = arith.constant 0 : i32
    %c0_i32_0 = arith.constant 0 : i32
    return %arg0, %c0_i32 : i32, i32
  }
  func.func @transform_1(%arg0: i32) -> (i32, i32) {
    %c0_i32 = arith.constant 0 : i32
    %c0_i32_0 = arith.constant 0 : i32
    %c0_i32_1 = arith.constant 0 : i32
    return %c0_i32, %c0_i32_0 : i32, i32
  }
  func.func @transform_2(%arg0: i32) -> (i32, i32) {
    %c0_i32 = arith.constant 0 : i32
    %c0_i32_0 = arith.constant 0 : i32
    %c0_i32_1 = arith.constant 0 : i32
    return %c0_i32, %c0_i32_0 : i32, i32
  }
  func.func @transform_3(%arg0: i32) -> (i32, i32) {
    %c0_i32 = arith.constant 0 : i32
    %c0_i32_0 = arith.constant 0 : i32
    return %arg0, %c0_i32 : i32, i32
  }
}

</mosaic_0001>

<sc_bundles>
// kernel: kernel.4.cloned.1.call-start
scs
__scs_entry_jumppad:
0x0: {  	(pc) =	sbr.rel $0x88, $3  }
0x1: {  	(tag) =	ssettag $0x0;
	lr =	simm.s32 $0x1  }
0x2: {  	[smem:$0x3F9C] =	sst lr;
	_ =	strace $0xD0000000  }
0x3: {  	_ = 	snop  }
0x4: {  	_ = 	snop  }
0x5: {  	_ = 	snop  }
0x6: {  	_ = 	snop  }
0x7: {  	_ = 	snop  }
__scs_overlays_trampoline_lowered:
0x8: {  	[smem:$0x3FAB] =	sst s0  }
0x9: {  	[smem:$0x3FAC] =	sst s1  }
0xa: {  	[smem:$0x3FAD] =	sst s2  }
0xb: {  	[smem:$0x3FAE] =	sst s3  }
0xc: {  	[smem:$0x3FAF] =	sst s4  }
0xd: {  	[smem:$0x3FB0] =	sst s5  }
0xe: {  	[smem:$0x3FB1] =	sst s6  }
0xf: {  	[smem:$0x3FB2] =	sst s7  }
0x10: {  	[smem:$0x3FB3] =	sst s8  }
0x11: {  	[smem:$0x3FB4] =	sst s9;
	s0 =	simm.s32 @!p0 $0x0  }
0x12: {  	s1 =	sld [smem:$0x3F9A];
	s0 =	simm.s32 @p0 $0x1  }
0x13: {  	[smem:$0x3FB5] =	sst s0;
	s0 =	simm.s32 @!p1 $0x0  }
0x14: {  	s2 =	sld [smem:$0x3F99];
	s0 =	simm.s32 @p1 $0x1  }
0x15: {  	[smem:$0x3FB6] =	sst s0;
	s0 =	simm.s32 @!p2 $0x0  }
0x16: {  	s3 =	sld [smem:$0x3FDB];
	s0 =	simm.s32 @p2 $0x1  }
0x17: {  	s4 =	simm.s32 $0x1BF5;
	[smem:$0x3FB8] =	sst s0  }
0x18: {  	s0 =	sld [smem:$0x3F9B];
	_ =	swait.ge [sflag:s4], $0x0  }
0x19: {  	s7 =	sld [smem:$0x3F9C]  }
0x1a: {  	s8 =	sadd.s32 $0xFFFFE003, lr  }
0x1b: {  	s9 =	sadd.s32 $0xFFFFFEF7, lr;
	s5 =	simm.s32 $0xFFFFFFFF;
	p2 =	slt.u32 s8, $0xFFFFF086  }
0x1c: {  	p1 =	slt.u32 s9, $0xF7A;
	s5 =	simm.s32 @!p2 $0x0  }
0x1d: {  	s5 =	simm.s32 @p1 $0x1;
	p0 =	seq.s32 s7, s2  }
0x1e: {  	s7 =	smul.u32 @!p0 $0xF7A, s2;
	p2 =	seq.s32 @!p0 s5, $0x0  }
0x1f: {  	s9 =	smul.u32 $0xF7A, s1;
	s8 =	simm.s32 @!p0 $0x1BF5;
	p2 =	por !p2, p0  }
0x20: {  	[sflag:s8] =	ssyncset.s32 @!p0 $0xFFFFF086;
	s6 =	sadd.s32 @!p0 s3, s7;
	s7 =	simm.s32 @!p0 $0x108  }
0x21: {  	s3 =	sadd.s32 s3, s9;
	s6 =	sadd.s32 @!p0 $0x88, s6;
	s7 =	simm.s32 @p2 $0x1082  }
0x22: {  	[simem:s7], [sflag:s8] =	dma.local @!p0 [hbm:s6], $0xF7A  }
0x23: {  	s9 =	sor.u32 $0xD0000000, s2;
	s6 =	simm.s32 $0x108;
	_ =	swait.ge @!p0 [sflag:s8], $0x0  }
0x24: {  	s3 =	sadd.s32 $0x88, s3;
	s6 =	simm.s32 @!p1 $0x1082;
	[sflag:s4] =	ssyncset.s32 $0xFFFFF086  }
0x25: {  	[simem:s6], [sflag:s4] =	dma.local [hbm:s3], $0xF7A  }
0x26: {  	[smem:$0x3F9C] =	sst s1;
	(tag) =	ssettag s2;
	_ =	strace s9  }
0x27: {  	s1 =	sld [smem:$0x3FAC]  }
0x28: {  	s2 =	sld [smem:$0x3FAD]  }
0x29: {  	s4 =	sld [smem:$0x3FAF]  }
0x2a: {  	p0 =	seq.s32 s5, $0x0;
	s5 =	sld [smem:$0x3FB0]  }
0x2b: {  	s6 =	sld [smem:$0x3FB1]  }
0x2c: {  	s7 =	sld [smem:$0x3FB2]  }
0x2d: {  	s3 =	simm.s32 $0x108;
	s8 =	sld [smem:$0x3FB3]  }
0x2e: {  	s3 =	simm.s32 @!p0 $0x1082;
	s9 =	sld [smem:$0x3FB4]  }
0x2f: {  	lr =	sadd.s32 s0, s3;
	s0 =	sld [smem:$0x3FAB]  }
0x30: {  	s3 =	sld [smem:$0x3FAE]  }
0x31: {  	[smem:$0x3FB7] =	sst s10  }
0x32: {  	s10 =	sld [smem:$0x3FB5];
	_ =	sdelay $0x3  }
0x33: {  	p0 =	seq.s32 s10, $0x1;
	s10 =	sld [smem:$0x3FB7];
	_ =	sdelay $0x3  }
0x34: {  	[smem:$0x3FB7] =	sst s10  }
0x35: {  	s10 =	sld [smem:$0x3FB6];
	_ =	sdelay $0x3  }
0x36: {  	p1 =	seq.s32 s10, $0x1;
	s10 =	sld [smem:$0x3FB7];
	_ =	sdelay $0x3  }
0x37: {  	[smem:$0x3FB7] =	sst s10  }
0x38: {  	s10 =	sld [smem:$0x3FB8]  }
0x39: {  	_ = 	snop;
	(pc) =	sbr.ind lr, $3  }
0x3a: {  	_ = 	snop  }
0x3b: {  	_ = 	snop  }
0x3c: {  	p2 =	seq.s32 s10, $0x1;
	s10 =	sld [smem:$0x3FB7]  }
0x3d: {  	_ =	shalt  }
0x3e: {  	_ =	shalt  }
0x3f: {  	_ =	shalt  }
0x40: {  	_ =	shalt  }
0x41: {  	_ =	shalt  }
0x42: {  	_ =	shalt  }
0x43: {  	_ =	shalt  }
0x44: {  	_ =	shalt  }
0x45: {  	_ =	shalt  }
0x46: {  	_ =	shalt  }
0x47: {  	_ =	shalt  }
0x48: {  	_ =	shalt  }
0x49: {  	_ =	shalt  }
0x4a: {  	_ =	shalt  }
0x4b: {  	_ =	shalt  }
0x4c: {  	_ =	shalt  }
0x4d: {  	_ =	shalt  }
0x4e: {  	_ =	shalt  }
0x4f: {  	_ =	shalt  }
0x50: {  	_ =	shalt  }
0x51: {  	_ =	shalt  }
0x52: {  	_ =	shalt  }
0x53: {  	_ =	shalt  }
0x54: {  	_ =	shalt  }
0x55: {  	_ =	shalt  }
0x56: {  	_ =	shalt  }
0x57: {  	_ =	shalt  }
0x58: {  	_ =	shalt  }
0x59: {  	_ =	shalt  }
0x5a: {  	_ =	shalt  }
0x5b: {  	_ =	shalt  }
0x5c: {  	_ =	shalt  }
0x5d: {  	_ =	shalt  }
0x5e: {  	_ =	shalt  }
0x5f: {  	_ =	shalt  }
0x60: {  	_ =	shalt  }
0x61: {  	_ =	shalt  }
0x62: {  	_ =	shalt  }
0x63: {  	_ =	shalt  }
0x64: {  	_ =	shalt  }
0x65: {  	_ =	shalt  }
0x66: {  	_ =	shalt  }
0x67: {  	_ =	shalt  }
0x68: {  	_ =	shalt  }
0x69: {  	_ =	shalt  }
0x6a: {  	_ =	shalt  }
0x6b: {  	_ =	shalt  }
0x6c: {  	_ =	shalt  }
0x6d: {  	_ =	shalt  }
0x6e: {  	_ =	shalt  }
0x6f: {  	_ =	shalt  }
0x70: {  	_ =	shalt  }
0x71: {  	_ =	shalt  }
0x72: {  	_ =	shalt  }
0x73: {  	_ =	shalt  }
0x74: {  	_ =	shalt  }
0x75: {  	_ =	shalt  }
0x76: {  	_ =	shalt  }
0x77: {  	_ =	shalt  }
0x78: {  	_ =	shalt  }
0x79: {  	_ =	shalt  }
0x7a: {  	_ =	shalt  }
0x7b: {  	_ =	shalt  }
0x7c: {  	_ =	shalt  }
0x7d: {  	_ =	shalt  }
0x7e: {  	_ =	shalt  }
0x7f: {  	_ =	shalt  }
0x80: {  	_ =	shalt  }
0x81: {  	_ =	shalt  }
0x82: {  	_ =	shalt  }
0x83: {  	_ =	shalt  }
0x84: {  	_ =	shalt  }
0x85: {  	_ =	shalt  }
0x86: {  	_ =	shalt  }
0x87: {  	_ =	shalt  }
.Lfunc_end0:
.L_simem_size_0:
called_computation_lowered:
.L_overlay_start_0:
0x88: {  	s2 =	sld [smem:$0x3FD9]  }
0x89: {  	s3 =	sld [smem:$0x3FFE];
	_ =	sdelay $0x1  }
0x8a: {  	s1 =	srdreg.scid  }
0x8b: {  	s0 =	sand.u32 $0x1, s1  }
0x8c: {  	s17 =	sshll.u32 s0, $0xA;
	s2 =	sadd.s32 s3, s2  }
0x8d: {  	s2 =	sadd.s32 s2, s17  }
0x8e: {  	[smem:$0x3FC3] =	sst s2  }
0x8f: {  	_ = 	snop  }
0x90: {  	s2 =	sld [smem:$0x3FC8]  }
0x91: {  	s18 =	sld [smem:$0x3FD0];
	(tm) =	ssettm $0x1  }
0x92: {  	s4 =	sld [smem:$0x3FFB];
	_ =	sdelay $0x3  }
0x93: {  	_ =	strace s4  }
0x94: {  	s4 =	sld [smem:$0x3FFC];
	_ =	sdelay $0x3  }
0x95: {  	_ =	strace s4  }
0x96: {  	s4 =	sld [smem:$0x3FFD];
	_ =	sdelay $0x3  }
0x97: {  	_ =	strace s4  }
0x98: {  	_ =	strace $0x8FFFFFFF  }
0x99: {  	s19 =	sld [smem:$0x3FDB];
	_ =	sdelay $0x1  }
0x9a: {  	s5 =	simm.s32 $_scs_section_size  }
0x9b: {  	s6 =	simm.s32 $_size__tile_overlayer_lowered;
	s7 =	simm.s32 $_tile_overlayer_lowered  }
0x9c: {  	s22 =	simm.s32 $0x1BFF;
	s21 =	sshll.u32 s7, $0x1;
	s4 =	sadd.s32 s5, s19  }
0x9d: {  	s8 =	simm.s32 $0x0;
	s20 =	sshll.u32 s6, $0x1;
	s6 =	sadd.s32 s21, s4  }
0x9e: {  	[timem:s8], [sflag:s22] =	dma.local [hbm:s6], s20  }
0x9f: {  	_ =	swait.ge [sflag:s22], s20  }
0xa0: {  	s5 =	ssub.s32 $0x0, s20;
	[sflag:s22] =	ssyncset.done $0x0  }
0xa1: {  	[sflag:s22] =	ssyncadd.s32 s5;
	_ =	sdelay $0x1  }
0xa2: {  	s23 =	simm.s32 $0x1B8B  }
0xa3: {  	_ =	swait.ge [sflag:s23], $0x1  }
0xa4: {  	[sflag:s23] =	ssyncset.done $0x0  }
0xa5: {  	s25 =	simm.s32 $0x1B8E;
	s24 =	sld [smem:$0x3FFE];
	[sflag:s23] =	ssyncadd.s32 $0xFFFFFFFF  }
0xa6: {  	s26 =	simm.s32 $execute0_lowered;
	[smem:$0x3FD2] =	sst s25  }
0xa7: {  	s6 =	sshll.u32 s26, $0x1;
	_ =	strace $0x80000046;
	[dreg:$0x1] =	wrdreg $0xFFFFFFFF  }
0xa8: {  	s28 =	simm.s32 $_size_execute0_lowered;
	s4 =	sadd.s32 s4, s6;
	[dreg:$0x0] =	wrdreg $0x0  }
0xa9: {  	s6 =	sshll.u32 s28, $0x1;
	[dreg:$0x2] =	wrdreg s4  }
0xaa: {  	[dreg:$0x3] =	wrdreg s6  }
0xab: {  	[dreg:$0x4] =	wrdreg $0xC0  }
0xac: {  	_ =	task [dreg:s8], $0x5FFFF  }
0xad: {  	[dreg:$0x1] =	wrdreg $0xFFFFFFFF  }
0xae: {  	[dreg:$0x0] =	wrdreg $0x60  }
0xaf: {  	[dreg:$0x2] =	wrdreg s2  }
0xb0: {  	[dreg:$0x3] =	wrdreg s24  }
0xb1: {  	[dreg:$0x4] =	wrdreg s18  }
0xb2: {  	[dreg:$0x5] =	wrdreg $0x9  }
0xb3: {  	_ =	task.clear_ibuf [dreg:s8], $0x6FFFF;
	_ =	strace $0x90000046  }
0xb4: {  	s29 =	simm.s32 $0x9;
	_ =	strace $0x80000048  }
0xb5: {  	_ =	swait.ge [sflag:s29], $0x1  }
0xb6: {  	[sflag:s29] =	ssyncadd.s32 $0xFFFFFFFF  }
0xb7: {  	_ =	strace $0x90000048  }
0xb8: {  	_ =	sfence  }
0xb9: {  	s30 =	sld [smem:$0x0];
	_ =	sdelay $0x2  }
0xba: {  	s31 =	sshll.u32 s1, $0xD;
	s1 =	sshrl.u32 s1, $0x2  }
0xbb: {  	s3 =	sand.u32 $0x4000, s31;
	s1 =	sadd.s32 s1, s30  }
0xbc: {  	s0 =	sor.u32 s3, s0;
	s1 =	sshll.u32 s1, $0x11  }
0xbd: {  	s0 =	sor.u32 s1, s0  }
0xbe: {  	s0 =	sadd.s32 $0x8F2B, s0  }
0xbf: {  	[sflag:s0] =	ssyncadd.remote.s32 $0x1  }
0xc0: {  	_ =	sfence.sel $0xFFFF  }
0xc1: {  	[dreg:$0x0] =	wrdreg $0xFFFFFFFF;
	(pc) =	sbr.abs _section_cstart, $3  }
0xc2: {  	[dreg:$0x1] =	wrdreg $0xFFFFFFFF  }
0xc3: {  	_ =	task.clear_ibuf [dreg:s8], $0x2FFFF;
	_ =	strace $0x9FFFFFFF  }
0xc4: {  	(tm) =	ssettm $0x7FFFFFFF  }
0xc5: {  	_ =	shalt  }
tec
execute0_lowered:
.L_overlay_start_1:
0x0: {  	(tag) =	ssettag $0x1  }
0x1: {  	s1 =	rddreg [dreg:$0x0]  }
0x2: {  	s0 =	rddreg [dreg:$0x1];
	s2 =	srdreg.scid  }
0x3: {  	s4 =	stileid.u32;
	s3 =	rddreg [dreg:$0x2]  }
0x4: {  	s15 =	simm.s32 $0x1;
	s18 =	simm.s32 $0xE000;
	s19 =	simm.s32 $0xE800  }
0x5: {  	s20 =	simm.s32 $0xF000;
	s21 =	simm.s32 $0xF800;
	s22 =	simm.s32 $0x10000  }
0x6: {  	s23 =	simm.s32 $0x10800;
	s24 =	simm.s32 $0x80;
	s28 =	simm.s32 $0x2  }
0x7: {  	s29 =	simm.s32 $0x11400;
	s30 =	simm.s32 $0x3;
	s31 =	simm.s32 $0x5  }
0x8: {  	s10 =	simm.s32 $0x0;
	s2 =	sand.u32 $0x1, s2;
	s5 =	sshll.u32 s4, $0x1  }
0x9: {  	s4 =	simm.s32 $0x0;
	s7 =	sadd.s32 $0x200, s1;
	s8 =	sadd.s32 $0x300, s1  }
0xa: {  	s5 =	sor.u32 s2, s5;
	[smem:$0x7FF] =	sst s4;
	s2 =	ssub.s32 $0x2, s2  }
0xb: {  	v2 =	vlaneseq.u32;
	s6 =	sshll.u32 s5, $0x9;
	_ =	strace $0x80000047;
	s25 =	sshrl.u32 s2, $0x1  }
0xc: {  	v0 =	vand.u32 $0x7, v2;
	v1 =	vshrl.u32 v2, $0x3;
	s9 =	sshll.u32 s5, $0xF;
	s0 =	sadd.s32 s6, s0;
	s2 =	ssub.s32 s2, s25  }
0xd: {  	v63 =	vor.u32 $0x8, v2;
	v62 =	vmul.u32 $0x8, v1;
	[tilespmem:$0x1FFD0] =	vst v0;
	s6 =	sadd.s32 $0x100, s1;
	s25 =	simm.s32 $0x400;
	s0 =	sadd.s32 $0x200, s0  }
0xe: {  	[tilespmem:$0x1FFF0] =	vst v63;
	s26 =	smax.u32 s2, $0x1;
	s2 =	simm.s32 $0x4;
	[dreg:$0x4] =	wrdreg s0  }
0xf: {  	vm0 =	vmmov $0xffff;
	[tilespmem:$0x1FFE0] =	vst v62;
	[dreg:$0x5] =	wrdreg s26;
	s26 =	simm.s32 $0x11000;
	s0 =	simm.s32 $0x6  }
.LBB2_1:
0x10: {  	[dreg:$0x6] =	wrdreg s10  }
0x11: {  	s5 =	rddreg [dreg:$0x4];
	s13 =	simm.s32 $0x7  }
0x12: {  	[tilespmem:s4], [sflag:$0x7] =	stream.linear.gather [hbm4b:s5+s4], $0x1000, $0x38;
	[tilespmem:$0x11800] =	vst v63  }
0x13: {  	_ =	swait.ge [sflag:s13], $0x1000  }
0x14: {  	[sflag:s13] =	ssyncset.done $0x0  }
0x15: {  	[sflag:s13] =	ssyncadd.s32 $0xFFFFF000  }
0x16: {  	v3 =	vld [tilespmem:$0x0];
	_ =	sdelay $0x2  }
0x17: {  	v0 =	vld [tilespmem:$0x1FFD0];
	_ =	sdelay $0x1  }
0x18: {  	v1 =	vld [tilespmem:$0x1FFE0];
	v4 =	vshll.u32 v3, $0x3  }
0x19: {  	v3 =	vand.u32 $0x7, v3;
	v4 =	vand.u32 $0xFFFFFFC0, v4  }
0x1a: {  	v3 =	vor.u32 v3, v4  }
0x1b: {  	v4 =	vperm.xlane v3, v0;
	_ =	sdelay $0x1  }
0x1c: {  	v4 =	vadd.s32 v1, v4  }
0x1d: {  	v2 =	vld [tilespmem:$0x1FFF0];
	_ =	sdelay $0x2  }
0x1e: {  	s14 =	simm.s32 $0x1000  }
0x1f: {  	[tilespmem:s14], [sflag:$0x1] =	stream.indirect_vreg.gather [hbm4b:s1+s4], $0x80, v4, vm0, $0xb8;
	[tilespmem:$0x11800] =	vst v63  }
0x20: {  	s16 =	simm.s32 $0x1800;
	v3 =	vperm.xlane v3, v2  }
0x21: {  	[tilespmem:s16], [sflag:$0x1] =	stream.indirect_vreg.gather [hbm4b:s6+s4], $0x80, v4, vm0, $0xb8;
	[tilespmem:$0x11800] =	vst v63  }
0x22: {  	s17 =	simm.s32 $0x2000;
	v3 =	vadd.s32 v1, v3  }
0x23: {  	[tilespmem:s17], [sflag:$0x1] =	stream.indirect_vreg.gather [hbm4b:s7+s4], $0x80, v4, vm0, $0xb8;
	[tilespmem:$0x11800] =	vst v63  }
0x24: {  	s10 =	simm.s32 $0x2800  }
0x25: {  	[tilespmem:s10], [sflag:$0x1] =	stream.indirect_vreg.gather [hbm4b:s8+s4], $0x80, v4, vm0, $0xb8;
	[tilespmem:$0x11800] =	vst v63  }
0x26: {  	s11 =	simm.s32 $0x3000  }
0x27: {  	[tilespmem:s11], [sflag:$0x1] =	stream.indirect_vreg.gather [hbm4b:s1+s4], $0x80, v3, vm0, $0xb8;
	[tilespmem:$0x11800] =	vst v63  }
0x28: {  	s12 =	simm.s32 $0x3800  }
0x29: {  	[tilespmem:s12], [sflag:$0x1] =	stream.indirect_vreg.gather [hbm4b:s6+s4], $0x80, v3, vm0, $0xb8;
	[tilespmem:$0x11800] =	vst v63  }
0x2a: {  	s13 =	simm.s32 $0x4000  }
0x2b: {  	[tilespmem:s13], [sflag:$0x1] =	stream.indirect_vreg.gather [hbm4b:s7+s4], $0x80, v3, vm0, $0xb8;
	[tilespmem:$0x11800] =	vst v63  }
0x2c: {  	s14 =	simm.s32 $0x4800  }
0x2d: {  	[tilespmem:s14], [sflag:$0x1] =	stream.indirect_vreg.gather [hbm4b:s8+s4], $0x80, v3, vm0, $0xb8;
	[tilespmem:$0x11800] =	vst v63  }
0x2e: {  	v3 =	vld [tilespmem:$0x10];
	_ =	sdelay $0x4  }
0x2f: {  	v62 =	vshll.u32 v3, $0x3  }
0x30: {  	v3 =	vand.u32 $0x7, v3;
	v4 =	vand.u32 $0xFFFFFFC0, v62  }
0x31: {  	v3 =	vor.u32 v3, v4  }
0x32: {  	v4 =	vperm.xlane v3, v0;
	_ =	sdelay $0x1  }
0x33: {  	v4 =	vadd.s32 v1, v4;
	_ =	sdelay $0x3  }
0x34: {  	s16 =	simm.s32 $0x5000  }
0x35: {  	[tilespmem:s16], [sflag:$0x2] =	stream.indirect_vreg.gather [hbm4b:s1+s4], $0x80, v4, vm0, $0xb8;
	[tilespmem:$0x11800] =	vst v63  }
0x36: {  	s17 =	simm.s32 $0x5800;
	v3 =	vperm.xlane v3, v2  }
0x37: {  	[tilespmem:s17], [sflag:$0x2] =	stream.indirect_vreg.gather [hbm4b:s6+s4], $0x80, v4, vm0, $0xb8;
	[tilespmem:$0x11800] =	vst v63  }
0x38: {  	s10 =	simm.s32 $0x6000;
	v3 =	vadd.s32 v1, v3  }
0x39: {  	[tilespmem:s10], [sflag:$0x2] =	stream.indirect_vreg.gather [hbm4b:s7+s4], $0x80, v4, vm0, $0xb8;
	[tilespmem:$0x11800] =	vst v63  }
0x3a: {  	s11 =	simm.s32 $0x6800  }
0x3b: {  	[tilespmem:s11], [sflag:$0x2] =	stream.indirect_vreg.gather [hbm4b:s8+s4], $0x80, v4, vm0, $0xb8;
	[tilespmem:$0x11800] =	vst v63  }
0x3c: {  	s12 =	simm.s32 $0x7000  }
0x3d: {  	[tilespmem:s12], [sflag:$0x2] =	stream.indirect_vreg.gather [hbm4b:s1+s4], $0x80, v3, vm0, $0xb8;
	[tilespmem:$0x11800] =	vst v63  }
0x3e: {  	s13 =	simm.s32 $0x7800  }
0x3f: {  	[tilespmem:s13], [sflag:$0x2] =	stream.indirect_vreg.gather [hbm4b:s6+s4], $0x80, v3, vm0, $0xb8;
	[tilespmem:$0x11800] =	vst v63  }
0x40: {  	s14 =	simm.s32 $0x8000  }
0x41: {  	[tilespmem:s14], [sflag:$0x2] =	stream.indirect_vreg.gather [hbm4b:s7+s4], $0x80, v3, vm0, $0xb8;
	[tilespmem:$0x11800] =	vst v63  }
0x42: {  	s16 =	simm.s32 $0x8800  }
0x43: {  	[tilespmem:s16], [sflag:$0x2] =	stream.indirect_vreg.gather [hbm4b:s8+s4], $0x80, v3, vm0, $0xb8;
	[tilespmem:$0x11800] =	vst v63  }
0x44: {  	v3 =	vld [tilespmem:$0x20];
	_ =	sdelay $0x4  }
0x45: {  	v63 =	vshll.u32 v3, $0x3  }
0x46: {  	v3 =	vand.u32 $0x7, v3;
	v4 =	vand.u32 $0xFFFFFFC0, v63  }
0x47: {  	v3 =	vor.u32 v3, v4  }
0x48: {  	v4 =	vperm.xlane v3, v0;
	_ =	sdelay $0x1  }
0x49: {  	v4 =	vadd.s32 v1, v4;
	_ =	sdelay $0x3  }
0x4a: {  	s17 =	simm.s32 $0x9000  }
0x4b: {  	[tilespmem:s17], [sflag:$0x3] =	stream.indirect_vreg.gather [hbm4b:s1+s4], $0x80, v4, vm0, $0xb8;
	[tilespmem:$0x11800] =	vst v63  }
0x4c: {  	s10 =	simm.s32 $0x9800;
	v3 =	vperm.xlane v3, v2  }
0x4d: {  	[tilespmem:s10], [sflag:$0x3] =	stream.indirect_vreg.gather [hbm4b:s6+s4], $0x80, v4, vm0, $0xb8;
	[tilespmem:$0x11800] =	vst v63  }
0x4e: {  	s11 =	simm.s32 $0xA000;
	v3 =	vadd.s32 v1, v3  }
0x4f: {  	[tilespmem:s11], [sflag:$0x3] =	stream.indirect_vreg.gather [hbm4b:s7+s4], $0x80, v4, vm0, $0xb8;
	[tilespmem:$0x11800] =	vst v63  }
0x50: {  	s12 =	simm.s32 $0xA800  }
0x51: {  	[tilespmem:s12], [sflag:$0x3] =	stream.indirect_vreg.gather [hbm4b:s8+s4], $0x80, v4, vm0, $0xb8;
	[tilespmem:$0x11800] =	vst v63  }
0x52: {  	s13 =	simm.s32 $0xB000  }
0x53: {  	[tilespmem:s13], [sflag:$0x3] =	stream.indirect_vreg.gather [hbm4b:s1+s4], $0x80, v3, vm0, $0xb8;
	[tilespmem:$0x11800] =	vst v63  }
0x54: {  	s14 =	simm.s32 $0xB800  }
0x55: {  	[tilespmem:s14], [sflag:$0x3] =	stream.indirect_vreg.gather [hbm4b:s6+s4], $0x80, v3, vm0, $0xb8;
	[tilespmem:$0x11800] =	vst v63  }
0x56: {  	s16 =	simm.s32 $0xC000  }
0x57: {  	[tilespmem:s16], [sflag:$0x3] =	stream.indirect_vreg.gather [hbm4b:s7+s4], $0x80, v3, vm0, $0xb8;
	[tilespmem:$0x11800] =	vst v63  }
0x58: {  	s17 =	simm.s32 $0xC800;
	s13 =	simm.s32 $0x0  }
0x59: {  	[tilespmem:s17], [sflag:$0x3] =	stream.indirect_vreg.gather [hbm4b:s8+s4], $0x80, v3, vm0, $0xb8;
	[tilespmem:$0x11800] =	vst v63  }
.LBB2_2:
0x5a: {  	_ =	swait.ge [sflag:s15], $0x4000;
	s5 =	sshllo.u32 s13, $0x2  }
0x5b: {  	[sflag:s15] =	ssyncset.done $0x0;
	s14 =	sshll.u32 s5, $0x4  }
0x5c: {  	[sflag:s15] =	ssyncadd.s32 $0xFFFFC000;
	s5 =	sand.u32 $0x3FFFFFF0, s14  }
0x5d: {  	v3 =	vld [tilespmem:s5+$0x0];
	_ =	sdelay $0x2  }
0x5e: {  	v0 =	vld [tilespmem:$0x1FFD0];
	_ =	sdelay $0x1  }
0x5f: {  	v4 =	vshll.u32 v3, $0x3  }
0x60: {  	v3 =	vand.u32 $0x7, v3;
	v4 =	vand.u32 $0xFFFFFFC0, v4  }
0x61: {  	v3 =	vor.u32 v3, v4  }
0x62: {  	v4 =	vperm.xlane v3, v0;
	v0 =	vld [tilespmem:$0x1FFE0];
	_ =	sdelay $0x4  }
0x63: {  	v4 =	vadd.s32 v0, v4  }
0x64: {  	v1 =	vld [tilespmem:$0x1FFF0];
	_ =	sdelay $0x2  }
0x65: {  	s16 =	simm.s32 $0xD000  }
0x66: {  	[tilespmem:s16], [sflag:$0x4] =	stream.indirect_vreg.gather [hbm4b:s1+s4], $0x80, v4, vm0, $0xb8;
	[tilespmem:$0x11800] =	vst v63  }
0x67: {  	s17 =	simm.s32 $0xD800;
	v3 =	vperm.xlane v3, v1  }
0x68: {  	[tilespmem:s17], [sflag:$0x4] =	stream.indirect_vreg.gather [hbm4b:s6+s4], $0x80, v4, vm0, $0xb8;
	[tilespmem:$0x11800] =	vst v63  }
0x69: {  	v3 =	vadd.s32 v0, v3  }
0x6a: {  	[tilespmem:s18], [sflag:$0x4] =	stream.indirect_vreg.gather [hbm4b:s7+s4], $0x80, v4, vm0, $0xb8;
	[tilespmem:$0x11800] =	vst v63  }
0x6b: {  	_ = 	snop  }
0x6c: {  	[tilespmem:s19], [sflag:$0x4] =	stream.indirect_vreg.gather [hbm4b:s8+s4], $0x80, v4, vm0, $0xb8;
	[tilespmem:$0x11800] =	vst v63  }
0x6d: {  	_ = 	snop  }
0x6e: {  	[tilespmem:s20], [sflag:$0x4] =	stream.indirect_vreg.gather [hbm4b:s1+s4], $0x80, v3, vm0, $0xb8;
	[tilespmem:$0x11800] =	vst v63  }
0x6f: {  	_ = 	snop  }
0x70: {  	[tilespmem:s21], [sflag:$0x4] =	stream.indirect_vreg.gather [hbm4b:s6+s4], $0x80, v3, vm0, $0xb8;
	[tilespmem:$0x11800] =	vst v63  }
0x71: {  	p0 =	seq.s32 s13, $0x0  }
0x72: {  	[tilespmem:s22], [sflag:$0x4] =	stream.indirect_vreg.gather [hbm4b:s7+s4], $0x80, v3, vm0, $0xb8;
	[tilespmem:$0x11800] =	vst v63  }
0x73: {  	s5 =	simm.s32 @!p0 $0x5  }
0x74: {  	[tilespmem:s23], [sflag:$0x4] =	stream.indirect_vreg.gather [hbm4b:s8+s4], $0x80, v3, vm0, $0xb8;
	[tilespmem:$0x11800] =	vst v63  }
0x75: {  	_ =	swait.ge @!p0 [sflag:s5], $0x400  }
0x76: {  	[sflag:s5] =	ssyncset.done @!p0 $0x0  }
0x77: {  	s11 =	simm.s32 $0x3000;
	[sflag:s5] =	ssyncadd.s32 @!p0 $0xFFFFFC00  }
0x78: {  	v4 =	vld [tilespmem:s11+$0xFFFFE070]  }
0x79: {  	v5 =	vld [tilespmem:s11+$0xFFFFE0F0]  }
0x7a: {  	v6 =	vld [tilespmem:s11+$0xFFFFE170]  }
0x7b: {  	v7 =	vld [tilespmem:s11+$0xFFFFE1F0]  }
0x7c: {  	v8 =	vld [tilespmem:s11+$0xFFFFE270]  }
0x7d: {  	v9 =	vld [tilespmem:s11+$0xFFFFE2F0]  }
0x7e: {  	v10 =	vld [tilespmem:s11+$0xFFFFE370]  }
0x7f: {  	v11 =	vld [tilespmem:s11+$0xFFFFE3F0]  }
0x80: {  	v12 =	vld [tilespmem:s11+$0x70]  }
0x81: {  	v13 =	vld [tilespmem:s11+$0xF0]  }
0x82: {  	v14 =	vld [tilespmem:s11+$0x170]  }
0x83: {  	v15 =	vld [tilespmem:s11+$0x1F0]  }
0x84: {  	v16 =	vld [tilespmem:s11+$0x270]  }
0x85: {  	v17 =	vld [tilespmem:s11+$0x2F0]  }
0x86: {  	v18 =	vld [tilespmem:s11+$0x370]  }
0x87: {  	v19 =	vld [tilespmem:s11+$0x3F0]  }
0x88: {  	v3 =	vld [tilespmem:s11+$0xFFFFE080]  }
0x89: {  	v20 =	vld [tilespmem:s11+$0xFFFFE100]  }
0x8a: {  	v21 =	vld [tilespmem:s11+$0xFFFFE180]  }
0x8b: {  	v22 =	vld [tilespmem:s11+$0xFFFFE200]  }
0x8c: {  	v23 =	vld [tilespmem:s11+$0xFFFFE280]  }
0x8d: {  	v24 =	vld [tilespmem:s11+$0xFFFFE300]  }
0x8e: {  	v25 =	vld [tilespmem:s11+$0xFFFFE380]  }
0x8f: {  	v26 =	vld [tilespmem:s11+$0x0]  }
0x90: {  	v27 =	vld [tilespmem:s11+$0x80]  }
0x91: {  	v28 =	vld [tilespmem:s11+$0x100]  }
0x92: {  	v29 =	vld [tilespmem:s11+$0x180]  }
0x93: {  	v30 =	vld [tilespmem:s11+$0x200]  }
0x94: {  	v31 =	vld [tilespmem:s11+$0x280]  }
0x95: {  	v32 =	vld [tilespmem:s11+$0x300]  }
0x96: {  	v33 =	vld [tilespmem:s11+$0x380]  }
0x97: {  	v34 =	vld [tilespmem:s11+$0xFFFFE010]  }
0x98: {  	v35 =	vld [tilespmem:s11+$0xFFFFE090]  }
0x99: {  	v36 =	vld [tilespmem:s11+$0xFFFFE110]  }
0x9a: {  	v37 =	vld [tilespmem:s11+$0xFFFFE190]  }
0x9b: {  	v38 =	vld [tilespmem:s11+$0xFFFFE210]  }
0x9c: {  	v39 =	vld [tilespmem:s11+$0xFFFFE290]  }
0x9d: {  	v40 =	vld [tilespmem:s11+$0xFFFFE310]  }
0x9e: {  	v41 =	vld [tilespmem:s11+$0xFFFFE390]  }
0x9f: {  	v42 =	vld [tilespmem:s11+$0x10]  }
0xa0: {  	v43 =	vld [tilespmem:s11+$0x90]  }
0xa1: {  	v44 =	vld [tilespmem:s11+$0x110]  }
0xa2: {  	v45 =	vld [tilespmem:s11+$0x190]  }
0xa3: {  	v46 =	vld [tilespmem:s11+$0x210]  }
0xa4: {  	v47 =	vld [tilespmem:s11+$0x290]  }
0xa5: {  	v48 =	vld [tilespmem:s11+$0x310]  }
0xa6: {  	v49 =	vld [tilespmem:s11+$0x390]  }
0xa7: {  	v50 =	vld [tilespmem:s11+$0xFFFFE020]  }
0xa8: {  	v51 =	vld [tilespmem:s11+$0xFFFFE0A0]  }
0xa9: {  	v52 =	vld [tilespmem:s11+$0xFFFFE120]  }
0xaa: {  	v53 =	vld [tilespmem:s11+$0xFFFFE1A0]  }
0xab: {  	v54 =	vld [tilespmem:s11+$0xFFFFE220]  }
0xac: {  	v55 =	vld [tilespmem:s11+$0xFFFFE2A0]  }
0xad: {  	v56 =	vld [tilespmem:s11+$0xFFFFE320]  }
0xae: {  	v57 =	vld [tilespmem:s11+$0xFFFFE3A0]  }
0xaf: {  	v58 =	vld [tilespmem:s11+$0x20]  }
0xb0: {  	v59 =	vld [tilespmem:s11+$0xA0]  }
0xb1: {  	v60 =	vld [tilespmem:s11+$0x120]  }
0xb2: {  	v1 =	vld [tilespmem:s11+$0xFFFFE030]  }
0xb3: {  	v61 =	vld [tilespmem:s11+$0x1A0]  }
0xb4: {  	v62 =	vld [tilespmem:s11+$0x220]  }
0xb5: {  	v63 =	vld [tilespmem:s11+$0x2A0]  }
0xb6: {  	v0 =	vld [tilespmem:s11+$0x320]  }
0xb7: {  	v2 =	vld [tilespmem:s11+$0x3A0];
	[tilespmem:$0x1FF40] =	vst v1  }
0xb8: {  	v1 =	vld [tilespmem:s11+$0xFFFFE0B0];
	_ =	sdelay $0x4  }
0xb9: {  	[tilespmem:$0x1FF50] =	vst v1  }
0xba: {  	v1 =	vld [tilespmem:s11+$0xFFFFE130];
	_ =	sdelay $0x4  }
0xbb: {  	[tilespmem:$0x1FF60] =	vst v1  }
0xbc: {  	v1 =	vld [tilespmem:s11+$0xFFFFE1B0];
	_ =	sdelay $0x4  }
0xbd: {  	[tilespmem:$0x1FF70] =	vst v1  }
0xbe: {  	v1 =	vld [tilespmem:s11+$0xFFFFE230];
	_ =	sdelay $0x4  }
0xbf: {  	[tilespmem:$0x1FF80] =	vst v1  }
0xc0: {  	v1 =	vld [tilespmem:s11+$0xFFFFE2B0];
	_ =	sdelay $0x4  }
0xc1: {  	[tilespmem:$0x1FF90] =	vst v1  }
0xc2: {  	v1 =	vld [tilespmem:s11+$0xFFFFE330];
	_ =	sdelay $0x4  }
0xc3: {  	[tilespmem:$0x1FFA0] =	vst v1  }
0xc4: {  	v1 =	vld [tilespmem:s11+$0xFFFFE3B0]  }
0xc5: {  	v34 =	vadd.f32 v35, v34  }
0xc6: {  	v35 =	vadd.f32 v37, v36;
	v36 =	vadd.f32 v39, v38  }
0xc7: {  	v39 =	vadd.f32 v45, v44;
	v44 =	vadd.f32 v53, v52;
	v53 =	vld [tilespmem:$0x1FF50]  }
0xc8: {  	v45 =	vadd.f32 v55, v54;
	v54 =	vld [tilespmem:$0x1FF60]  }
0xc9: {  	v55 =	vld [tilespmem:$0x1FF70];
	[tilespmem:$0x1FFB0] =	vst v1  }
0xca: {  	v37 =	vadd.f32 v41, v40;
	v1 =	vld [tilespmem:s11+$0x30]  }
0xcb: {  	v40 =	vadd.f32 v47, v46;
	v46 =	vadd.f32 v57, v56;
	v57 =	vld [tilespmem:$0x1FF80]  }
0xcc: {  	v47 =	vadd.f32 v59, v58;
	v58 =	vld [tilespmem:$0x1FF90]  }
0xcd: {  	v59 =	vld [tilespmem:$0x1FFA0]  }
0xce: {  	v41 =	vadd.f32 v49, v48;
	v48 =	vadd.f32 v61, v60;
	v60 =	vld [tilespmem:$0x1FFB0]  }
0xcf: {  	[tilespmem:$0x1FFC0] =	vst v1;
	v1 =	vld [tilespmem:$0x1FF40]  }
0xd0: {  	v4 =	vadd.f32 v5, v4;
	v5 =	vadd.f32 v7, v6;
	v7 =	vld [tilespmem:s11+$0xB0]  }
0xd1: {  	v6 =	vadd.f32 v9, v8;
	v8 =	vadd.f32 v11, v10;
	v9 =	vld [tilespmem:s11+$0x130]  }
0xd2: {  	v10 =	vadd.f32 v13, v12;
	v11 =	vadd.f32 v15, v14;
	v12 =	vld [tilespmem:s11+$0x1B0]  }
0xd3: {  	v13 =	vadd.f32 v17, v16;
	v14 =	vadd.f32 v19, v18;
	v15 =	vld [tilespmem:s11+$0x230]  }
0xd4: {  	v4 =	vadd.f32 v5, v4;
	v5 =	vadd.f32 v8, v6;
	v8 =	vld [tilespmem:s11+$0x2B0]  }
0xd5: {  	v6 =	vadd.f32 v11, v10;
	v10 =	vadd.f32 v14, v13;
	v11 =	vld [tilespmem:s11+$0x330]  }
0xd6: {  	v13 =	vld [tilespmem:s11+$0x3B0]  }
0xd7: {  	v6 =	vadd.f32 v10, v6;
	v10 =	vld [tilespmem:s11+$0xFFFFE040]  }
0xd8: {  	v16 =	vld [tilespmem:s11+$0xFFFFE0C0]  }
0xd9: {  	v18 =	vld [tilespmem:s11+$0xFFFFE140]  }
0xda: {  	v5 =	vadd.f32 v5, v4;
	v4 =	vadd.f32 v21, v20;
	v20 =	vld [tilespmem:s11+$0xFFFFE1C0]  }
0xdb: {  	v29 =	vadd.f32 v29, v28;
	v21 =	vld [tilespmem:s11+$0xFFFFE240]  }
0xdc: {  	v14 =	vadd.f32 v23, v22;
	v17 =	vadd.f32 v6, v5;
	v22 =	vld [tilespmem:s11+$0xFFFFE2C0]  }
0xdd: {  	v5 =	vadd.f32 v25, v24;
	v6 =	vadd.f32 v27, v26;
	v25 =	vld [tilespmem:s11+$0xFFFFE340]  }
0xde: {  	v19 =	vadd.f32 v33, v32;
	v23 =	vadd.f32 v35, v34;
	v28 =	vld [tilespmem:s11+$0xFFFFE3C0]  }
0xdf: {  	v26 =	vadd.f32 v37, v36;
	v6 =	vadd.f32 v29, v6;
	v29 =	vld [tilespmem:s11+$0x40]  }
0xe0: {  	v5 =	vadd.f32 v5, v14;
	v14 =	vadd.f32 v31, v30;
	v30 =	vld [tilespmem:s11+$0xC0]  }
0xe1: {  	v33 =	vld [tilespmem:s11+$0x140]  }
0xe2: {  	v14 =	vadd.f32 v19, v14;
	v19 =	vadd.f32 v26, v23;
	v23 =	vld [tilespmem:s11+$0x1C0]  }
0xe3: {  	v27 =	vld [tilespmem:s11+$0x240]  }
0xe4: {  	v34 =	vld [tilespmem:s11+$0x2C0]  }
0xe5: {  	v38 =	vadd.f32 v43, v42;
	v35 =	vld [tilespmem:s11+$0x340]  }
0xe6: {  	v43 =	vadd.f32 v51, v50;
	v49 =	vadd.f32 v63, v62;
	v36 =	vld [tilespmem:s11+$0x3C0]  }
0xe7: {  	v0 =	vadd.f32 v2, v0;
	v24 =	vadd.f32 v39, v38;
	v39 =	vld [tilespmem:s11+$0xFFFFE050]  }
0xe8: {  	v42 =	vadd.f32 v41, v40;
	v50 =	vadd.f32 v46, v45;
	v2 =	vld [tilespmem:s11+$0xFFFFE0D0]  }
0xe9: {  	v51 =	vadd.f32 v48, v47;
	v0 =	vadd.f32 v0, v49;
	v26 =	vld [tilespmem:s11+$0xFFFFE150]  }
0xea: {  	v24 =	vadd.f32 v42, v24;
	v31 =	vadd.f32 v44, v43;
	v52 =	vld [tilespmem:s11+$0xFFFFE1D0]  }
0xeb: {  	v0 =	vadd.f32 v0, v51;
	v62 =	vld [tilespmem:$0x1FFC0]  }
0xec: {  	v19 =	vadd.f32 v24, v19;
	v24 =	vadd.f32 v50, v31;
	v31 =	vld [tilespmem:s11+$0xFFFFE250]  }
0xed: {  	v40 =	vadd.f32 v58, v57;
	v41 =	vadd.f32 v60, v59;
	v56 =	vld [tilespmem:s11+$0xFFFFE2D0]  }
0xee: {  	v0 =	vadd.f32 v0, v24;
	v32 =	vadd.f32 v55, v54;
	v61 =	vld [tilespmem:s11+$0xFFFFE350]  }
0xef: {  	v63 =	vld [tilespmem:s11+$0xFFFFE3D0];
	v40 =	vadd.f32 v41, v40;
	v1 =	vadd.f32 v53, v1  }
0xf0: {  	v43 =	vld [tilespmem:s11+$0x350];
	v7 =	vadd.f32 v7, v62;
	v9 =	vadd.f32 v12, v9  }
0xf1: {  	v46 =	vld [tilespmem:s11+$0x3D0];
	v8 =	vadd.f32 v8, v15;
	v11 =	vadd.f32 v13, v11  }
0xf2: {  	v49 =	vld [tilespmem:s11+$0xFFFFE060];
	v10 =	vadd.f32 v16, v10;
	v44 =	vadd.f32 v30, v29  }
0xf3: {  	v51 =	vld [tilespmem:s11+$0xFFFFE160];
	v45 =	vadd.f32 v23, v33;
	v47 =	vadd.f32 v34, v27  }
0xf4: {  	v58 =	vld [tilespmem:s11+$0xFFFFE3E0];
	v48 =	vadd.f32 v36, v35;
	v2 =	vadd.f32 v2, v39  }
0xf5: {  	v12 =	vld [tilespmem:s11+$0x50];
	v52 =	vadd.f32 v52, v26;
	v54 =	vadd.f32 v56, v31  }
0xf6: {  	v13 =	vld [tilespmem:s11+$0xD0];
	v55 =	vadd.f32 v63, v61;
	v1 =	vadd.f32 v32, v1  }
0xf7: {  	v41 =	vld [tilespmem:s11+$0x2D0];
	v7 =	vadd.f32 v9, v7;
	v8 =	vadd.f32 v11, v8  }
0xf8: {  	v53 =	vld [tilespmem:s11+$0xFFFFE260];
	v11 =	vadd.f32 v20, v18;
	v1 =	vadd.f32 v40, v1  }
0xf9: {  	v15 =	vld [tilespmem:s11+$0x150];
	v7 =	vadd.f32 v8, v7;
	v8 =	vadd.f32 v22, v21  }
0xfa: {  	v9 =	vld [tilespmem:s11+$0x1D0];
	v10 =	vadd.f32 v11, v10;
	v11 =	vadd.f32 v28, v25  }
0xfb: {  	v57 =	vadd.f32 v46, v43;
	v40 =	vld [tilespmem:s11+$0x250];
	v12 =	vadd.f32 v13, v12  }
0xfc: {  	v13 =	vld [tilespmem:s11+$0xFFFFE360];
	v1 =	vadd.f32 v7, v1;
	v7 =	vadd.f32 v11, v8  }
0xfd: {  	v50 =	vadd.f32 v48, v47;
	v2 =	vadd.f32 v52, v2;
	v8 =	vld [tilespmem:s11+$0xFFFFE0E0]  }
0xfe: {  	v59 =	vadd.f32 v55, v54;
	v7 =	vadd.f32 v7, v10;
	v10 =	vld [tilespmem:s11+$0xFFFFE1E0]  }
0xff: {  	v56 =	vld [tilespmem:s11+$0xFFFFE2E0];
	v11 =	vadd.f32 v45, v44;
	v9 =	vadd.f32 v9, v15  }
0x100: {  	v60 =	vld [tilespmem:s11+$0x60];
	v2 =	vadd.f32 v59, v2;
	v15 =	vadd.f32 v41, v40  }
0x101: {  	v62 =	vld [tilespmem:s11+$0x160];
	v11 =	vadd.f32 v50, v11;
	v9 =	vadd.f32 v9, v12  }
0x102: {  	s10 =	simm.s32 $0x11040;
	v63 =	vld [tilespmem:s11+$0x1E0];
	v12 =	vadd.f32 v57, v15;
	v13 =	vadd.f32 v58, v13  }
0x103: {  	[tilespmem:s10+$0x30] =	vst v17;
	v15 =	vld [tilespmem:s11+$0xE0];
	v61 =	vadd.f32 v8, v49;
	v10 =	vadd.f32 v10, v51  }
0x104: {  	[tilespmem:s10+$0xFFFFFFD0] =	vst v19;
	v8 =	vld [tilespmem:s11+$0x260];
	v9 =	vadd.f32 v12, v9;
	v12 =	vadd.f32 v56, v53  }
0x105: {  	[tilespmem:s10+$0xFFFFFFE0] =	vst v0;
	v0 =	vadd.f32 v11, v7;
	v7 =	vadd.f32 v10, v61;
	v10 =	vld [tilespmem:s11+$0x2E0]  }
0x106: {  	[tilespmem:s10+$0xFFFFFFF0] =	vst v1;
	v1 =	vadd.f32 v9, v2;
	v9 =	vld [tilespmem:s11+$0x360];
	v2 =	vadd.f32 v13, v12  }
0x107: {  	v6 =	vadd.f32 v14, v6;
	v14 =	vadd.f32 v63, v62;
	[tilespmem:s10+$0x0] =	vst v0;
	v12 =	vld [tilespmem:s11+$0x3E0]  }
0x108: {  	s5 =	simm.s32 $0x0;
	v13 =	vld [tilespmem:s11+$0xFFFFE000];
	v11 =	vadd.f32 v15, v60;
	s11 =	simm.s32 $0x3400;
	[tilespmem:s10+$0x10] =	vst v1;
	v7 =	vadd.f32 v2, v7  }
.LBB2_3:
0x109: {  	v0 =	vld [tilespmem:s11+$0xFFFFE070]  }
0x10a: {  	v1 =	vld [tilespmem:s11+$0xFFFFE0F0];
	v2 =	vadd.f32 v10, v8;
	v8 =	vadd.f32 v14, v11  }
0x10b: {  	v10 =	vld [tilespmem:s11+$0xFFFFE170]  }
0x10c: {  	v11 =	vld [tilespmem:s11+$0xFFFFE1F0];
	v9 =	vadd.f32 v12, v9  }
0x10d: {  	v12 =	vld [tilespmem:s11+$0xFFFFE270];
	v3 =	vadd.f32 v3, v13  }
0x10e: {  	v13 =	vld [tilespmem:s11+$0xFFFFE2F0];
	v2 =	vadd.f32 v9, v2  }
0x10f: {  	v9 =	vld [tilespmem:s11+$0xFFFFE370];
	v3 =	vadd.f32 v4, v3  }
0x110: {  	v4 =	vld [tilespmem:s11+$0xFFFFE3F0];
	v2 =	vadd.f32 v2, v8  }
0x111: {  	v8 =	vld [tilespmem:s11+$0x70];
	v3 =	vadd.f32 v5, v3  }
0x112: {  	v5 =	vld [tilespmem:s11+$0xF0];
	v2 =	vadd.f32 v2, v7  }
0x113: {  	v7 =	vld [tilespmem:s11+$0x170];
	v3 =	vadd.f32 v6, v3  }
0x114: {  	v6 =	vld [tilespmem:s11+$0x1F0];
	[tilespmem:s10+$0x20] =	vst v2  }
0x115: {  	v2 =	vld [tilespmem:s11+$0x270];
	[tilespmem:s10+$0xFFFFFFC0] =	vst v3  }
0x116: {  	v14 =	vld [tilespmem:s11+$0x2F0]  }
0x117: {  	v15 =	vld [tilespmem:s11+$0x370]  }
0x118: {  	s5 =	sadd.s32 $0x80, s5;
	v16 =	vld [tilespmem:s11+$0x3F0]  }
0x119: {  	p0 =	slt.u32 s5, $0x380;
	v3 =	vld [tilespmem:s11+$0xFFFFE080]  }
0x11a: {  	v0 =	vadd.f32 v1, v0;
	v1 =	vadd.f32 v11, v10;
	v17 =	vld [tilespmem:s11+$0xFFFFE100]  }
0x11b: {  	v11 =	vadd.f32 v13, v12;
	v4 =	vadd.f32 v4, v9;
	v10 =	vld [tilespmem:s11+$0xFFFFE180]  }
0x11c: {  	v5 =	vadd.f32 v5, v8;
	v6 =	vadd.f32 v6, v7;
	v9 =	vld [tilespmem:s11+$0xFFFFE200]  }
0x11d: {  	v2 =	vadd.f32 v14, v2;
	v7 =	vld [tilespmem:s11+$0xFFFFE280];
	v8 =	vadd.f32 v16, v15  }
0x11e: {  	v0 =	vadd.f32 v1, v0;
	v1 =	vadd.f32 v4, v11;
	v12 =	vld [tilespmem:s11+$0xFFFFE300]  }
0x11f: {  	v5 =	vadd.f32 v6, v5;
	v11 =	vld [tilespmem:s11+$0xFFFFE380];
	v2 =	vadd.f32 v8, v2  }
0x120: {  	v6 =	vld [tilespmem:s11+$0x0];
	v4 =	vadd.f32 v10, v17  }
0x121: {  	v0 =	vadd.f32 v1, v0;
	v8 =	vld [tilespmem:s11+$0x80];
	v1 =	vadd.f32 v2, v5  }
0x122: {  	v2 =	vld [tilespmem:s11+$0x100];
	v5 =	vadd.f32 v7, v9  }
0x123: {  	v7 =	vld [tilespmem:s11+$0x180];
	v0 =	vadd.f32 v1, v0  }
0x124: {  	s10 =	sadd.s32 $0x80, s10;
	v1 =	vld [tilespmem:s11+$0x200];
	v9 =	vadd.f32 v11, v12  }
0x125: {  	v10 =	vld [tilespmem:s11+$0x280];
	[tilespmem:s10+$0x30] =	vst v0  }
0x126: {  	v0 =	vld [tilespmem:s11+$0x300];
	v6 =	vadd.f32 v8, v6;
	v5 =	vadd.f32 v9, v5  }
0x127: {  	v8 =	vld [tilespmem:s11+$0x380]  }
0x128: {  	v2 =	vadd.f32 v7, v2;
	v7 =	vld [tilespmem:s11+$0xFFFFE010]  }
0x129: {  	v9 =	vld [tilespmem:s11+$0xFFFFE090]  }
0x12a: {  	v1 =	vadd.f32 v10, v1;
	v2 =	vadd.f32 v2, v6;
	v10 =	vld [tilespmem:s11+$0xFFFFE110]  }
0x12b: {  	v11 =	vld [tilespmem:s11+$0xFFFFE190]  }
0x12c: {  	v0 =	vadd.f32 v8, v0;
	v8 =	vld [tilespmem:s11+$0xFFFFE210]  }
0x12d: {  	v12 =	vld [tilespmem:s11+$0xFFFFE290]  }
0x12e: {  	v0 =	vadd.f32 v0, v1;
	v1 =	vld [tilespmem:s11+$0xFFFFE310];
	v7 =	vadd.f32 v9, v7  }
0x12f: {  	v9 =	vld [tilespmem:s11+$0xFFFFE390]  }
0x130: {  	v6 =	vadd.f32 v0, v2;
	v0 =	vld [tilespmem:s11+$0x10];
	v2 =	vadd.f32 v11, v10  }
0x131: {  	v10 =	vld [tilespmem:s11+$0x90]  }
0x132: {  	v11 =	vld [tilespmem:s11+$0x110];
	v8 =	vadd.f32 v12, v8;
	v2 =	vadd.f32 v2, v7  }
0x133: {  	v7 =	vld [tilespmem:s11+$0x190]  }
0x134: {  	v12 =	vld [tilespmem:s11+$0x210];
	v1 =	vadd.f32 v9, v1  }
0x135: {  	v9 =	vld [tilespmem:s11+$0x290]  }
0x136: {  	v13 =	vld [tilespmem:s11+$0x310];
	v0 =	vadd.f32 v10, v0;
	v1 =	vadd.f32 v1, v8  }
0x137: {  	v8 =	vld [tilespmem:s11+$0x390]  }
0x138: {  	v7 =	vadd.f32 v7, v11;
	v1 =	vadd.f32 v1, v2;
	v2 =	vld [tilespmem:s11+$0xFFFFE020]  }
0x139: {  	v10 =	vld [tilespmem:s11+$0xFFFFE0A0]  }
0x13a: {  	v9 =	vadd.f32 v9, v12;
	v0 =	vadd.f32 v7, v0;
	v7 =	vld [tilespmem:s11+$0xFFFFE120]  }
0x13b: {  	v11 =	vld [tilespmem:s11+$0xFFFFE1A0]  }
0x13c: {  	v8 =	vadd.f32 v8, v13;
	v12 =	vld [tilespmem:s11+$0xFFFFE220]  }
0x13d: {  	v13 =	vld [tilespmem:s11+$0xFFFFE2A0]  }
0x13e: {  	v8 =	vadd.f32 v8, v9;
	v9 =	vld [tilespmem:s11+$0xFFFFE320];
	v2 =	vadd.f32 v10, v2  }
0x13f: {  	v10 =	vld [tilespmem:s11+$0xFFFFE3A0]  }
0x140: {  	v0 =	vadd.f32 v8, v0;
	v8 =	vld [tilespmem:s11+$0x20];
	v7 =	vadd.f32 v11, v7  }
0x141: {  	v11 =	vld [tilespmem:s11+$0xA0]  }
0x142: {  	v14 =	vld [tilespmem:s11+$0x120];
	v12 =	vadd.f32 v13, v12;
	v2 =	vadd.f32 v7, v2  }
0x143: {  	v0 =	vadd.f32 v0, v1;
	v1 =	vld [tilespmem:s11+$0x1A0]  }
0x144: {  	v7 =	vld [tilespmem:s11+$0x220];
	v9 =	vadd.f32 v10, v9  }
0x145: {  	[tilespmem:s10+$0xFFFFFFD0] =	vst v0;
	v0 =	vld [tilespmem:s11+$0x2A0]  }
0x146: {  	v10 =	vld [tilespmem:s11+$0x320];
	v8 =	vadd.f32 v11, v8;
	v9 =	vadd.f32 v9, v12  }
0x147: {  	v11 =	vld [tilespmem:s11+$0x3A0]  }
0x148: {  	v1 =	vadd.f32 v1, v14;
	v2 =	vadd.f32 v9, v2;
	v9 =	vld [tilespmem:s11+$0xFFFFE030]  }
0x149: {  	v12 =	vld [tilespmem:s11+$0xFFFFE0B0]  }
0x14a: {  	v0 =	vadd.f32 v0, v7;
	v1 =	vadd.f32 v1, v8;
	v7 =	vld [tilespmem:s11+$0xFFFFE130]  }
0x14b: {  	v8 =	vld [tilespmem:s11+$0xFFFFE1B0]  }
0x14c: {  	v10 =	vadd.f32 v11, v10;
	v11 =	vld [tilespmem:s11+$0xFFFFE230]  }
0x14d: {  	v13 =	vld [tilespmem:s11+$0xFFFFE2B0]  }
0x14e: {  	v0 =	vadd.f32 v10, v0;
	v10 =	vld [tilespmem:s11+$0xFFFFE330];
	v9 =	vadd.f32 v12, v9  }
0x14f: {  	v12 =	vld [tilespmem:s11+$0xFFFFE3B0]  }
0x150: {  	v0 =	vadd.f32 v0, v1;
	v1 =	vld [tilespmem:s11+$0x30];
	v7 =	vadd.f32 v8, v7  }
0x151: {  	v8 =	vld [tilespmem:s11+$0xB0]  }
0x152: {  	v14 =	vld [tilespmem:s11+$0x130];
	v11 =	vadd.f32 v13, v11;
	v7 =	vadd.f32 v7, v9  }
0x153: {  	v0 =	vadd.f32 v0, v2;
	v2 =	vld [tilespmem:s11+$0x1B0]  }
0x154: {  	v9 =	vld [tilespmem:s11+$0x230];
	v10 =	vadd.f32 v12, v10  }
0x155: {  	[tilespmem:s10+$0xFFFFFFE0] =	vst v0;
	v0 =	vld [tilespmem:s11+$0x2B0]  }
0x156: {  	v12 =	vld [tilespmem:s11+$0x330];
	v1 =	vadd.f32 v8, v1;
	v8 =	vadd.f32 v10, v11  }
0x157: {  	v10 =	vld [tilespmem:s11+$0x3B0]  }
0x158: {  	v2 =	vadd.f32 v2, v14;
	v7 =	vadd.f32 v8, v7;
	v8 =	vld [tilespmem:s11+$0xFFFFE040]  }
0x159: {  	v11 =	vld [tilespmem:s11+$0xFFFFE0C0]  }
0x15a: {  	v0 =	vadd.f32 v0, v9;
	v1 =	vadd.f32 v2, v1;
	v2 =	vld [tilespmem:s11+$0xFFFFE140]  }
0x15b: {  	v9 =	vld [tilespmem:s11+$0xFFFFE1C0]  }
0x15c: {  	v10 =	vadd.f32 v10, v12;
	v12 =	vld [tilespmem:s11+$0xFFFFE240]  }
0x15d: {  	v13 =	vld [tilespmem:s11+$0xFFFFE2C0]  }
0x15e: {  	v0 =	vadd.f32 v10, v0;
	v10 =	vld [tilespmem:s11+$0xFFFFE340];
	v8 =	vadd.f32 v11, v8  }
0x15f: {  	v11 =	vld [tilespmem:s11+$0xFFFFE3C0]  }
0x160: {  	v0 =	vadd.f32 v0, v1;
	v1 =	vld [tilespmem:s11+$0x40];
	v2 =	vadd.f32 v9, v2  }
0x161: {  	v9 =	vld [tilespmem:s11+$0xC0]  }
0x162: {  	v14 =	vld [tilespmem:s11+$0x140];
	v12 =	vadd.f32 v13, v12;
	v2 =	vadd.f32 v2, v8  }
0x163: {  	v0 =	vadd.f32 v0, v7;
	v7 =	vld [tilespmem:s11+$0x1C0]  }
0x164: {  	v8 =	vld [tilespmem:s11+$0x240];
	v10 =	vadd.f32 v11, v10  }
0x165: {  	[tilespmem:s10+$0xFFFFFFF0] =	vst v0;
	v0 =	vld [tilespmem:s11+$0x2C0]  }
0x166: {  	v11 =	vld [tilespmem:s11+$0x340];
	v1 =	vadd.f32 v9, v1;
	v9 =	vadd.f32 v10, v12  }
0x167: {  	v10 =	vld [tilespmem:s11+$0x3C0]  }
0x168: {  	v7 =	vadd.f32 v7, v14;
	v2 =	vadd.f32 v9, v2;
	v9 =	vld [tilespmem:s11+$0xFFFFE050]  }
0x169: {  	v12 =	vld [tilespmem:s11+$0xFFFFE0D0]  }
0x16a: {  	v0 =	vadd.f32 v0, v8;
	v1 =	vadd.f32 v7, v1;
	v7 =	vld [tilespmem:s11+$0xFFFFE150]  }
0x16b: {  	v8 =	vld [tilespmem:s11+$0xFFFFE1D0]  }
0x16c: {  	v10 =	vadd.f32 v10, v11;
	v11 =	vld [tilespmem:s11+$0xFFFFE250]  }
0x16d: {  	v13 =	vld [tilespmem:s11+$0xFFFFE2D0]  }
0x16e: {  	v0 =	vadd.f32 v10, v0;
	v10 =	vld [tilespmem:s11+$0xFFFFE350];
	v9 =	vadd.f32 v12, v9  }
0x16f: {  	v12 =	vld [tilespmem:s11+$0xFFFFE3D0]  }
0x170: {  	v0 =	vadd.f32 v0, v1;
	v1 =	vld [tilespmem:s11+$0x50];
	v7 =	vadd.f32 v8, v7  }
0x171: {  	v8 =	vld [tilespmem:s11+$0xD0]  }
0x172: {  	v14 =	vld [tilespmem:s11+$0x150];
	v11 =	vadd.f32 v13, v11;
	v7 =	vadd.f32 v7, v9  }
0x173: {  	v0 =	vadd.f32 v0, v2;
	v2 =	vld [tilespmem:s11+$0x1D0]  }
0x174: {  	v9 =	vld [tilespmem:s11+$0x250];
	v10 =	vadd.f32 v12, v10  }
0x175: {  	[tilespmem:s10+$0x0] =	vst v0;
	v0 =	vld [tilespmem:s11+$0x2D0]  }
0x176: {  	v12 =	vld [tilespmem:s11+$0x350];
	v1 =	vadd.f32 v8, v1;
	v8 =	vadd.f32 v10, v11  }
0x177: {  	v10 =	vld [tilespmem:s11+$0x3D0]  }
0x178: {  	v2 =	vadd.f32 v2, v14;
	v7 =	vadd.f32 v8, v7;
	v8 =	vld [tilespmem:s11+$0xFFFFE060]  }
0x179: {  	v11 =	vld [tilespmem:s11+$0xFFFFE0E0]  }
0x17a: {  	v0 =	vadd.f32 v0, v9;
	v1 =	vadd.f32 v2, v1;
	v2 =	vld [tilespmem:s11+$0xFFFFE160]  }
0x17b: {  	v9 =	vld [tilespmem:s11+$0xFFFFE1E0]  }
0x17c: {  	v10 =	vadd.f32 v10, v12;
	v12 =	vld [tilespmem:s11+$0xFFFFE260]  }
0x17d: {  	v13 =	vld [tilespmem:s11+$0xFFFFE2E0]  }
0x17e: {  	v0 =	vadd.f32 v10, v0;
	v10 =	vld [tilespmem:s11+$0xFFFFE360];
	v8 =	vadd.f32 v11, v8  }
0x17f: {  	v11 =	vld [tilespmem:s11+$0xFFFFE3E0]  }
0x180: {  	v0 =	vadd.f32 v0, v1;
	v1 =	vld [tilespmem:s11+$0x60];
	v2 =	vadd.f32 v9, v2  }
0x181: {  	v14 =	vld [tilespmem:s11+$0xE0]  }
0x182: {  	v15 =	vld [tilespmem:s11+$0x160];
	v12 =	vadd.f32 v13, v12;
	v2 =	vadd.f32 v2, v8  }
0x183: {  	v0 =	vadd.f32 v0, v7;
	v7 =	vld [tilespmem:s11+$0x1E0]  }
.Ltmp0:
0x184: {  	v8 =	vld [tilespmem:s11+$0x260];
	v13 =	vadd.f32 v11, v10;
	(pc) =	sbr.rel @p0 .LBB2_3-.Ltmp0, $4  }
0x185: {  	[tilespmem:s10+$0x10] =	vst v0;
	v10 =	vld [tilespmem:s11+$0x2E0]  }
0x186: {  	v9 =	vld [tilespmem:s11+$0x360];
	v11 =	vadd.f32 v14, v1;
	v0 =	vadd.f32 v13, v12  }
0x187: {  	v12 =	vld [tilespmem:s11+$0x3E0]  }
0x188: {  	v13 =	vld [tilespmem:s11+$0xFFFFE000];
	v14 =	vadd.f32 v7, v15;
	v7 =	vadd.f32 v0, v2;
	s11 =	sadd.s32 $0x400, s11  }
0x189: {  	_ =	sdelay $0x2  }
0x18a: {  	v0 =	vadd.f32 v10, v8;
	v1 =	vadd.f32 v12, v9  }
0x18b: {  	v2 =	vadd.f32 v3, v13  }
0x18c: {  	v3 =	vadd.f32 v14, v11;
	v0 =	vadd.f32 v1, v0  }
0x18d: {  	v1 =	vadd.f32 v4, v2  }
0x18e: {  	v0 =	vadd.f32 v0, v3  }
0x18f: {  	v1 =	vadd.f32 v5, v1  }
0x190: {  	s5 =	sshll.u32 s13, $0x9;
	s11 =	sshll.u32 s13, $0x6;
	v0 =	vadd.f32 v0, v7  }
0x191: {  	s5 =	sand.u32 $0x7C00, s5;
	s11 =	sand.u32 $0x40, s11;
	v1 =	vadd.f32 v6, v1  }
0x192: {  	s5 =	sor.u32 s9, s5;
	s12 =	sadd.s32 s3, s11;
	[tilespmem:s10+$0x20] =	vst v0  }
0x193: {  	s17 =	sadd.s32 s5, s12;
	[tilespmem:s10+$0xFFFFFFC0] =	vst v1  }
0x194: {  	[hbm4b:s17+s24] =	stream.strided.scatter [tilespmem:s26], [sflag:$0x5], $0x400, s25, s24, $0x38;
	[tilespmem:$0x11800] =	vst v63  }
0x195: {  	p0 =	seq.s32 s13, $0x3F;
	_ =	swait.ge [sflag:s28], $0x4000  }
0x196: {  	s10 =	sshll.u32 @!p0 s13, $0x6;
	[sflag:s28] =	ssyncset.done $0x0  }
0x197: {  	s10 =	sand.u32 @!p0 $0x3FFFFFC0, s10;
	[sflag:s28] =	ssyncadd.s32 $0xFFFFC000  }
0x198: {  	v0 =	vld @!p0 [tilespmem:s10+$0x40];
	_ =	sdelay $0x4  }
0x199: {  	v1 =	vshll.u32 @!p0 v0, $0x3  }
0x19a: {  	v2 =	vlaneseq.u32 @!p0;
	v0 =	vand.u32 @!p0 $0x7, v0;
	v1 =	vand.u32 @!p0 $0xFFFFFFC0, v1  }
0x19b: {  	v3 =	vshrl.u32 @!p0 v2, $0x3;
	v0 =	vor.u32 @!p0 v0, v1;
	v1 =	vand.u32 @!p0 $0x7, v2  }
0x19c: {  	v3 =	vmul.u32 @!p0 $0x8, v3;
	v1 =	vperm.xlane @!p0 v0, v1;
	_ =	sdelay $0x1  }
0x19d: {  	v1 =	vadd.s32 @!p0 v3, v1;
	_ =	sdelay $0x3  }
0x19e: {  	vm1 =	vmmov @!p0 $0xffff;
	s16 =	simm.s32 @!p0 $0x1000;
	s12 =	simm.s32 @!p0 $0x0  }
0x19f: {  	v2 =	vor.u32 @!p0 $0x8, v2;
	[tilespmem:s16], [sflag:$0x1] =	stream.indirect_vreg.gather @!p0 [hbm4b:s1+s12], $0x80, v1, vm1, $0xb8;
	[tilespmem:$0x11800] =	vst v63  }
0x1a0: {  	v0 =	vperm.xlane @!p0 v0, v2;
	s16 =	simm.s32 @!p0 $0x1800  }
0x1a1: {  	[tilespmem:s16], [sflag:$0x1] =	stream.indirect_vreg.gather @!p0 [hbm4b:s6+s12], $0x80, v1, vm1, $0xb8;
	[tilespmem:$0x11800] =	vst v63  }
0x1a2: {  	v0 =	vadd.s32 @!p0 v3, v0;
	s16 =	simm.s32 @!p0 $0x2000  }
0x1a3: {  	[tilespmem:s16], [sflag:$0x1] =	stream.indirect_vreg.gather @!p0 [hbm4b:s7+s12], $0x80, v1, vm1, $0xb8;
	[tilespmem:$0x11800] =	vst v63  }
0x1a4: {  	s16 =	simm.s32 @!p0 $0x2800  }
0x1a5: {  	[tilespmem:s16], [sflag:$0x1] =	stream.indirect_vreg.gather @!p0 [hbm4b:s8+s12], $0x80, v1, vm1, $0xb8;
	[tilespmem:$0x11800] =	vst v63  }
0x1a6: {  	s16 =	simm.s32 @!p0 $0x3000  }
0x1a7: {  	[tilespmem:s16], [sflag:$0x1] =	stream.indirect_vreg.gather @!p0 [hbm4b:s1+s12], $0x80, v0, vm1, $0xb8;
	[tilespmem:$0x11800] =	vst v63  }
0x1a8: {  	s16 =	simm.s32 @!p0 $0x3800  }
0x1a9: {  	[tilespmem:s16], [sflag:$0x1] =	stream.indirect_vreg.gather @!p0 [hbm4b:s6+s12], $0x80, v0, vm1, $0xb8;
	[tilespmem:$0x11800] =	vst v63  }
0x1aa: {  	p1 =	seq.s32 @!p0 s13, $0x0;
	s16 =	simm.s32 @!p0 $0x4000  }
0x1ab: {  	[tilespmem:s16], [sflag:$0x1] =	stream.indirect_vreg.gather @!p0 [hbm4b:s7+s12], $0x80, v0, vm1, $0xb8;
	[tilespmem:$0x11800] =	vst v63  }
0x1ac: {  	p1 =	por p0, !p1;
	s16 =	simm.s32 @!p0 $0x4800  }
0x1ad: {  	[tilespmem:s16], [sflag:$0x1] =	stream.indirect_vreg.gather @!p0 [hbm4b:s8+s12], $0x80, v0, vm1, $0xb8;
	[tilespmem:$0x11800] =	vst v63  }
0x1ae: {  	_ =	swait.ge @p1 [sflag:s0], $0x400  }
0x1af: {  	[sflag:s0] =	ssyncset.done @p1 $0x0  }
0x1b0: {  	s17 =	simm.s32 $0x7000;
	[sflag:s0] =	ssyncadd.s32 @p1 $0xFFFFFC00  }
0x1b1: {  	v0 =	vld [tilespmem:s17+$0xFFFFE070]  }
0x1b2: {  	v1 =	vld [tilespmem:s17+$0xFFFFE0F0]  }
0x1b3: {  	v2 =	vld [tilespmem:s17+$0xFFFFE170]  }
0x1b4: {  	v4 =	vld [tilespmem:s17+$0xFFFFE1F0]  }
0x1b5: {  	v5 =	vld [tilespmem:s17+$0xFFFFE270]  }
0x1b6: {  	v6 =	vld [tilespmem:s17+$0xFFFFE2F0]  }
0x1b7: {  	v7 =	vld [tilespmem:s17+$0xFFFFE370]  }
0x1b8: {  	v8 =	vld [tilespmem:s17+$0xFFFFE3F0]  }
0x1b9: {  	v9 =	vld [tilespmem:s17+$0x70]  }
0x1ba: {  	v10 =	vld [tilespmem:s17+$0xF0]  }
0x1bb: {  	v11 =	vld [tilespmem:s17+$0x170]  }
0x1bc: {  	v12 =	vld [tilespmem:s17+$0x1F0]  }
0x1bd: {  	v13 =	vld [tilespmem:s17+$0x270]  }
0x1be: {  	v14 =	vld [tilespmem:s17+$0x2F0]  }
0x1bf: {  	v15 =	vld [tilespmem:s17+$0x370]  }
0x1c0: {  	v16 =	vld [tilespmem:s17+$0x3F0]  }
0x1c1: {  	v3 =	vld [tilespmem:s17+$0xFFFFE080]  }
0x1c2: {  	v17 =	vld [tilespmem:s17+$0xFFFFE100]  }
0x1c3: {  	v18 =	vld [tilespmem:s17+$0xFFFFE180]  }
0x1c4: {  	v19 =	vld [tilespmem:s17+$0xFFFFE200]  }
0x1c5: {  	v20 =	vld [tilespmem:s17+$0xFFFFE280]  }
0x1c6: {  	v21 =	vld [tilespmem:s17+$0xFFFFE300]  }
0x1c7: {  	v22 =	vld [tilespmem:s17+$0xFFFFE380]  }
0x1c8: {  	v23 =	vld [tilespmem:s17+$0x0]  }
0x1c9: {  	v24 =	vld [tilespmem:s17+$0x80]  }
0x1ca: {  	v25 =	vld [tilespmem:s17+$0x100]  }
0x1cb: {  	v26 =	vld [tilespmem:s17+$0x180]  }
0x1cc: {  	v27 =	vld [tilespmem:s17+$0x200]  }
0x1cd: {  	v28 =	vld [tilespmem:s17+$0x280]  }
0x1ce: {  	v29 =	vld [tilespmem:s17+$0x300]  }
0x1cf: {  	v30 =	vld [tilespmem:s17+$0x380]  }
0x1d0: {  	v31 =	vld [tilespmem:s17+$0xFFFFE010]  }
0x1d1: {  	v32 =	vld [tilespmem:s17+$0xFFFFE090]  }
0x1d2: {  	v33 =	vld [tilespmem:s17+$0xFFFFE110]  }
0x1d3: {  	v34 =	vld [tilespmem:s17+$0xFFFFE190]  }
0x1d4: {  	v35 =	vld [tilespmem:s17+$0xFFFFE210]  }
0x1d5: {  	v36 =	vld [tilespmem:s17+$0xFFFFE290]  }
0x1d6: {  	v37 =	vld [tilespmem:s17+$0xFFFFE310]  }
0x1d7: {  	v38 =	vld [tilespmem:s17+$0xFFFFE390]  }
0x1d8: {  	v39 =	vld [tilespmem:s17+$0x10]  }
0x1d9: {  	v40 =	vld [tilespmem:s17+$0x90]  }
0x1da: {  	v41 =	vld [tilespmem:s17+$0x110]  }
0x1db: {  	v42 =	vld [tilespmem:s17+$0x190]  }
0x1dc: {  	v43 =	vld [tilespmem:s17+$0x210]  }
0x1dd: {  	v44 =	vld [tilespmem:s17+$0x290]  }
0x1de: {  	v45 =	vld [tilespmem:s17+$0x310]  }
0x1df: {  	v46 =	vld [tilespmem:s17+$0x390]  }
0x1e0: {  	v47 =	vld [tilespmem:s17+$0xFFFFE020]  }
0x1e1: {  	v48 =	vld [tilespmem:s17+$0xFFFFE0A0]  }
0x1e2: {  	v49 =	vld [tilespmem:s17+$0xFFFFE120]  }
0x1e3: {  	v50 =	vld [tilespmem:s17+$0xFFFFE1A0]  }
0x1e4: {  	v51 =	vld [tilespmem:s17+$0xFFFFE220]  }
0x1e5: {  	v52 =	vld [tilespmem:s17+$0xFFFFE2A0]  }
0x1e6: {  	v53 =	vld [tilespmem:s17+$0xFFFFE320]  }
0x1e7: {  	v54 =	vld [tilespmem:s17+$0xFFFFE3A0]  }
0x1e8: {  	v55 =	vld [tilespmem:s17+$0x20]  }
0x1e9: {  	v56 =	vld [tilespmem:s17+$0xA0]  }
0x1ea: {  	v57 =	vld [tilespmem:s17+$0x120]  }
0x1eb: {  	v63 =	vld [tilespmem:s17+$0xFFFFE030]  }
0x1ec: {  	v58 =	vld [tilespmem:s17+$0x1A0]  }
0x1ed: {  	v59 =	vld [tilespmem:s17+$0x220]  }
0x1ee: {  	v60 =	vld [tilespmem:s17+$0x2A0]  }
0x1ef: {  	v61 =	vld [tilespmem:s17+$0x320]  }
0x1f0: {  	v62 =	vld [tilespmem:s17+$0x3A0];
	[tilespmem:$0x1FEB0] =	vst v63  }
0x1f1: {  	v63 =	vld [tilespmem:s17+$0xFFFFE0B0];
	_ =	sdelay $0x4  }
0x1f2: {  	[tilespmem:$0x1FEC0] =	vst v63  }
0x1f3: {  	v63 =	vld [tilespmem:s17+$0xFFFFE130];
	_ =	sdelay $0x4  }
0x1f4: {  	[tilespmem:$0x1FED0] =	vst v63  }
0x1f5: {  	v63 =	vld [tilespmem:s17+$0xFFFFE1B0];
	_ =	sdelay $0x4  }
0x1f6: {  	[tilespmem:$0x1FEE0] =	vst v63  }
0x1f7: {  	v63 =	vld [tilespmem:s17+$0xFFFFE230];
	_ =	sdelay $0x4  }
0x1f8: {  	[tilespmem:$0x1FEF0] =	vst v63  }
0x1f9: {  	v63 =	vld [tilespmem:s17+$0xFFFFE2B0];
	_ =	sdelay $0x4  }
0x1fa: {  	v0 =	vadd.f32 v1, v0;
	v1 =	vadd.f32 v4, v2;
	[tilespmem:$0x1FF00] =	vst v63  }
0x1fb: {  	v4 =	vadd.f32 v6, v5;
	v5 =	vadd.f32 v8, v7;
	v63 =	vld [tilespmem:s17+$0xFFFFE330]  }
0x1fc: {  	v6 =	vadd.f32 v10, v9;
	v8 =	vadd.f32 v12, v11  }
0x1fd: {  	v10 =	vadd.f32 v14, v13;
	v11 =	vadd.f32 v16, v15  }
0x1fe: {  	v0 =	vadd.f32 v1, v0;
	v1 =	vadd.f32 v5, v4  }
0x1ff: {  	v4 =	vadd.f32 v8, v6;
	v5 =	vadd.f32 v11, v10  }
0x200: {  	v40 =	vadd.f32 v40, v39;
	v42 =	vadd.f32 v42, v41;
	[tilespmem:$0x1FF10] =	vst v63  }
0x201: {  	v0 =	vadd.f32 v1, v0;
	v1 =	vadd.f32 v5, v4;
	v63 =	vld [tilespmem:s17+$0xFFFFE3B0]  }
0x202: {  	v44 =	vadd.f32 v44, v43;
	v46 =	vadd.f32 v46, v45  }
0x203: {  	v43 =	vadd.f32 v52, v51;
	v0 =	vadd.f32 v1, v0  }
0x204: {  	v52 =	vld [tilespmem:$0x1FEB0];
	v1 =	vadd.f32 v22, v21;
	v21 =	vadd.f32 v42, v40  }
0x205: {  	v40 =	vadd.f32 v46, v44;
	v44 =	vadd.f32 v54, v53;
	v53 =	vld [tilespmem:$0x1FEC0]  }
0x206: {  	v54 =	vld [tilespmem:$0x1FED0];
	[tilespmem:$0x1FF20] =	vst v63  }
0x207: {  	v63 =	vld [tilespmem:s17+$0x30]  }
0x208: {  	v45 =	vadd.f32 v56, v55;
	v55 =	vld [tilespmem:$0x1FEE0]  }
0x209: {  	v46 =	vadd.f32 v58, v57;
	v57 =	vld [tilespmem:$0x1FEF0]  }
0x20a: {  	v58 =	vld [tilespmem:$0x1FF00]  }
0x20b: {  	v41 =	vadd.f32 v48, v47;
	v47 =	vadd.f32 v60, v59;
	v59 =	vld [tilespmem:$0x1FF10]  }
0x20c: {  	v60 =	vld [tilespmem:$0x1FF20];
	[tilespmem:$0x1FF30] =	vst v63  }
0x20d: {  	v2 =	vld [tilespmem:s17+$0xB0]  }
0x20e: {  	v7 =	vld [tilespmem:s17+$0x130]  }
0x20f: {  	v9 =	vld [tilespmem:s17+$0x1B0]  }
0x210: {  	v12 =	vld [tilespmem:s17+$0x230]  }
0x211: {  	v13 =	vld [tilespmem:s17+$0x2B0]  }
0x212: {  	v8 =	vld [tilespmem:s17+$0x330]  }
0x213: {  	v10 =	vld [tilespmem:s17+$0x3B0]  }
0x214: {  	v11 =	vld [tilespmem:s17+$0xFFFFE040]  }
0x215: {  	v14 =	vld [tilespmem:s17+$0xFFFFE0C0]  }
0x216: {  	v15 =	vld [tilespmem:s17+$0xFFFFE140]  }
0x217: {  	v4 =	vadd.f32 v18, v17;
	v17 =	vld [tilespmem:s17+$0xFFFFE1C0]  }
0x218: {  	v18 =	vld [tilespmem:s17+$0xFFFFE240]  }
0x219: {  	v5 =	vadd.f32 v20, v19;
	v19 =	vld [tilespmem:s17+$0xFFFFE2C0]  }
0x21a: {  	v26 =	vadd.f32 v26, v25;
	v6 =	vadd.f32 v24, v23;
	v22 =	vld [tilespmem:s17+$0xFFFFE340]  }
0x21b: {  	v25 =	vld [tilespmem:s17+$0xFFFFE3C0]  }
0x21c: {  	v6 =	vadd.f32 v26, v6;
	v26 =	vld [tilespmem:s17+$0x40]  }
0x21d: {  	v5 =	vadd.f32 v1, v5;
	v1 =	vadd.f32 v28, v27;
	v27 =	vld [tilespmem:s17+$0xC0]  }
0x21e: {  	v63 =	vadd.f32 v30, v29;
	v30 =	vld [tilespmem:s17+$0x140]  }
0x21f: {  	v32 =	vadd.f32 v32, v31;
	v34 =	vadd.f32 v34, v33;
	v24 =	vld [tilespmem:s17+$0x240]  }
0x220: {  	v36 =	vadd.f32 v36, v35;
	v31 =	vld [tilespmem:s17+$0x2C0]  }
0x221: {  	v38 =	vadd.f32 v38, v37;
	v20 =	vadd.f32 v34, v32;
	v32 =	vld [tilespmem:s17+$0x340]  }
0x222: {  	v48 =	vadd.f32 v62, v61;
	v33 =	vld [tilespmem:s17+$0x3C0]  }
0x223: {  	v23 =	vadd.f32 v38, v36;
	v42 =	vadd.f32 v50, v49;
	v36 =	vld [tilespmem:s17+$0xFFFFE050]  }
0x224: {  	v51 =	vadd.f32 v48, v47;
	v39 =	vld [tilespmem:s17+$0xFFFFE0D0]  }
0x225: {  	v21 =	vadd.f32 v40, v21;
	v28 =	vadd.f32 v42, v41;
	v35 =	vld [tilespmem:s17+$0xFFFFE1D0]  }
0x226: {  	v49 =	vadd.f32 v44, v43;
	v50 =	vadd.f32 v46, v45;
	v37 =	vld [tilespmem:s17+$0xFFFFE250]  }
0x227: {  	v56 =	vld [tilespmem:s17+$0xFFFFE2D0];
	v1 =	vadd.f32 v63, v1;
	v63 =	vadd.f32 v23, v20  }
0x228: {  	v34 =	vadd.f32 v55, v54;
	v40 =	vadd.f32 v58, v57;
	v62 =	vld [tilespmem:$0x1FF30]  }
0x229: {  	v41 =	vadd.f32 v60, v59;
	v61 =	vld [tilespmem:s17+$0xFFFFE350];
	v16 =	vadd.f32 v21, v63  }
0x22a: {  	v43 =	vld [tilespmem:s17+$0x350];
	v21 =	vadd.f32 v49, v28;
	v28 =	vadd.f32 v53, v52  }
0x22b: {  	v29 =	vadd.f32 v51, v50;
	v54 =	vld [tilespmem:s17+$0xFFFFE260]  }
0x22c: {  	v57 =	vld [tilespmem:s17+$0xFFFFE2E0];
	v40 =	vadd.f32 v41, v40;
	v28 =	vadd.f32 v34, v28  }
0x22d: {  	v20 =	vld [tilespmem:s17+$0x1C0];
	v2 =	vadd.f32 v2, v62;
	v7 =	vadd.f32 v9, v7  }
0x22e: {  	v23 =	vld [tilespmem:s17+$0xFFFFE150];
	v12 =	vadd.f32 v13, v12;
	v8 =	vadd.f32 v10, v8  }
0x22f: {  	v46 =	vld [tilespmem:s17+$0x3D0];
	v13 =	vadd.f32 v29, v21;
	v11 =	vadd.f32 v14, v11  }
0x230: {  	v51 =	vld [tilespmem:s17+$0xFFFFE160];
	v44 =	vadd.f32 v27, v26;
	v47 =	vadd.f32 v31, v24  }
0x231: {  	v63 =	vld [tilespmem:s17+$0xFFFFE3D0];
	v48 =	vadd.f32 v33, v32;
	v55 =	vadd.f32 v56, v37  }
0x232: {  	v41 =	vld [tilespmem:s17+$0x150];
	v62 =	vadd.f32 v57, v54;
	v45 =	vadd.f32 v20, v30  }
0x233: {  	v9 =	vld [tilespmem:s17+$0x50];
	v53 =	vadd.f32 v35, v23;
	v40 =	vadd.f32 v40, v28  }
0x234: {  	v10 =	vld [tilespmem:s17+$0xD0];
	v2 =	vadd.f32 v7, v2;
	v7 =	vadd.f32 v8, v12  }
0x235: {  	v14 =	vld [tilespmem:s17+$0x250];
	v12 =	vadd.f32 v17, v15;
	v50 =	vadd.f32 v48, v47  }
0x236: {  	v8 =	vld [tilespmem:s17+$0x1D0];
	v56 =	vadd.f32 v63, v61;
	v2 =	vadd.f32 v7, v2  }
0x237: {  	v15 =	vld [tilespmem:s17+$0x2D0];
	v7 =	vadd.f32 v19, v18;
	v11 =	vadd.f32 v12, v11  }
0x238: {  	v58 =	vld [tilespmem:s17+$0xFFFFE3E0];
	v12 =	vadd.f32 v25, v22;
	v18 =	vadd.f32 v45, v44  }
0x239: {  	v49 =	vld [tilespmem:s17+$0xFFFFE060];
	v9 =	vadd.f32 v10, v9;
	v59 =	vadd.f32 v56, v55  }
0x23a: {  	v10 =	vld [tilespmem:s17+$0xFFFFE360];
	v2 =	vadd.f32 v2, v40;
	v7 =	vadd.f32 v12, v7  }
0x23b: {  	v12 =	vld [tilespmem:s17+$0xFFFFE0E0];
	v18 =	vadd.f32 v50, v18;
	v8 =	vadd.f32 v8, v41  }
0x23c: {  	v52 =	vld [tilespmem:s17+$0xFFFFE1E0];
	v14 =	vadd.f32 v15, v14;
	v15 =	vadd.f32 v46, v43  }
0x23d: {  	v60 =	vld [tilespmem:s17+$0x60];
	v7 =	vadd.f32 v7, v11;
	v11 =	vadd.f32 v39, v36  }
0x23e: {  	v61 =	vld [tilespmem:s17+$0x1E0];
	v8 =	vadd.f32 v8, v9;
	v9 =	vadd.f32 v15, v14  }
0x23f: {  	s12 =	simm.s32 $0x11440;
	v14 =	vld [tilespmem:s17+$0xE0];
	v11 =	vadd.f32 v53, v11;
	v17 =	vadd.f32 v58, v10  }
0x240: {  	[tilespmem:s12+$0x30] =	vst v0;
	v15 =	vld [tilespmem:s17+$0x160];
	v12 =	vadd.f32 v12, v49;
	v0 =	vadd.f32 v9, v8  }
0x241: {  	[tilespmem:s12+$0xFFFFFFD0] =	vst v16;
	v10 =	vld [tilespmem:s17+$0x2E0];
	v9 =	vadd.f32 v52, v51;
	v11 =	vadd.f32 v59, v11  }
0x242: {  	[tilespmem:s12+$0xFFFFFFF0] =	vst v2;
	v7 =	vadd.f32 v18, v7;
	v8 =	vld [tilespmem:s17+$0x260];
	v2 =	vadd.f32 v17, v62  }
0x243: {  	[tilespmem:s12+$0xFFFFFFE0] =	vst v13;
	v63 =	vadd.f32 v9, v12;
	v9 =	vld [tilespmem:s17+$0x360];
	v0 =	vadd.f32 v0, v11  }
0x244: {  	v6 =	vadd.f32 v1, v6;
	[tilespmem:s12+$0x0] =	vst v7;
	v12 =	vld [tilespmem:s17+$0x3E0];
	v11 =	vadd.f32 v14, v60  }
0x245: {  	s16 =	simm.s32 $0x0;
	v13 =	vld [tilespmem:s17+$0xFFFFE000];
	s17 =	simm.s32 $0x7400;
	v14 =	vadd.f32 v61, v15;
	v7 =	vadd.f32 v2, v63;
	[tilespmem:s12+$0x10] =	vst v0  }
.LBB2_5:
0x246: {  	v0 =	vld [tilespmem:s17+$0xFFFFE070]  }
0x247: {  	v1 =	vld [tilespmem:s17+$0xFFFFE0F0];
	v2 =	vadd.f32 v10, v8;
	v8 =	vadd.f32 v14, v11  }
0x248: {  	v10 =	vld [tilespmem:s17+$0xFFFFE170]  }
0x249: {  	v11 =	vld [tilespmem:s17+$0xFFFFE1F0];
	v9 =	vadd.f32 v12, v9  }
0x24a: {  	v12 =	vld [tilespmem:s17+$0xFFFFE270];
	v3 =	vadd.f32 v3, v13  }
0x24b: {  	v13 =	vld [tilespmem:s17+$0xFFFFE2F0];
	v2 =	vadd.f32 v9, v2  }
0x24c: {  	v9 =	vld [tilespmem:s17+$0xFFFFE370];
	v3 =	vadd.f32 v4, v3  }
0x24d: {  	v4 =	vld [tilespmem:s17+$0xFFFFE3F0];
	v2 =	vadd.f32 v2, v8  }
0x24e: {  	v8 =	vld [tilespmem:s17+$0x70];
	v3 =	vadd.f32 v5, v3  }
0x24f: {  	v5 =	vld [tilespmem:s17+$0xF0];
	v2 =	vadd.f32 v2, v7  }
0x250: {  	v7 =	vld [tilespmem:s17+$0x170];
	v3 =	vadd.f32 v6, v3  }
0x251: {  	v6 =	vld [tilespmem:s17+$0x1F0];
	[tilespmem:s12+$0x20] =	vst v2  }
0x252: {  	v2 =	vld [tilespmem:s17+$0x270];
	[tilespmem:s12+$0xFFFFFFC0] =	vst v3  }
0x253: {  	v14 =	vld [tilespmem:s17+$0x2F0]  }
0x254: {  	v15 =	vld [tilespmem:s17+$0x370]  }
0x255: {  	s16 =	sadd.s32 $0x80, s16;
	v16 =	vld [tilespmem:s17+$0x3F0]  }
0x256: {  	p1 =	slt.u32 s16, $0x380;
	v3 =	vld [tilespmem:s17+$0xFFFFE080]  }
0x257: {  	v0 =	vadd.f32 v1, v0;
	v1 =	vadd.f32 v11, v10;
	v17 =	vld [tilespmem:s17+$0xFFFFE100]  }
0x258: {  	v11 =	vadd.f32 v13, v12;
	v4 =	vadd.f32 v4, v9;
	v10 =	vld [tilespmem:s17+$0xFFFFE180]  }
0x259: {  	v5 =	vadd.f32 v5, v8;
	v6 =	vadd.f32 v6, v7;
	v9 =	vld [tilespmem:s17+$0xFFFFE200]  }
0x25a: {  	v2 =	vadd.f32 v14, v2;
	v7 =	vld [tilespmem:s17+$0xFFFFE280];
	v8 =	vadd.f32 v16, v15  }
0x25b: {  	v0 =	vadd.f32 v1, v0;
	v1 =	vadd.f32 v4, v11;
	v12 =	vld [tilespmem:s17+$0xFFFFE300]  }
0x25c: {  	v5 =	vadd.f32 v6, v5;
	v11 =	vld [tilespmem:s17+$0xFFFFE380];
	v2 =	vadd.f32 v8, v2  }
0x25d: {  	v6 =	vld [tilespmem:s17+$0x0];
	v4 =	vadd.f32 v10, v17  }
0x25e: {  	v0 =	vadd.f32 v1, v0;
	v8 =	vld [tilespmem:s17+$0x80];
	v1 =	vadd.f32 v2, v5  }
0x25f: {  	v2 =	vld [tilespmem:s17+$0x100];
	v5 =	vadd.f32 v7, v9  }
0x260: {  	v7 =	vld [tilespmem:s17+$0x180];
	v0 =	vadd.f32 v1, v0  }
0x261: {  	s12 =	sadd.s32 $0x80, s12;
	v1 =	vld [tilespmem:s17+$0x200];
	v9 =	vadd.f32 v11, v12  }
0x262: {  	v10 =	vld [tilespmem:s17+$0x280];
	[tilespmem:s12+$0x30] =	vst v0  }
0x263: {  	v0 =	vld [tilespmem:s17+$0x300];
	v6 =	vadd.f32 v8, v6;
	v5 =	vadd.f32 v9, v5  }
0x264: {  	v8 =	vld [tilespmem:s17+$0x380]  }
0x265: {  	v2 =	vadd.f32 v7, v2;
	v7 =	vld [tilespmem:s17+$0xFFFFE010]  }
0x266: {  	v9 =	vld [tilespmem:s17+$0xFFFFE090]  }
0x267: {  	v1 =	vadd.f32 v10, v1;
	v2 =	vadd.f32 v2, v6;
	v10 =	vld [tilespmem:s17+$0xFFFFE110]  }
0x268: {  	v11 =	vld [tilespmem:s17+$0xFFFFE190]  }
0x269: {  	v0 =	vadd.f32 v8, v0;
	v8 =	vld [tilespmem:s17+$0xFFFFE210]  }
0x26a: {  	v12 =	vld [tilespmem:s17+$0xFFFFE290]  }
0x26b: {  	v0 =	vadd.f32 v0, v1;
	v1 =	vld [tilespmem:s17+$0xFFFFE310];
	v7 =	vadd.f32 v9, v7  }
0x26c: {  	v9 =	vld [tilespmem:s17+$0xFFFFE390]  }
0x26d: {  	v6 =	vadd.f32 v0, v2;
	v0 =	vld [tilespmem:s17+$0x10];
	v2 =	vadd.f32 v11, v10  }
0x26e: {  	v10 =	vld [tilespmem:s17+$0x90]  }
0x26f: {  	v11 =	vld [tilespmem:s17+$0x110];
	v8 =	vadd.f32 v12, v8;
	v2 =	vadd.f32 v2, v7  }
0x270: {  	v7 =	vld [tilespmem:s17+$0x190]  }
0x271: {  	v12 =	vld [tilespmem:s17+$0x210];
	v1 =	vadd.f32 v9, v1  }
0x272: {  	v9 =	vld [tilespmem:s17+$0x290]  }
0x273: {  	v13 =	vld [tilespmem:s17+$0x310];
	v0 =	vadd.f32 v10, v0;
	v1 =	vadd.f32 v1, v8  }
0x274: {  	v8 =	vld [tilespmem:s17+$0x390]  }
0x275: {  	v7 =	vadd.f32 v7, v11;
	v1 =	vadd.f32 v1, v2;
	v2 =	vld [tilespmem:s17+$0xFFFFE020]  }
0x276: {  	v10 =	vld [tilespmem:s17+$0xFFFFE0A0]  }
0x277: {  	v9 =	vadd.f32 v9, v12;
	v0 =	vadd.f32 v7, v0;
	v7 =	vld [tilespmem:s17+$0xFFFFE120]  }
0x278: {  	v11 =	vld [tilespmem:s17+$0xFFFFE1A0]  }
0x279: {  	v8 =	vadd.f32 v8, v13;
	v12 =	vld [tilespmem:s17+$0xFFFFE220]  }
0x27a: {  	v13 =	vld [tilespmem:s17+$0xFFFFE2A0]  }
0x27b: {  	v8 =	vadd.f32 v8, v9;
	v9 =	vld [tilespmem:s17+$0xFFFFE320];
	v2 =	vadd.f32 v10, v2  }
0x27c: {  	v10 =	vld [tilespmem:s17+$0xFFFFE3A0]  }
0x27d: {  	v0 =	vadd.f32 v8, v0;
	v8 =	vld [tilespmem:s17+$0x20];
	v7 =	vadd.f32 v11, v7  }
0x27e: {  	v11 =	vld [tilespmem:s17+$0xA0]  }
0x27f: {  	v14 =	vld [tilespmem:s17+$0x120];
	v12 =	vadd.f32 v13, v12;
	v2 =	vadd.f32 v7, v2  }
0x280: {  	v0 =	vadd.f32 v0, v1;
	v1 =	vld [tilespmem:s17+$0x1A0]  }
0x281: {  	v7 =	vld [tilespmem:s17+$0x220];
	v9 =	vadd.f32 v10, v9  }
0x282: {  	[tilespmem:s12+$0xFFFFFFD0] =	vst v0;
	v0 =	vld [tilespmem:s17+$0x2A0]  }
0x283: {  	v10 =	vld [tilespmem:s17+$0x320];
	v8 =	vadd.f32 v11, v8;
	v9 =	vadd.f32 v9, v12  }
0x284: {  	v11 =	vld [tilespmem:s17+$0x3A0]  }
0x285: {  	v1 =	vadd.f32 v1, v14;
	v2 =	vadd.f32 v9, v2;
	v9 =	vld [tilespmem:s17+$0xFFFFE030]  }
0x286: {  	v12 =	vld [tilespmem:s17+$0xFFFFE0B0]  }
0x287: {  	v0 =	vadd.f32 v0, v7;
	v1 =	vadd.f32 v1, v8;
	v7 =	vld [tilespmem:s17+$0xFFFFE130]  }
0x288: {  	v8 =	vld [tilespmem:s17+$0xFFFFE1B0]  }
0x289: {  	v10 =	vadd.f32 v11, v10;
	v11 =	vld [tilespmem:s17+$0xFFFFE230]  }
0x28a: {  	v13 =	vld [tilespmem:s17+$0xFFFFE2B0]  }
0x28b: {  	v0 =	vadd.f32 v10, v0;
	v10 =	vld [tilespmem:s17+$0xFFFFE330];
	v9 =	vadd.f32 v12, v9  }
0x28c: {  	v12 =	vld [tilespmem:s17+$0xFFFFE3B0]  }
0x28d: {  	v0 =	vadd.f32 v0, v1;
	v1 =	vld [tilespmem:s17+$0x30];
	v7 =	vadd.f32 v8, v7  }
0x28e: {  	v8 =	vld [tilespmem:s17+$0xB0]  }
0x28f: {  	v14 =	vld [tilespmem:s17+$0x130];
	v11 =	vadd.f32 v13, v11;
	v7 =	vadd.f32 v7, v9  }
0x290: {  	v0 =	vadd.f32 v0, v2;
	v2 =	vld [tilespmem:s17+$0x1B0]  }
0x291: {  	v9 =	vld [tilespmem:s17+$0x230];
	v10 =	vadd.f32 v12, v10  }
0x292: {  	[tilespmem:s12+$0xFFFFFFE0] =	vst v0;
	v0 =	vld [tilespmem:s17+$0x2B0]  }
0x293: {  	v12 =	vld [tilespmem:s17+$0x330];
	v1 =	vadd.f32 v8, v1;
	v8 =	vadd.f32 v10, v11  }
0x294: {  	v10 =	vld [tilespmem:s17+$0x3B0]  }
0x295: {  	v2 =	vadd.f32 v2, v14;
	v7 =	vadd.f32 v8, v7;
	v8 =	vld [tilespmem:s17+$0xFFFFE040]  }
0x296: {  	v11 =	vld [tilespmem:s17+$0xFFFFE0C0]  }
0x297: {  	v0 =	vadd.f32 v0, v9;
	v1 =	vadd.f32 v2, v1;
	v2 =	vld [tilespmem:s17+$0xFFFFE140]  }
0x298: {  	v9 =	vld [tilespmem:s17+$0xFFFFE1C0]  }
0x299: {  	v10 =	vadd.f32 v10, v12;
	v12 =	vld [tilespmem:s17+$0xFFFFE240]  }
0x29a: {  	v13 =	vld [tilespmem:s17+$0xFFFFE2C0]  }
0x29b: {  	v0 =	vadd.f32 v10, v0;
	v10 =	vld [tilespmem:s17+$0xFFFFE340];
	v8 =	vadd.f32 v11, v8  }
0x29c: {  	v11 =	vld [tilespmem:s17+$0xFFFFE3C0]  }
0x29d: {  	v0 =	vadd.f32 v0, v1;
	v1 =	vld [tilespmem:s17+$0x40];
	v2 =	vadd.f32 v9, v2  }
0x29e: {  	v9 =	vld [tilespmem:s17+$0xC0]  }
0x29f: {  	v14 =	vld [tilespmem:s17+$0x140];
	v12 =	vadd.f32 v13, v12;
	v2 =	vadd.f32 v2, v8  }
0x2a0: {  	v0 =	vadd.f32 v0, v7;
	v7 =	vld [tilespmem:s17+$0x1C0]  }
0x2a1: {  	v8 =	vld [tilespmem:s17+$0x240];
	v10 =	vadd.f32 v11, v10  }
0x2a2: {  	[tilespmem:s12+$0xFFFFFFF0] =	vst v0;
	v0 =	vld [tilespmem:s17+$0x2C0]  }
0x2a3: {  	v11 =	vld [tilespmem:s17+$0x340];
	v1 =	vadd.f32 v9, v1;
	v9 =	vadd.f32 v10, v12  }
0x2a4: {  	v10 =	vld [tilespmem:s17+$0x3C0]  }
0x2a5: {  	v7 =	vadd.f32 v7, v14;
	v2 =	vadd.f32 v9, v2;
	v9 =	vld [tilespmem:s17+$0xFFFFE050]  }
0x2a6: {  	v12 =	vld [tilespmem:s17+$0xFFFFE0D0]  }
0x2a7: {  	v0 =	vadd.f32 v0, v8;
	v1 =	vadd.f32 v7, v1;
	v7 =	vld [tilespmem:s17+$0xFFFFE150]  }
0x2a8: {  	v8 =	vld [tilespmem:s17+$0xFFFFE1D0]  }
0x2a9: {  	v10 =	vadd.f32 v10, v11;
	v11 =	vld [tilespmem:s17+$0xFFFFE250]  }
0x2aa: {  	v13 =	vld [tilespmem:s17+$0xFFFFE2D0]  }
0x2ab: {  	v0 =	vadd.f32 v10, v0;
	v10 =	vld [tilespmem:s17+$0xFFFFE350];
	v9 =	vadd.f32 v12, v9  }
0x2ac: {  	v12 =	vld [tilespmem:s17+$0xFFFFE3D0]  }
0x2ad: {  	v0 =	vadd.f32 v0, v1;
	v1 =	vld [tilespmem:s17+$0x50];
	v7 =	vadd.f32 v8, v7  }
0x2ae: {  	v8 =	vld [tilespmem:s17+$0xD0]  }
0x2af: {  	v14 =	vld [tilespmem:s17+$0x150];
	v11 =	vadd.f32 v13, v11;
	v7 =	vadd.f32 v7, v9  }
0x2b0: {  	v0 =	vadd.f32 v0, v2;
	v2 =	vld [tilespmem:s17+$0x1D0]  }
0x2b1: {  	v9 =	vld [tilespmem:s17+$0x250];
	v10 =	vadd.f32 v12, v10  }
0x2b2: {  	[tilespmem:s12+$0x0] =	vst v0;
	v0 =	vld [tilespmem:s17+$0x2D0]  }
0x2b3: {  	v12 =	vld [tilespmem:s17+$0x350];
	v1 =	vadd.f32 v8, v1;
	v8 =	vadd.f32 v10, v11  }
0x2b4: {  	v10 =	vld [tilespmem:s17+$0x3D0]  }
0x2b5: {  	v2 =	vadd.f32 v2, v14;
	v7 =	vadd.f32 v8, v7;
	v8 =	vld [tilespmem:s17+$0xFFFFE060]  }
0x2b6: {  	v11 =	vld [tilespmem:s17+$0xFFFFE0E0]  }
0x2b7: {  	v0 =	vadd.f32 v0, v9;
	v1 =	vadd.f32 v2, v1;
	v2 =	vld [tilespmem:s17+$0xFFFFE160]  }
0x2b8: {  	v9 =	vld [tilespmem:s17+$0xFFFFE1E0]  }
0x2b9: {  	v10 =	vadd.f32 v10, v12;
	v12 =	vld [tilespmem:s17+$0xFFFFE260]  }
0x2ba: {  	v13 =	vld [tilespmem:s17+$0xFFFFE2E0]  }
0x2bb: {  	v0 =	vadd.f32 v10, v0;
	v10 =	vld [tilespmem:s17+$0xFFFFE360];
	v8 =	vadd.f32 v11, v8  }
0x2bc: {  	v11 =	vld [tilespmem:s17+$0xFFFFE3E0]  }
0x2bd: {  	v0 =	vadd.f32 v0, v1;
	v1 =	vld [tilespmem:s17+$0x60];
	v2 =	vadd.f32 v9, v2  }
0x2be: {  	v14 =	vld [tilespmem:s17+$0xE0]  }
0x2bf: {  	v15 =	vld [tilespmem:s17+$0x160];
	v12 =	vadd.f32 v13, v12;
	v2 =	vadd.f32 v2, v8  }
0x2c0: {  	v0 =	vadd.f32 v0, v7;
	v7 =	vld [tilespmem:s17+$0x1E0]  }
.Ltmp1:
0x2c1: {  	v8 =	vld [tilespmem:s17+$0x260];
	v13 =	vadd.f32 v11, v10;
	(pc) =	sbr.rel @p1 .LBB2_5-.Ltmp1, $4  }
0x2c2: {  	[tilespmem:s12+$0x10] =	vst v0;
	v10 =	vld [tilespmem:s17+$0x2E0]  }
0x2c3: {  	v9 =	vld [tilespmem:s17+$0x360];
	v11 =	vadd.f32 v14, v1;
	v0 =	vadd.f32 v13, v12  }
0x2c4: {  	v12 =	vld [tilespmem:s17+$0x3E0]  }
0x2c5: {  	v13 =	vld [tilespmem:s17+$0xFFFFE000];
	v14 =	vadd.f32 v7, v15;
	v7 =	vadd.f32 v0, v2;
	s17 =	sadd.s32 $0x400, s17  }
0x2c6: {  	_ =	sdelay $0x2  }
0x2c7: {  	v0 =	vadd.f32 v10, v8;
	v1 =	vadd.f32 v12, v9  }
0x2c8: {  	v2 =	vadd.f32 v3, v13  }
0x2c9: {  	v3 =	vadd.f32 v14, v11;
	v0 =	vadd.f32 v1, v0  }
0x2ca: {  	v1 =	vadd.f32 v4, v2  }
0x2cb: {  	v0 =	vadd.f32 v0, v3  }
0x2cc: {  	v1 =	vadd.f32 v5, v1  }
0x2cd: {  	v0 =	vadd.f32 v0, v7  }
0x2ce: {  	s11 =	sadd.s32 s11, s3;
	v1 =	vadd.f32 v6, v1  }
0x2cf: {  	s11 =	sadd.s32 s5, s11;
	[tilespmem:s12+$0x20] =	vst v0  }
0x2d0: {  	s17 =	sadd.s32 $0x10, s11;
	[tilespmem:s12+$0xFFFFFFC0] =	vst v1  }
0x2d1: {  	[hbm4b:s17+s24] =	stream.strided.scatter [tilespmem:s29], [sflag:$0x6], $0x400, s25, s24, $0x38;
	[tilespmem:$0x11800] =	vst v63  }
0x2d2: {  	_ =	swait.ge [sflag:s30], $0x4000  }
0x2d3: {  	[sflag:s30] =	ssyncset.done $0x0  }
0x2d4: {  	[sflag:s30] =	ssyncadd.s32 $0xFFFFC000  }
0x2d5: {  	v0 =	vld @!p0 [tilespmem:s10+$0x50];
	_ =	sdelay $0x4  }
0x2d6: {  	v1 =	vshll.u32 @!p0 v0, $0x3  }
0x2d7: {  	v2 =	vlaneseq.u32 @!p0;
	v0 =	vand.u32 @!p0 $0x7, v0;
	v1 =	vand.u32 @!p0 $0xFFFFFFC0, v1  }
0x2d8: {  	v3 =	vshrl.u32 @!p0 v2, $0x3;
	v0 =	vor.u32 @!p0 v0, v1;
	v1 =	vand.u32 @!p0 $0x7, v2  }
0x2d9: {  	v3 =	vmul.u32 @!p0 $0x8, v3;
	v1 =	vperm.xlane @!p0 v0, v1;
	_ =	sdelay $0x1  }
0x2da: {  	v1 =	vadd.s32 @!p0 v3, v1;
	_ =	sdelay $0x3  }
0x2db: {  	s16 =	simm.s32 @!p0 $0x5000;
	s12 =	simm.s32 @!p0 $0x0  }
0x2dc: {  	v2 =	vor.u32 @!p0 $0x8, v2;
	[tilespmem:s16], [sflag:$0x2] =	stream.indirect_vreg.gather @!p0 [hbm4b:s1+s12], $0x80, v1, vm1, $0xb8;
	[tilespmem:$0x11800] =	vst v63  }
0x2dd: {  	v0 =	vperm.xlane @!p0 v0, v2;
	s16 =	simm.s32 @!p0 $0x5800  }
0x2de: {  	[tilespmem:s16], [sflag:$0x2] =	stream.indirect_vreg.gather @!p0 [hbm4b:s6+s12], $0x80, v1, vm1, $0xb8;
	[tilespmem:$0x11800] =	vst v63  }
0x2df: {  	v0 =	vadd.s32 @!p0 v3, v0;
	s16 =	simm.s32 @!p0 $0x6000  }
0x2e0: {  	[tilespmem:s16], [sflag:$0x2] =	stream.indirect_vreg.gather @!p0 [hbm4b:s7+s12], $0x80, v1, vm1, $0xb8;
	[tilespmem:$0x11800] =	vst v63  }
0x2e1: {  	s16 =	simm.s32 @!p0 $0x6800  }
0x2e2: {  	[tilespmem:s16], [sflag:$0x2] =	stream.indirect_vreg.gather @!p0 [hbm4b:s8+s12], $0x80, v1, vm1, $0xb8;
	[tilespmem:$0x11800] =	vst v63  }
0x2e3: {  	s16 =	simm.s32 @!p0 $0x7000  }
0x2e4: {  	[tilespmem:s16], [sflag:$0x2] =	stream.indirect_vreg.gather @!p0 [hbm4b:s1+s12], $0x80, v0, vm1, $0xb8;
	[tilespmem:$0x11800] =	vst v63  }
0x2e5: {  	s16 =	simm.s32 @!p0 $0x7800  }
0x2e6: {  	[tilespmem:s16], [sflag:$0x2] =	stream.indirect_vreg.gather @!p0 [hbm4b:s6+s12], $0x80, v0, vm1, $0xb8;
	[tilespmem:$0x11800] =	vst v63  }
0x2e7: {  	s16 =	simm.s32 @!p0 $0x8000  }
0x2e8: {  	[tilespmem:s16], [sflag:$0x2] =	stream.indirect_vreg.gather @!p0 [hbm4b:s7+s12], $0x80, v0, vm1, $0xb8;
	[tilespmem:$0x11800] =	vst v63  }
0x2e9: {  	s16 =	simm.s32 @!p0 $0x8800  }
0x2ea: {  	[tilespmem:s16], [sflag:$0x2] =	stream.indirect_vreg.gather @!p0 [hbm4b:s8+s12], $0x80, v0, vm1, $0xb8;
	[tilespmem:$0x11800] =	vst v63  }
0x2eb: {  	_ =	swait.ge [sflag:s31], $0x400  }
0x2ec: {  	[sflag:s31] =	ssyncset.done $0x0  }
0x2ed: {  	s17 =	simm.s32 $0xB000;
	[sflag:s31] =	ssyncadd.s32 $0xFFFFFC00  }
0x2ee: {  	v0 =	vld [tilespmem:s17+$0xFFFFE070]  }
0x2ef: {  	v1 =	vld [tilespmem:s17+$0xFFFFE0F0]  }
0x2f0: {  	v2 =	vld [tilespmem:s17+$0xFFFFE170]  }
0x2f1: {  	v4 =	vld [tilespmem:s17+$0xFFFFE1F0]  }
0x2f2: {  	v5 =	vld [tilespmem:s17+$0xFFFFE270]  }
0x2f3: {  	v6 =	vld [tilespmem:s17+$0xFFFFE2F0]  }
0x2f4: {  	v7 =	vld [tilespmem:s17+$0xFFFFE370]  }
0x2f5: {  	v8 =	vld [tilespmem:s17+$0xFFFFE3F0]  }
0x2f6: {  	v9 =	vld [tilespmem:s17+$0x70]  }
0x2f7: {  	v10 =	vld [tilespmem:s17+$0xF0]  }
0x2f8: {  	v11 =	vld [tilespmem:s17+$0x170]  }
0x2f9: {  	v12 =	vld [tilespmem:s17+$0x1F0]  }
0x2fa: {  	v13 =	vld [tilespmem:s17+$0x270]  }
0x2fb: {  	v14 =	vld [tilespmem:s17+$0x2F0]  }
0x2fc: {  	v15 =	vld [tilespmem:s17+$0x370]  }
0x2fd: {  	v16 =	vld [tilespmem:s17+$0x3F0]  }
0x2fe: {  	v3 =	vld [tilespmem:s17+$0xFFFFE080]  }
0x2ff: {  	v17 =	vld [tilespmem:s17+$0xFFFFE100]  }
0x300: {  	v18 =	vld [tilespmem:s17+$0xFFFFE180]  }
0x301: {  	v19 =	vld [tilespmem:s17+$0xFFFFE200]  }
0x302: {  	v20 =	vld [tilespmem:s17+$0xFFFFE280]  }
0x303: {  	v21 =	vld [tilespmem:s17+$0xFFFFE300]  }
0x304: {  	v22 =	vld [tilespmem:s17+$0xFFFFE380]  }
0x305: {  	v23 =	vld [tilespmem:s17+$0x0]  }
0x306: {  	v24 =	vld [tilespmem:s17+$0x80]  }
0x307: {  	v25 =	vld [tilespmem:s17+$0x100]  }
0x308: {  	v26 =	vld [tilespmem:s17+$0x180]  }
0x309: {  	v27 =	vld [tilespmem:s17+$0x200]  }
0x30a: {  	v28 =	vld [tilespmem:s17+$0x280]  }
0x30b: {  	v29 =	vld [tilespmem:s17+$0x300]  }
0x30c: {  	v30 =	vld [tilespmem:s17+$0x380]  }
0x30d: {  	v31 =	vld [tilespmem:s17+$0xFFFFE010]  }
0x30e: {  	v32 =	vld [tilespmem:s17+$0xFFFFE090]  }
0x30f: {  	v33 =	vld [tilespmem:s17+$0xFFFFE110]  }
0x310: {  	v34 =	vld [tilespmem:s17+$0xFFFFE190]  }
0x311: {  	v35 =	vld [tilespmem:s17+$0xFFFFE210]  }
0x312: {  	v36 =	vld [tilespmem:s17+$0xFFFFE290]  }
0x313: {  	v37 =	vld [tilespmem:s17+$0xFFFFE310]  }
0x314: {  	v38 =	vld [tilespmem:s17+$0xFFFFE390]  }
0x315: {  	v39 =	vld [tilespmem:s17+$0x10]  }
0x316: {  	v40 =	vld [tilespmem:s17+$0x90]  }
0x317: {  	v41 =	vld [tilespmem:s17+$0x110]  }
0x318: {  	v42 =	vld [tilespmem:s17+$0x190]  }
0x319: {  	v43 =	vld [tilespmem:s17+$0x210]  }
0x31a: {  	v44 =	vld [tilespmem:s17+$0x290]  }
0x31b: {  	v45 =	vld [tilespmem:s17+$0x310]  }
0x31c: {  	v46 =	vld [tilespmem:s17+$0x390]  }
0x31d: {  	v47 =	vld [tilespmem:s17+$0xFFFFE020]  }
0x31e: {  	v48 =	vld [tilespmem:s17+$0xFFFFE0A0]  }
0x31f: {  	v49 =	vld [tilespmem:s17+$0xFFFFE120]  }
0x320: {  	v50 =	vld [tilespmem:s17+$0xFFFFE1A0]  }
0x321: {  	v51 =	vld [tilespmem:s17+$0xFFFFE220]  }
0x322: {  	v52 =	vld [tilespmem:s17+$0xFFFFE2A0]  }
0x323: {  	v53 =	vld [tilespmem:s17+$0xFFFFE320]  }
0x324: {  	v54 =	vld [tilespmem:s17+$0xFFFFE3A0]  }
0x325: {  	v55 =	vld [tilespmem:s17+$0x20]  }
0x326: {  	v56 =	vld [tilespmem:s17+$0xA0]  }
0x327: {  	v57 =	vld [tilespmem:s17+$0x120]  }
0x328: {  	v63 =	vld [tilespmem:s17+$0xFFFFE030]  }
0x329: {  	v58 =	vld [tilespmem:s17+$0x1A0]  }
0x32a: {  	v59 =	vld [tilespmem:s17+$0x220]  }
0x32b: {  	v60 =	vld [tilespmem:s17+$0x2A0]  }
0x32c: {  	v61 =	vld [tilespmem:s17+$0x320]  }
0x32d: {  	v62 =	vld [tilespmem:s17+$0x3A0];
	[tilespmem:$0x1FE20] =	vst v63  }
0x32e: {  	v63 =	vld [tilespmem:s17+$0xFFFFE0B0];
	_ =	sdelay $0x4  }
0x32f: {  	[tilespmem:$0x1FE30] =	vst v63  }
0x330: {  	v63 =	vld [tilespmem:s17+$0xFFFFE130];
	_ =	sdelay $0x4  }
0x331: {  	[tilespmem:$0x1FE40] =	vst v63  }
0x332: {  	v63 =	vld [tilespmem:s17+$0xFFFFE1B0];
	_ =	sdelay $0x4  }
0x333: {  	[tilespmem:$0x1FE50] =	vst v63  }
0x334: {  	v63 =	vld [tilespmem:s17+$0xFFFFE230];
	_ =	sdelay $0x4  }
0x335: {  	[tilespmem:$0x1FE60] =	vst v63  }
0x336: {  	v63 =	vld [tilespmem:s17+$0xFFFFE2B0];
	_ =	sdelay $0x4  }
0x337: {  	v0 =	vadd.f32 v1, v0;
	v1 =	vadd.f32 v4, v2;
	[tilespmem:$0x1FE70] =	vst v63  }
0x338: {  	v4 =	vadd.f32 v6, v5;
	v5 =	vadd.f32 v8, v7;
	v63 =	vld [tilespmem:s17+$0xFFFFE330]  }
0x339: {  	v6 =	vadd.f32 v10, v9;
	v8 =	vadd.f32 v12, v11  }
0x33a: {  	v10 =	vadd.f32 v14, v13;
	v11 =	vadd.f32 v16, v15  }
0x33b: {  	v0 =	vadd.f32 v1, v0;
	v1 =	vadd.f32 v5, v4  }
0x33c: {  	v4 =	vadd.f32 v8, v6;
	v5 =	vadd.f32 v11, v10  }
0x33d: {  	v40 =	vadd.f32 v40, v39;
	v42 =	vadd.f32 v42, v41;
	[tilespmem:$0x1FE80] =	vst v63  }
0x33e: {  	v0 =	vadd.f32 v1, v0;
	v1 =	vadd.f32 v5, v4;
	v63 =	vld [tilespmem:s17+$0xFFFFE3B0]  }
0x33f: {  	v44 =	vadd.f32 v44, v43;
	v46 =	vadd.f32 v46, v45  }
0x340: {  	v43 =	vadd.f32 v52, v51;
	v0 =	vadd.f32 v1, v0  }
0x341: {  	v52 =	vld [tilespmem:$0x1FE20];
	v1 =	vadd.f32 v22, v21;
	v21 =	vadd.f32 v42, v40  }
0x342: {  	v40 =	vadd.f32 v46, v44;
	v44 =	vadd.f32 v54, v53;
	v53 =	vld [tilespmem:$0x1FE30]  }
0x343: {  	v54 =	vld [tilespmem:$0x1FE40];
	[tilespmem:$0x1FE90] =	vst v63  }
0x344: {  	v63 =	vld [tilespmem:s17+$0x30]  }
0x345: {  	v45 =	vadd.f32 v56, v55;
	v55 =	vld [tilespmem:$0x1FE50]  }
0x346: {  	v46 =	vadd.f32 v58, v57;
	v57 =	vld [tilespmem:$0x1FE60]  }
0x347: {  	v58 =	vld [tilespmem:$0x1FE70]  }
0x348: {  	v41 =	vadd.f32 v48, v47;
	v47 =	vadd.f32 v60, v59;
	v59 =	vld [tilespmem:$0x1FE80]  }
0x349: {  	v60 =	vld [tilespmem:$0x1FE90];
	[tilespmem:$0x1FEA0] =	vst v63  }
0x34a: {  	v2 =	vld [tilespmem:s17+$0xB0]  }
0x34b: {  	v7 =	vld [tilespmem:s17+$0x130]  }
0x34c: {  	v9 =	vld [tilespmem:s17+$0x1B0]  }
0x34d: {  	v12 =	vld [tilespmem:s17+$0x230]  }
0x34e: {  	v13 =	vld [tilespmem:s17+$0x2B0]  }
0x34f: {  	v8 =	vld [tilespmem:s17+$0x330]  }
0x350: {  	v10 =	vld [tilespmem:s17+$0x3B0]  }
0x351: {  	v11 =	vld [tilespmem:s17+$0xFFFFE040]  }
0x352: {  	v14 =	vld [tilespmem:s17+$0xFFFFE0C0]  }
0x353: {  	v15 =	vld [tilespmem:s17+$0xFFFFE140]  }
0x354: {  	v4 =	vadd.f32 v18, v17;
	v17 =	vld [tilespmem:s17+$0xFFFFE1C0]  }
0x355: {  	v18 =	vld [tilespmem:s17+$0xFFFFE240]  }
0x356: {  	v5 =	vadd.f32 v20, v19;
	v19 =	vld [tilespmem:s17+$0xFFFFE2C0]  }
0x357: {  	v26 =	vadd.f32 v26, v25;
	v6 =	vadd.f32 v24, v23;
	v22 =	vld [tilespmem:s17+$0xFFFFE340]  }
0x358: {  	v25 =	vld [tilespmem:s17+$0xFFFFE3C0]  }
0x359: {  	v6 =	vadd.f32 v26, v6;
	v26 =	vld [tilespmem:s17+$0x40]  }
0x35a: {  	v5 =	vadd.f32 v1, v5;
	v1 =	vadd.f32 v28, v27;
	v27 =	vld [tilespmem:s17+$0xC0]  }
0x35b: {  	v63 =	vadd.f32 v30, v29;
	v30 =	vld [tilespmem:s17+$0x140]  }
0x35c: {  	v32 =	vadd.f32 v32, v31;
	v34 =	vadd.f32 v34, v33;
	v24 =	vld [tilespmem:s17+$0x240]  }
0x35d: {  	v36 =	vadd.f32 v36, v35;
	v31 =	vld [tilespmem:s17+$0x2C0]  }
0x35e: {  	v38 =	vadd.f32 v38, v37;
	v20 =	vadd.f32 v34, v32;
	v32 =	vld [tilespmem:s17+$0x340]  }
0x35f: {  	v48 =	vadd.f32 v62, v61;
	v33 =	vld [tilespmem:s17+$0x3C0]  }
0x360: {  	v23 =	vadd.f32 v38, v36;
	v42 =	vadd.f32 v50, v49;
	v36 =	vld [tilespmem:s17+$0xFFFFE050]  }
0x361: {  	v51 =	vadd.f32 v48, v47;
	v39 =	vld [tilespmem:s17+$0xFFFFE0D0]  }
0x362: {  	v21 =	vadd.f32 v40, v21;
	v28 =	vadd.f32 v42, v41;
	v35 =	vld [tilespmem:s17+$0xFFFFE1D0]  }
0x363: {  	v49 =	vadd.f32 v44, v43;
	v50 =	vadd.f32 v46, v45;
	v37 =	vld [tilespmem:s17+$0xFFFFE250]  }
0x364: {  	v56 =	vld [tilespmem:s17+$0xFFFFE2D0];
	v1 =	vadd.f32 v63, v1;
	v63 =	vadd.f32 v23, v20  }
0x365: {  	v34 =	vadd.f32 v55, v54;
	v40 =	vadd.f32 v58, v57;
	v62 =	vld [tilespmem:$0x1FEA0]  }
0x366: {  	v41 =	vadd.f32 v60, v59;
	v61 =	vld [tilespmem:s17+$0xFFFFE350];
	v16 =	vadd.f32 v21, v63  }
0x367: {  	v43 =	vld [tilespmem:s17+$0x350];
	v21 =	vadd.f32 v49, v28;
	v28 =	vadd.f32 v53, v52  }
0x368: {  	v29 =	vadd.f32 v51, v50;
	v54 =	vld [tilespmem:s17+$0xFFFFE260]  }
0x369: {  	v57 =	vld [tilespmem:s17+$0xFFFFE2E0];
	v40 =	vadd.f32 v41, v40;
	v28 =	vadd.f32 v34, v28  }
0x36a: {  	v20 =	vld [tilespmem:s17+$0x1C0];
	v2 =	vadd.f32 v2, v62;
	v7 =	vadd.f32 v9, v7  }
0x36b: {  	v23 =	vld [tilespmem:s17+$0xFFFFE150];
	v12 =	vadd.f32 v13, v12;
	v8 =	vadd.f32 v10, v8  }
0x36c: {  	v46 =	vld [tilespmem:s17+$0x3D0];
	v13 =	vadd.f32 v29, v21;
	v11 =	vadd.f32 v14, v11  }
0x36d: {  	v51 =	vld [tilespmem:s17+$0xFFFFE160];
	v44 =	vadd.f32 v27, v26;
	v47 =	vadd.f32 v31, v24  }
0x36e: {  	v63 =	vld [tilespmem:s17+$0xFFFFE3D0];
	v48 =	vadd.f32 v33, v32;
	v55 =	vadd.f32 v56, v37  }
0x36f: {  	v41 =	vld [tilespmem:s17+$0x150];
	v62 =	vadd.f32 v57, v54;
	v45 =	vadd.f32 v20, v30  }
0x370: {  	v9 =	vld [tilespmem:s17+$0x50];
	v53 =	vadd.f32 v35, v23;
	v40 =	vadd.f32 v40, v28  }
0x371: {  	v10 =	vld [tilespmem:s17+$0xD0];
	v2 =	vadd.f32 v7, v2;
	v7 =	vadd.f32 v8, v12  }
0x372: {  	v14 =	vld [tilespmem:s17+$0x250];
	v12 =	vadd.f32 v17, v15;
	v50 =	vadd.f32 v48, v47  }
0x373: {  	v8 =	vld [tilespmem:s17+$0x1D0];
	v56 =	vadd.f32 v63, v61;
	v2 =	vadd.f32 v7, v2  }
0x374: {  	v15 =	vld [tilespmem:s17+$0x2D0];
	v7 =	vadd.f32 v19, v18;
	v11 =	vadd.f32 v12, v11  }
0x375: {  	v58 =	vld [tilespmem:s17+$0xFFFFE3E0];
	v12 =	vadd.f32 v25, v22;
	v18 =	vadd.f32 v45, v44  }
0x376: {  	v49 =	vld [tilespmem:s17+$0xFFFFE060];
	v9 =	vadd.f32 v10, v9;
	v59 =	vadd.f32 v56, v55  }
0x377: {  	v10 =	vld [tilespmem:s17+$0xFFFFE360];
	v2 =	vadd.f32 v2, v40;
	v7 =	vadd.f32 v12, v7  }
0x378: {  	v12 =	vld [tilespmem:s17+$0xFFFFE0E0];
	v18 =	vadd.f32 v50, v18;
	v8 =	vadd.f32 v8, v41  }
0x379: {  	v52 =	vld [tilespmem:s17+$0xFFFFE1E0];
	v14 =	vadd.f32 v15, v14;
	v15 =	vadd.f32 v46, v43  }
0x37a: {  	v60 =	vld [tilespmem:s17+$0x60];
	v7 =	vadd.f32 v7, v11;
	v11 =	vadd.f32 v39, v36  }
0x37b: {  	v61 =	vld [tilespmem:s17+$0x1E0];
	v8 =	vadd.f32 v8, v9;
	v9 =	vadd.f32 v15, v14  }
0x37c: {  	s12 =	simm.s32 $0x11040;
	v14 =	vld [tilespmem:s17+$0xE0];
	v11 =	vadd.f32 v53, v11;
	v17 =	vadd.f32 v58, v10  }
0x37d: {  	[tilespmem:s12+$0x30] =	vst v0;
	v15 =	vld [tilespmem:s17+$0x160];
	v12 =	vadd.f32 v12, v49;
	v0 =	vadd.f32 v9, v8  }
0x37e: {  	[tilespmem:s12+$0xFFFFFFD0] =	vst v16;
	v10 =	vld [tilespmem:s17+$0x2E0];
	v9 =	vadd.f32 v52, v51;
	v11 =	vadd.f32 v59, v11  }
0x37f: {  	[tilespmem:s12+$0xFFFFFFF0] =	vst v2;
	v7 =	vadd.f32 v18, v7;
	v8 =	vld [tilespmem:s17+$0x260];
	v2 =	vadd.f32 v17, v62  }
0x380: {  	[tilespmem:s12+$0xFFFFFFE0] =	vst v13;
	v63 =	vadd.f32 v9, v12;
	v9 =	vld [tilespmem:s17+$0x360];
	v0 =	vadd.f32 v0, v11  }
0x381: {  	v6 =	vadd.f32 v1, v6;
	[tilespmem:s12+$0x0] =	vst v7;
	v12 =	vld [tilespmem:s17+$0x3E0];
	v11 =	vadd.f32 v14, v60  }
0x382: {  	s16 =	simm.s32 $0x0;
	v13 =	vld [tilespmem:s17+$0xFFFFE000];
	s17 =	simm.s32 $0xB400;
	v14 =	vadd.f32 v61, v15;
	v7 =	vadd.f32 v2, v63;
	[tilespmem:s12+$0x10] =	vst v0  }
.LBB2_7:
0x383: {  	v0 =	vld [tilespmem:s17+$0xFFFFE070]  }
0x384: {  	v1 =	vld [tilespmem:s17+$0xFFFFE0F0];
	v2 =	vadd.f32 v10, v8;
	v8 =	vadd.f32 v14, v11  }
0x385: {  	v10 =	vld [tilespmem:s17+$0xFFFFE170]  }
0x386: {  	v11 =	vld [tilespmem:s17+$0xFFFFE1F0];
	v9 =	vadd.f32 v12, v9  }
0x387: {  	v12 =	vld [tilespmem:s17+$0xFFFFE270];
	v3 =	vadd.f32 v3, v13  }
0x388: {  	v13 =	vld [tilespmem:s17+$0xFFFFE2F0];
	v2 =	vadd.f32 v9, v2  }
0x389: {  	v9 =	vld [tilespmem:s17+$0xFFFFE370];
	v3 =	vadd.f32 v4, v3  }
0x38a: {  	v4 =	vld [tilespmem:s17+$0xFFFFE3F0];
	v2 =	vadd.f32 v2, v8  }
0x38b: {  	v8 =	vld [tilespmem:s17+$0x70];
	v3 =	vadd.f32 v5, v3  }
0x38c: {  	v5 =	vld [tilespmem:s17+$0xF0];
	v2 =	vadd.f32 v2, v7  }
0x38d: {  	v7 =	vld [tilespmem:s17+$0x170];
	v3 =	vadd.f32 v6, v3  }
0x38e: {  	v6 =	vld [tilespmem:s17+$0x1F0];
	[tilespmem:s12+$0x20] =	vst v2  }
0x38f: {  	v2 =	vld [tilespmem:s17+$0x270];
	[tilespmem:s12+$0xFFFFFFC0] =	vst v3  }
0x390: {  	v14 =	vld [tilespmem:s17+$0x2F0]  }
0x391: {  	v15 =	vld [tilespmem:s17+$0x370]  }
0x392: {  	s16 =	sadd.s32 $0x80, s16;
	v16 =	vld [tilespmem:s17+$0x3F0]  }
0x393: {  	p1 =	slt.u32 s16, $0x380;
	v3 =	vld [tilespmem:s17+$0xFFFFE080]  }
0x394: {  	v0 =	vadd.f32 v1, v0;
	v1 =	vadd.f32 v11, v10;
	v17 =	vld [tilespmem:s17+$0xFFFFE100]  }
0x395: {  	v11 =	vadd.f32 v13, v12;
	v4 =	vadd.f32 v4, v9;
	v10 =	vld [tilespmem:s17+$0xFFFFE180]  }
0x396: {  	v5 =	vadd.f32 v5, v8;
	v6 =	vadd.f32 v6, v7;
	v9 =	vld [tilespmem:s17+$0xFFFFE200]  }
0x397: {  	v2 =	vadd.f32 v14, v2;
	v7 =	vld [tilespmem:s17+$0xFFFFE280];
	v8 =	vadd.f32 v16, v15  }
0x398: {  	v0 =	vadd.f32 v1, v0;
	v1 =	vadd.f32 v4, v11;
	v12 =	vld [tilespmem:s17+$0xFFFFE300]  }
0x399: {  	v5 =	vadd.f32 v6, v5;
	v11 =	vld [tilespmem:s17+$0xFFFFE380];
	v2 =	vadd.f32 v8, v2  }
0x39a: {  	v6 =	vld [tilespmem:s17+$0x0];
	v4 =	vadd.f32 v10, v17  }
0x39b: {  	v0 =	vadd.f32 v1, v0;
	v8 =	vld [tilespmem:s17+$0x80];
	v1 =	vadd.f32 v2, v5  }
0x39c: {  	v2 =	vld [tilespmem:s17+$0x100];
	v5 =	vadd.f32 v7, v9  }
0x39d: {  	v7 =	vld [tilespmem:s17+$0x180];
	v0 =	vadd.f32 v1, v0  }
0x39e: {  	s12 =	sadd.s32 $0x80, s12;
	v1 =	vld [tilespmem:s17+$0x200];
	v9 =	vadd.f32 v11, v12  }
0x39f: {  	v10 =	vld [tilespmem:s17+$0x280];
	[tilespmem:s12+$0x30] =	vst v0  }
0x3a0: {  	v0 =	vld [tilespmem:s17+$0x300];
	v6 =	vadd.f32 v8, v6;
	v5 =	vadd.f32 v9, v5  }
0x3a1: {  	v8 =	vld [tilespmem:s17+$0x380]  }
0x3a2: {  	v2 =	vadd.f32 v7, v2;
	v7 =	vld [tilespmem:s17+$0xFFFFE010]  }
0x3a3: {  	v9 =	vld [tilespmem:s17+$0xFFFFE090]  }
0x3a4: {  	v1 =	vadd.f32 v10, v1;
	v2 =	vadd.f32 v2, v6;
	v10 =	vld [tilespmem:s17+$0xFFFFE110]  }
0x3a5: {  	v11 =	vld [tilespmem:s17+$0xFFFFE190]  }
0x3a6: {  	v0 =	vadd.f32 v8, v0;
	v8 =	vld [tilespmem:s17+$0xFFFFE210]  }
0x3a7: {  	v12 =	vld [tilespmem:s17+$0xFFFFE290]  }
0x3a8: {  	v0 =	vadd.f32 v0, v1;
	v1 =	vld [tilespmem:s17+$0xFFFFE310];
	v7 =	vadd.f32 v9, v7  }
0x3a9: {  	v9 =	vld [tilespmem:s17+$0xFFFFE390]  }
0x3aa: {  	v6 =	vadd.f32 v0, v2;
	v0 =	vld [tilespmem:s17+$0x10];
	v2 =	vadd.f32 v11, v10  }
0x3ab: {  	v10 =	vld [tilespmem:s17+$0x90]  }
0x3ac: {  	v11 =	vld [tilespmem:s17+$0x110];
	v8 =	vadd.f32 v12, v8;
	v2 =	vadd.f32 v2, v7  }
0x3ad: {  	v7 =	vld [tilespmem:s17+$0x190]  }
0x3ae: {  	v12 =	vld [tilespmem:s17+$0x210];
	v1 =	vadd.f32 v9, v1  }
0x3af: {  	v9 =	vld [tilespmem:s17+$0x290]  }
0x3b0: {  	v13 =	vld [tilespmem:s17+$0x310];
	v0 =	vadd.f32 v10, v0;
	v1 =	vadd.f32 v1, v8  }
0x3b1: {  	v8 =	vld [tilespmem:s17+$0x390]  }
0x3b2: {  	v7 =	vadd.f32 v7, v11;
	v1 =	vadd.f32 v1, v2;
	v2 =	vld [tilespmem:s17+$0xFFFFE020]  }
0x3b3: {  	v10 =	vld [tilespmem:s17+$0xFFFFE0A0]  }
0x3b4: {  	v9 =	vadd.f32 v9, v12;
	v0 =	vadd.f32 v7, v0;
	v7 =	vld [tilespmem:s17+$0xFFFFE120]  }
0x3b5: {  	v11 =	vld [tilespmem:s17+$0xFFFFE1A0]  }
0x3b6: {  	v8 =	vadd.f32 v8, v13;
	v12 =	vld [tilespmem:s17+$0xFFFFE220]  }
0x3b7: {  	v13 =	vld [tilespmem:s17+$0xFFFFE2A0]  }
0x3b8: {  	v8 =	vadd.f32 v8, v9;
	v9 =	vld [tilespmem:s17+$0xFFFFE320];
	v2 =	vadd.f32 v10, v2  }
0x3b9: {  	v10 =	vld [tilespmem:s17+$0xFFFFE3A0]  }
0x3ba: {  	v0 =	vadd.f32 v8, v0;
	v8 =	vld [tilespmem:s17+$0x20];
	v7 =	vadd.f32 v11, v7  }
0x3bb: {  	v11 =	vld [tilespmem:s17+$0xA0]  }
0x3bc: {  	v14 =	vld [tilespmem:s17+$0x120];
	v12 =	vadd.f32 v13, v12;
	v2 =	vadd.f32 v7, v2  }
0x3bd: {  	v0 =	vadd.f32 v0, v1;
	v1 =	vld [tilespmem:s17+$0x1A0]  }
0x3be: {  	v7 =	vld [tilespmem:s17+$0x220];
	v9 =	vadd.f32 v10, v9  }
0x3bf: {  	[tilespmem:s12+$0xFFFFFFD0] =	vst v0;
	v0 =	vld [tilespmem:s17+$0x2A0]  }
0x3c0: {  	v10 =	vld [tilespmem:s17+$0x320];
	v8 =	vadd.f32 v11, v8;
	v9 =	vadd.f32 v9, v12  }
0x3c1: {  	v11 =	vld [tilespmem:s17+$0x3A0]  }
0x3c2: {  	v1 =	vadd.f32 v1, v14;
	v2 =	vadd.f32 v9, v2;
	v9 =	vld [tilespmem:s17+$0xFFFFE030]  }
0x3c3: {  	v12 =	vld [tilespmem:s17+$0xFFFFE0B0]  }
0x3c4: {  	v0 =	vadd.f32 v0, v7;
	v1 =	vadd.f32 v1, v8;
	v7 =	vld [tilespmem:s17+$0xFFFFE130]  }
0x3c5: {  	v8 =	vld [tilespmem:s17+$0xFFFFE1B0]  }
0x3c6: {  	v10 =	vadd.f32 v11, v10;
	v11 =	vld [tilespmem:s17+$0xFFFFE230]  }
0x3c7: {  	v13 =	vld [tilespmem:s17+$0xFFFFE2B0]  }
0x3c8: {  	v0 =	vadd.f32 v10, v0;
	v10 =	vld [tilespmem:s17+$0xFFFFE330];
	v9 =	vadd.f32 v12, v9  }
0x3c9: {  	v12 =	vld [tilespmem:s17+$0xFFFFE3B0]  }
0x3ca: {  	v0 =	vadd.f32 v0, v1;
	v1 =	vld [tilespmem:s17+$0x30];
	v7 =	vadd.f32 v8, v7  }
0x3cb: {  	v8 =	vld [tilespmem:s17+$0xB0]  }
0x3cc: {  	v14 =	vld [tilespmem:s17+$0x130];
	v11 =	vadd.f32 v13, v11;
	v7 =	vadd.f32 v7, v9  }
0x3cd: {  	v0 =	vadd.f32 v0, v2;
	v2 =	vld [tilespmem:s17+$0x1B0]  }
0x3ce: {  	v9 =	vld [tilespmem:s17+$0x230];
	v10 =	vadd.f32 v12, v10  }
0x3cf: {  	[tilespmem:s12+$0xFFFFFFE0] =	vst v0;
	v0 =	vld [tilespmem:s17+$0x2B0]  }
0x3d0: {  	v12 =	vld [tilespmem:s17+$0x330];
	v1 =	vadd.f32 v8, v1;
	v8 =	vadd.f32 v10, v11  }
0x3d1: {  	v10 =	vld [tilespmem:s17+$0x3B0]  }
0x3d2: {  	v2 =	vadd.f32 v2, v14;
	v7 =	vadd.f32 v8, v7;
	v8 =	vld [tilespmem:s17+$0xFFFFE040]  }
0x3d3: {  	v11 =	vld [tilespmem:s17+$0xFFFFE0C0]  }
0x3d4: {  	v0 =	vadd.f32 v0, v9;
	v1 =	vadd.f32 v2, v1;
	v2 =	vld [tilespmem:s17+$0xFFFFE140]  }
0x3d5: {  	v9 =	vld [tilespmem:s17+$0xFFFFE1C0]  }
0x3d6: {  	v10 =	vadd.f32 v10, v12;
	v12 =	vld [tilespmem:s17+$0xFFFFE240]  }
0x3d7: {  	v13 =	vld [tilespmem:s17+$0xFFFFE2C0]  }
0x3d8: {  	v0 =	vadd.f32 v10, v0;
	v10 =	vld [tilespmem:s17+$0xFFFFE340];
	v8 =	vadd.f32 v11, v8  }
0x3d9: {  	v11 =	vld [tilespmem:s17+$0xFFFFE3C0]  }
0x3da: {  	v0 =	vadd.f32 v0, v1;
	v1 =	vld [tilespmem:s17+$0x40];
	v2 =	vadd.f32 v9, v2  }
0x3db: {  	v9 =	vld [tilespmem:s17+$0xC0]  }
0x3dc: {  	v14 =	vld [tilespmem:s17+$0x140];
	v12 =	vadd.f32 v13, v12;
	v2 =	vadd.f32 v2, v8  }
0x3dd: {  	v0 =	vadd.f32 v0, v7;
	v7 =	vld [tilespmem:s17+$0x1C0]  }
0x3de: {  	v8 =	vld [tilespmem:s17+$0x240];
	v10 =	vadd.f32 v11, v10  }
0x3df: {  	[tilespmem:s12+$0xFFFFFFF0] =	vst v0;
	v0 =	vld [tilespmem:s17+$0x2C0]  }
0x3e0: {  	v11 =	vld [tilespmem:s17+$0x340];
	v1 =	vadd.f32 v9, v1;
	v9 =	vadd.f32 v10, v12  }
0x3e1: {  	v10 =	vld [tilespmem:s17+$0x3C0]  }
0x3e2: {  	v7 =	vadd.f32 v7, v14;
	v2 =	vadd.f32 v9, v2;
	v9 =	vld [tilespmem:s17+$0xFFFFE050]  }
0x3e3: {  	v12 =	vld [tilespmem:s17+$0xFFFFE0D0]  }
0x3e4: {  	v0 =	vadd.f32 v0, v8;
	v1 =	vadd.f32 v7, v1;
	v7 =	vld [tilespmem:s17+$0xFFFFE150]  }
0x3e5: {  	v8 =	vld [tilespmem:s17+$0xFFFFE1D0]  }
0x3e6: {  	v10 =	vadd.f32 v10, v11;
	v11 =	vld [tilespmem:s17+$0xFFFFE250]  }
0x3e7: {  	v13 =	vld [tilespmem:s17+$0xFFFFE2D0]  }
0x3e8: {  	v0 =	vadd.f32 v10, v0;
	v10 =	vld [tilespmem:s17+$0xFFFFE350];
	v9 =	vadd.f32 v12, v9  }
0x3e9: {  	v12 =	vld [tilespmem:s17+$0xFFFFE3D0]  }
0x3ea: {  	v0 =	vadd.f32 v0, v1;
	v1 =	vld [tilespmem:s17+$0x50];
	v7 =	vadd.f32 v8, v7  }
0x3eb: {  	v8 =	vld [tilespmem:s17+$0xD0]  }
0x3ec: {  	v14 =	vld [tilespmem:s17+$0x150];
	v11 =	vadd.f32 v13, v11;
	v7 =	vadd.f32 v7, v9  }
0x3ed: {  	v0 =	vadd.f32 v0, v2;
	v2 =	vld [tilespmem:s17+$0x1D0]  }
0x3ee: {  	v9 =	vld [tilespmem:s17+$0x250];
	v10 =	vadd.f32 v12, v10  }
0x3ef: {  	[tilespmem:s12+$0x0] =	vst v0;
	v0 =	vld [tilespmem:s17+$0x2D0]  }
0x3f0: {  	v12 =	vld [tilespmem:s17+$0x350];
	v1 =	vadd.f32 v8, v1;
	v8 =	vadd.f32 v10, v11  }
0x3f1: {  	v10 =	vld [tilespmem:s17+$0x3D0]  }
0x3f2: {  	v2 =	vadd.f32 v2, v14;
	v7 =	vadd.f32 v8, v7;
	v8 =	vld [tilespmem:s17+$0xFFFFE060]  }
0x3f3: {  	v11 =	vld [tilespmem:s17+$0xFFFFE0E0]  }
0x3f4: {  	v0 =	vadd.f32 v0, v9;
	v1 =	vadd.f32 v2, v1;
	v2 =	vld [tilespmem:s17+$0xFFFFE160]  }
0x3f5: {  	v9 =	vld [tilespmem:s17+$0xFFFFE1E0]  }
0x3f6: {  	v10 =	vadd.f32 v10, v12;
	v12 =	vld [tilespmem:s17+$0xFFFFE260]  }
0x3f7: {  	v13 =	vld [tilespmem:s17+$0xFFFFE2E0]  }
0x3f8: {  	v0 =	vadd.f32 v10, v0;
	v10 =	vld [tilespmem:s17+$0xFFFFE360];
	v8 =	vadd.f32 v11, v8  }
0x3f9: {  	v11 =	vld [tilespmem:s17+$0xFFFFE3E0]  }
0x3fa: {  	v0 =	vadd.f32 v0, v1;
	v1 =	vld [tilespmem:s17+$0x60];
	v2 =	vadd.f32 v9, v2  }
0x3fb: {  	v14 =	vld [tilespmem:s17+$0xE0]  }
0x3fc: {  	v15 =	vld [tilespmem:s17+$0x160];
	v12 =	vadd.f32 v13, v12;
	v2 =	vadd.f32 v2, v8  }
0x3fd: {  	v0 =	vadd.f32 v0, v7;
	v7 =	vld [tilespmem:s17+$0x1E0]  }
.Ltmp2:
0x3fe: {  	v8 =	vld [tilespmem:s17+$0x260];
	v13 =	vadd.f32 v11, v10;
	(pc) =	sbr.rel @p1 .LBB2_7-.Ltmp2, $4  }
0x3ff: {  	[tilespmem:s12+$0x10] =	vst v0;
	v10 =	vld [tilespmem:s17+$0x2E0]  }
0x400: {  	v9 =	vld [tilespmem:s17+$0x360];
	v11 =	vadd.f32 v14, v1;
	v0 =	vadd.f32 v13, v12  }
0x401: {  	v12 =	vld [tilespmem:s17+$0x3E0]  }
0x402: {  	v13 =	vld [tilespmem:s17+$0xFFFFE000];
	v14 =	vadd.f32 v7, v15;
	v7 =	vadd.f32 v0, v2;
	s17 =	sadd.s32 $0x400, s17  }
0x403: {  	_ =	sdelay $0x2  }
0x404: {  	v0 =	vadd.f32 v10, v8;
	v1 =	vadd.f32 v12, v9  }
0x405: {  	v2 =	vadd.f32 v3, v13  }
0x406: {  	v3 =	vadd.f32 v14, v11;
	v0 =	vadd.f32 v1, v0  }
0x407: {  	v1 =	vadd.f32 v4, v2  }
0x408: {  	v0 =	vadd.f32 v0, v3  }
0x409: {  	v1 =	vadd.f32 v5, v1  }
0x40a: {  	v0 =	vadd.f32 v0, v7  }
0x40b: {  	v1 =	vadd.f32 v6, v1  }
0x40c: {  	[tilespmem:s12+$0x20] =	vst v0  }
0x40d: {  	s11 =	sadd.s32 $0x20, s11;
	[tilespmem:s12+$0xFFFFFFC0] =	vst v1  }
0x40e: {  	[hbm4b:s11+s24] =	stream.strided.scatter [tilespmem:s26], [sflag:$0x5], $0x400, s25, s24, $0x38;
	[tilespmem:$0x11800] =	vst v63  }
0x40f: {  	_ =	swait.ge [sflag:s2], $0x4000  }
0x410: {  	[sflag:s2] =	ssyncset.done $0x0  }
0x411: {  	[sflag:s2] =	ssyncadd.s32 $0xFFFFC000  }
0x412: {  	v0 =	vld @!p0 [tilespmem:s10+$0x60];
	_ =	sdelay $0x4  }
0x413: {  	v1 =	vshll.u32 @!p0 v0, $0x3  }
0x414: {  	v2 =	vlaneseq.u32 @!p0;
	v0 =	vand.u32 @!p0 $0x7, v0;
	v1 =	vand.u32 @!p0 $0xFFFFFFC0, v1  }
0x415: {  	v3 =	vshrl.u32 @!p0 v2, $0x3;
	v0 =	vor.u32 @!p0 v0, v1;
	v1 =	vand.u32 @!p0 $0x7, v2  }
0x416: {  	v3 =	vmul.u32 @!p0 $0x8, v3;
	v1 =	vperm.xlane @!p0 v0, v1;
	_ =	sdelay $0x1  }
0x417: {  	v1 =	vadd.s32 @!p0 v3, v1;
	_ =	sdelay $0x3  }
0x418: {  	s11 =	simm.s32 @!p0 $0x9000;
	s10 =	simm.s32 @!p0 $0x0  }
0x419: {  	v2 =	vor.u32 @!p0 $0x8, v2;
	[tilespmem:s11], [sflag:$0x3] =	stream.indirect_vreg.gather @!p0 [hbm4b:s1+s10], $0x80, v1, vm1, $0xb8;
	[tilespmem:$0x11800] =	vst v63  }
0x41a: {  	v0 =	vperm.xlane @!p0 v0, v2;
	s11 =	simm.s32 @!p0 $0x9800  }
0x41b: {  	[tilespmem:s11], [sflag:$0x3] =	stream.indirect_vreg.gather @!p0 [hbm4b:s6+s10], $0x80, v1, vm1, $0xb8;
	[tilespmem:$0x11800] =	vst v63  }
0x41c: {  	v0 =	vadd.s32 @!p0 v3, v0;
	s11 =	simm.s32 @!p0 $0xA000  }
0x41d: {  	[tilespmem:s11], [sflag:$0x3] =	stream.indirect_vreg.gather @!p0 [hbm4b:s7+s10], $0x80, v1, vm1, $0xb8;
	[tilespmem:$0x11800] =	vst v63  }
0x41e: {  	s11 =	simm.s32 @!p0 $0xA800  }
0x41f: {  	[tilespmem:s11], [sflag:$0x3] =	stream.indirect_vreg.gather @!p0 [hbm4b:s8+s10], $0x80, v1, vm1, $0xb8;
	[tilespmem:$0x11800] =	vst v63  }
0x420: {  	s11 =	simm.s32 @!p0 $0xB000  }
0x421: {  	[tilespmem:s11], [sflag:$0x3] =	stream.indirect_vreg.gather @!p0 [hbm4b:s1+s10], $0x80, v0, vm1, $0xb8;
	[tilespmem:$0x11800] =	vst v63  }
0x422: {  	s11 =	simm.s32 @!p0 $0xB800  }
0x423: {  	[tilespmem:s11], [sflag:$0x3] =	stream.indirect_vreg.gather @!p0 [hbm4b:s6+s10], $0x80, v0, vm1, $0xb8;
	[tilespmem:$0x11800] =	vst v63  }
0x424: {  	s11 =	simm.s32 @!p0 $0xC000  }
0x425: {  	[tilespmem:s11], [sflag:$0x3] =	stream.indirect_vreg.gather @!p0 [hbm4b:s7+s10], $0x80, v0, vm1, $0xb8;
	[tilespmem:$0x11800] =	vst v63  }
0x426: {  	s11 =	simm.s32 @!p0 $0xC800  }
0x427: {  	[tilespmem:s11], [sflag:$0x3] =	stream.indirect_vreg.gather @!p0 [hbm4b:s8+s10], $0x80, v0, vm1, $0xb8;
	[tilespmem:$0x11800] =	vst v63  }
0x428: {  	_ =	swait.ge [sflag:s0], $0x400  }
0x429: {  	[sflag:s0] =	ssyncset.done $0x0  }
0x42a: {  	s17 =	simm.s32 $0xF000;
	[sflag:s0] =	ssyncadd.s32 $0xFFFFFC00  }
0x42b: {  	v0 =	vld [tilespmem:s17+$0xFFFFE070]  }
0x42c: {  	v1 =	vld [tilespmem:s17+$0xFFFFE0F0]  }
0x42d: {  	v2 =	vld [tilespmem:s17+$0xFFFFE170]  }
0x42e: {  	v4 =	vld [tilespmem:s17+$0xFFFFE1F0]  }
0x42f: {  	v5 =	vld [tilespmem:s17+$0xFFFFE270]  }
0x430: {  	v6 =	vld [tilespmem:s17+$0xFFFFE2F0]  }
0x431: {  	v7 =	vld [tilespmem:s17+$0xFFFFE370]  }
0x432: {  	v8 =	vld [tilespmem:s17+$0xFFFFE3F0]  }
0x433: {  	v9 =	vld [tilespmem:s17+$0x70]  }
0x434: {  	v10 =	vld [tilespmem:s17+$0xF0]  }
0x435: {  	v11 =	vld [tilespmem:s17+$0x170]  }
0x436: {  	v12 =	vld [tilespmem:s17+$0x1F0]  }
0x437: {  	v13 =	vld [tilespmem:s17+$0x270]  }
0x438: {  	v14 =	vld [tilespmem:s17+$0x2F0]  }
0x439: {  	v15 =	vld [tilespmem:s17+$0x370]  }
0x43a: {  	v16 =	vld [tilespmem:s17+$0x3F0]  }
0x43b: {  	v3 =	vld [tilespmem:s17+$0xFFFFE080]  }
0x43c: {  	v17 =	vld [tilespmem:s17+$0xFFFFE100]  }
0x43d: {  	v18 =	vld [tilespmem:s17+$0xFFFFE180]  }
0x43e: {  	v19 =	vld [tilespmem:s17+$0xFFFFE200]  }
0x43f: {  	v20 =	vld [tilespmem:s17+$0xFFFFE280]  }
0x440: {  	v21 =	vld [tilespmem:s17+$0xFFFFE300]  }
0x441: {  	v22 =	vld [tilespmem:s17+$0xFFFFE380]  }
0x442: {  	v23 =	vld [tilespmem:s17+$0x0]  }
0x443: {  	v24 =	vld [tilespmem:s17+$0x80]  }
0x444: {  	v25 =	vld [tilespmem:s17+$0x100]  }
0x445: {  	v26 =	vld [tilespmem:s17+$0x180]  }
0x446: {  	v27 =	vld [tilespmem:s17+$0x200]  }
0x447: {  	v28 =	vld [tilespmem:s17+$0x280]  }
0x448: {  	v29 =	vld [tilespmem:s17+$0x300]  }
0x449: {  	v30 =	vld [tilespmem:s17+$0x380]  }
0x44a: {  	v31 =	vld [tilespmem:s17+$0xFFFFE010]  }
0x44b: {  	v32 =	vld [tilespmem:s17+$0xFFFFE090]  }
0x44c: {  	v33 =	vld [tilespmem:s17+$0xFFFFE110]  }
0x44d: {  	v34 =	vld [tilespmem:s17+$0xFFFFE190]  }
0x44e: {  	v35 =	vld [tilespmem:s17+$0xFFFFE210]  }
0x44f: {  	v36 =	vld [tilespmem:s17+$0xFFFFE290]  }
0x450: {  	v37 =	vld [tilespmem:s17+$0xFFFFE310]  }
0x451: {  	v38 =	vld [tilespmem:s17+$0xFFFFE390]  }
0x452: {  	v39 =	vld [tilespmem:s17+$0x10]  }
0x453: {  	v40 =	vld [tilespmem:s17+$0x90]  }
0x454: {  	v41 =	vld [tilespmem:s17+$0x110]  }
0x455: {  	v42 =	vld [tilespmem:s17+$0x190]  }
0x456: {  	v43 =	vld [tilespmem:s17+$0x210]  }
0x457: {  	v44 =	vld [tilespmem:s17+$0x290]  }
0x458: {  	v45 =	vld [tilespmem:s17+$0x310]  }
0x459: {  	v46 =	vld [tilespmem:s17+$0x390]  }
0x45a: {  	v47 =	vld [tilespmem:s17+$0xFFFFE020]  }
0x45b: {  	v48 =	vld [tilespmem:s17+$0xFFFFE0A0]  }
0x45c: {  	v49 =	vld [tilespmem:s17+$0xFFFFE120]  }
0x45d: {  	v50 =	vld [tilespmem:s17+$0xFFFFE1A0]  }
0x45e: {  	v51 =	vld [tilespmem:s17+$0xFFFFE220]  }
0x45f: {  	v52 =	vld [tilespmem:s17+$0xFFFFE2A0]  }
0x460: {  	v53 =	vld [tilespmem:s17+$0xFFFFE320]  }
0x461: {  	v54 =	vld [tilespmem:s17+$0xFFFFE3A0]  }
0x462: {  	v55 =	vld [tilespmem:s17+$0x20]  }
0x463: {  	v56 =	vld [tilespmem:s17+$0xA0]  }
0x464: {  	v57 =	vld [tilespmem:s17+$0x120]  }
0x465: {  	v63 =	vld [tilespmem:s17+$0xFFFFE030]  }
0x466: {  	v58 =	vld [tilespmem:s17+$0x1A0]  }
0x467: {  	v59 =	vld [tilespmem:s17+$0x220]  }
0x468: {  	v60 =	vld [tilespmem:s17+$0x2A0]  }
0x469: {  	v61 =	vld [tilespmem:s17+$0x320]  }
0x46a: {  	v62 =	vld [tilespmem:s17+$0x3A0];
	[tilespmem:$0x1FD90] =	vst v63  }
0x46b: {  	v63 =	vld [tilespmem:s17+$0xFFFFE0B0];
	_ =	sdelay $0x4  }
0x46c: {  	[tilespmem:$0x1FDA0] =	vst v63  }
0x46d: {  	v63 =	vld [tilespmem:s17+$0xFFFFE130];
	_ =	sdelay $0x4  }
0x46e: {  	[tilespmem:$0x1FDB0] =	vst v63  }
0x46f: {  	v63 =	vld [tilespmem:s17+$0xFFFFE1B0];
	_ =	sdelay $0x4  }
0x470: {  	[tilespmem:$0x1FDC0] =	vst v63  }
0x471: {  	v63 =	vld [tilespmem:s17+$0xFFFFE230];
	_ =	sdelay $0x4  }
0x472: {  	[tilespmem:$0x1FDD0] =	vst v63  }
0x473: {  	v63 =	vld [tilespmem:s17+$0xFFFFE2B0];
	_ =	sdelay $0x4  }
0x474: {  	v0 =	vadd.f32 v1, v0;
	v1 =	vadd.f32 v4, v2;
	[tilespmem:$0x1FDE0] =	vst v63  }
0x475: {  	v4 =	vadd.f32 v6, v5;
	v5 =	vadd.f32 v8, v7;
	v63 =	vld [tilespmem:s17+$0xFFFFE330]  }
0x476: {  	v6 =	vadd.f32 v10, v9;
	v8 =	vadd.f32 v12, v11  }
0x477: {  	v10 =	vadd.f32 v14, v13;
	v11 =	vadd.f32 v16, v15  }
0x478: {  	v0 =	vadd.f32 v1, v0;
	v1 =	vadd.f32 v5, v4  }
0x479: {  	v4 =	vadd.f32 v8, v6;
	v5 =	vadd.f32 v11, v10  }
0x47a: {  	v40 =	vadd.f32 v40, v39;
	v42 =	vadd.f32 v42, v41;
	[tilespmem:$0x1FDF0] =	vst v63  }
0x47b: {  	v0 =	vadd.f32 v1, v0;
	v1 =	vadd.f32 v5, v4;
	v63 =	vld [tilespmem:s17+$0xFFFFE3B0]  }
0x47c: {  	v44 =	vadd.f32 v44, v43;
	v46 =	vadd.f32 v46, v45  }
0x47d: {  	v43 =	vadd.f32 v52, v51;
	v0 =	vadd.f32 v1, v0  }
0x47e: {  	v52 =	vld [tilespmem:$0x1FD90];
	v1 =	vadd.f32 v22, v21;
	v21 =	vadd.f32 v42, v40  }
0x47f: {  	v40 =	vadd.f32 v46, v44;
	v44 =	vadd.f32 v54, v53;
	v53 =	vld [tilespmem:$0x1FDA0]  }
0x480: {  	v54 =	vld [tilespmem:$0x1FDB0];
	[tilespmem:$0x1FE00] =	vst v63  }
0x481: {  	v63 =	vld [tilespmem:s17+$0x30]  }
0x482: {  	v45 =	vadd.f32 v56, v55;
	v55 =	vld [tilespmem:$0x1FDC0]  }
0x483: {  	v46 =	vadd.f32 v58, v57;
	v57 =	vld [tilespmem:$0x1FDD0]  }
0x484: {  	v58 =	vld [tilespmem:$0x1FDE0]  }
0x485: {  	v41 =	vadd.f32 v48, v47;
	v47 =	vadd.f32 v60, v59;
	v59 =	vld [tilespmem:$0x1FDF0]  }
0x486: {  	v60 =	vld [tilespmem:$0x1FE00];
	[tilespmem:$0x1FE10] =	vst v63  }
0x487: {  	v2 =	vld [tilespmem:s17+$0xB0]  }
0x488: {  	v7 =	vld [tilespmem:s17+$0x130]  }
0x489: {  	v9 =	vld [tilespmem:s17+$0x1B0]  }
0x48a: {  	v12 =	vld [tilespmem:s17+$0x230]  }
0x48b: {  	v13 =	vld [tilespmem:s17+$0x2B0]  }
0x48c: {  	v8 =	vld [tilespmem:s17+$0x330]  }
0x48d: {  	v10 =	vld [tilespmem:s17+$0x3B0]  }
0x48e: {  	v11 =	vld [tilespmem:s17+$0xFFFFE040]  }
0x48f: {  	v14 =	vld [tilespmem:s17+$0xFFFFE0C0]  }
0x490: {  	v15 =	vld [tilespmem:s17+$0xFFFFE140]  }
0x491: {  	v4 =	vadd.f32 v18, v17;
	v17 =	vld [tilespmem:s17+$0xFFFFE1C0]  }
0x492: {  	v18 =	vld [tilespmem:s17+$0xFFFFE240]  }
0x493: {  	v5 =	vadd.f32 v20, v19;
	v19 =	vld [tilespmem:s17+$0xFFFFE2C0]  }
0x494: {  	v26 =	vadd.f32 v26, v25;
	v6 =	vadd.f32 v24, v23;
	v22 =	vld [tilespmem:s17+$0xFFFFE340]  }
0x495: {  	v25 =	vld [tilespmem:s17+$0xFFFFE3C0]  }
0x496: {  	v6 =	vadd.f32 v26, v6;
	v26 =	vld [tilespmem:s17+$0x40]  }
0x497: {  	v5 =	vadd.f32 v1, v5;
	v1 =	vadd.f32 v28, v27;
	v27 =	vld [tilespmem:s17+$0xC0]  }
0x498: {  	v63 =	vadd.f32 v30, v29;
	v30 =	vld [tilespmem:s17+$0x140]  }
0x499: {  	v32 =	vadd.f32 v32, v31;
	v34 =	vadd.f32 v34, v33;
	v24 =	vld [tilespmem:s17+$0x240]  }
0x49a: {  	v36 =	vadd.f32 v36, v35;
	v31 =	vld [tilespmem:s17+$0x2C0]  }
0x49b: {  	v38 =	vadd.f32 v38, v37;
	v20 =	vadd.f32 v34, v32;
	v32 =	vld [tilespmem:s17+$0x340]  }
0x49c: {  	v48 =	vadd.f32 v62, v61;
	v33 =	vld [tilespmem:s17+$0x3C0]  }
0x49d: {  	v23 =	vadd.f32 v38, v36;
	v42 =	vadd.f32 v50, v49;
	v36 =	vld [tilespmem:s17+$0xFFFFE050]  }
0x49e: {  	v51 =	vadd.f32 v48, v47;
	v39 =	vld [tilespmem:s17+$0xFFFFE0D0]  }
0x49f: {  	v21 =	vadd.f32 v40, v21;
	v28 =	vadd.f32 v42, v41;
	v35 =	vld [tilespmem:s17+$0xFFFFE1D0]  }
0x4a0: {  	v49 =	vadd.f32 v44, v43;
	v50 =	vadd.f32 v46, v45;
	v37 =	vld [tilespmem:s17+$0xFFFFE250]  }
0x4a1: {  	v56 =	vld [tilespmem:s17+$0xFFFFE2D0];
	v1 =	vadd.f32 v63, v1;
	v63 =	vadd.f32 v23, v20  }
0x4a2: {  	v34 =	vadd.f32 v55, v54;
	v40 =	vadd.f32 v58, v57;
	v62 =	vld [tilespmem:$0x1FE10]  }
0x4a3: {  	v41 =	vadd.f32 v60, v59;
	v61 =	vld [tilespmem:s17+$0xFFFFE350];
	v16 =	vadd.f32 v21, v63  }
0x4a4: {  	v43 =	vld [tilespmem:s17+$0x350];
	v21 =	vadd.f32 v49, v28;
	v28 =	vadd.f32 v53, v52  }
0x4a5: {  	v29 =	vadd.f32 v51, v50;
	v54 =	vld [tilespmem:s17+$0xFFFFE260]  }
0x4a6: {  	v57 =	vld [tilespmem:s17+$0xFFFFE2E0];
	v40 =	vadd.f32 v41, v40;
	v28 =	vadd.f32 v34, v28  }
0x4a7: {  	v20 =	vld [tilespmem:s17+$0x1C0];
	v2 =	vadd.f32 v2, v62;
	v7 =	vadd.f32 v9, v7  }
0x4a8: {  	v23 =	vld [tilespmem:s17+$0xFFFFE150];
	v12 =	vadd.f32 v13, v12;
	v8 =	vadd.f32 v10, v8  }
0x4a9: {  	v46 =	vld [tilespmem:s17+$0x3D0];
	v13 =	vadd.f32 v29, v21;
	v11 =	vadd.f32 v14, v11  }
0x4aa: {  	v51 =	vld [tilespmem:s17+$0xFFFFE160];
	v44 =	vadd.f32 v27, v26;
	v47 =	vadd.f32 v31, v24  }
0x4ab: {  	v63 =	vld [tilespmem:s17+$0xFFFFE3D0];
	v48 =	vadd.f32 v33, v32;
	v55 =	vadd.f32 v56, v37  }
0x4ac: {  	v41 =	vld [tilespmem:s17+$0x150];
	v62 =	vadd.f32 v57, v54;
	v45 =	vadd.f32 v20, v30  }
0x4ad: {  	v9 =	vld [tilespmem:s17+$0x50];
	v53 =	vadd.f32 v35, v23;
	v40 =	vadd.f32 v40, v28  }
0x4ae: {  	v10 =	vld [tilespmem:s17+$0xD0];
	v2 =	vadd.f32 v7, v2;
	v7 =	vadd.f32 v8, v12  }
0x4af: {  	v14 =	vld [tilespmem:s17+$0x250];
	v12 =	vadd.f32 v17, v15;
	v50 =	vadd.f32 v48, v47  }
0x4b0: {  	v8 =	vld [tilespmem:s17+$0x1D0];
	v56 =	vadd.f32 v63, v61;
	v2 =	vadd.f32 v7, v2  }
0x4b1: {  	v15 =	vld [tilespmem:s17+$0x2D0];
	v7 =	vadd.f32 v19, v18;
	v11 =	vadd.f32 v12, v11  }
0x4b2: {  	v58 =	vld [tilespmem:s17+$0xFFFFE3E0];
	v12 =	vadd.f32 v25, v22;
	v18 =	vadd.f32 v45, v44  }
0x4b3: {  	v49 =	vld [tilespmem:s17+$0xFFFFE060];
	v9 =	vadd.f32 v10, v9;
	v59 =	vadd.f32 v56, v55  }
0x4b4: {  	v10 =	vld [tilespmem:s17+$0xFFFFE360];
	v2 =	vadd.f32 v2, v40;
	v7 =	vadd.f32 v12, v7  }
0x4b5: {  	v12 =	vld [tilespmem:s17+$0xFFFFE0E0];
	v18 =	vadd.f32 v50, v18;
	v8 =	vadd.f32 v8, v41  }
0x4b6: {  	v52 =	vld [tilespmem:s17+$0xFFFFE1E0];
	v14 =	vadd.f32 v15, v14;
	v15 =	vadd.f32 v46, v43  }
0x4b7: {  	v60 =	vld [tilespmem:s17+$0x60];
	v7 =	vadd.f32 v7, v11;
	v11 =	vadd.f32 v39, v36  }
0x4b8: {  	v61 =	vld [tilespmem:s17+$0x1E0];
	v8 =	vadd.f32 v8, v9;
	v9 =	vadd.f32 v15, v14  }
0x4b9: {  	s10 =	simm.s32 $0x11440;
	v14 =	vld [tilespmem:s17+$0xE0];
	v11 =	vadd.f32 v53, v11;
	v17 =	vadd.f32 v58, v10  }
0x4ba: {  	[tilespmem:s10+$0x30] =	vst v0;
	v15 =	vld [tilespmem:s17+$0x160];
	v12 =	vadd.f32 v12, v49;
	v0 =	vadd.f32 v9, v8  }
0x4bb: {  	[tilespmem:s10+$0xFFFFFFD0] =	vst v16;
	v10 =	vld [tilespmem:s17+$0x2E0];
	v9 =	vadd.f32 v52, v51;
	v11 =	vadd.f32 v59, v11  }
0x4bc: {  	[tilespmem:s10+$0xFFFFFFF0] =	vst v2;
	v7 =	vadd.f32 v18, v7;
	v8 =	vld [tilespmem:s17+$0x260];
	v2 =	vadd.f32 v17, v62  }
0x4bd: {  	[tilespmem:s10+$0xFFFFFFE0] =	vst v13;
	v63 =	vadd.f32 v9, v12;
	v9 =	vld [tilespmem:s17+$0x360];
	v0 =	vadd.f32 v0, v11  }
0x4be: {  	v6 =	vadd.f32 v1, v6;
	[tilespmem:s10+$0x0] =	vst v7;
	v12 =	vld [tilespmem:s17+$0x3E0];
	v11 =	vadd.f32 v14, v60  }
0x4bf: {  	s12 =	simm.s32 $0xF400;
	s11 =	simm.s32 $0x0;
	v13 =	vld [tilespmem:s17+$0xFFFFE000];
	v14 =	vadd.f32 v61, v15;
	v7 =	vadd.f32 v2, v63;
	[tilespmem:s10+$0x10] =	vst v0  }
.LBB2_9:
0x4c0: {  	v0 =	vld [tilespmem:s12+$0xFFFFE070]  }
0x4c1: {  	v1 =	vld [tilespmem:s12+$0xFFFFE0F0];
	v2 =	vadd.f32 v10, v8;
	v8 =	vadd.f32 v14, v11  }
0x4c2: {  	v10 =	vld [tilespmem:s12+$0xFFFFE170]  }
0x4c3: {  	v11 =	vld [tilespmem:s12+$0xFFFFE1F0];
	v9 =	vadd.f32 v12, v9  }
0x4c4: {  	v12 =	vld [tilespmem:s12+$0xFFFFE270];
	v3 =	vadd.f32 v3, v13  }
0x4c5: {  	v13 =	vld [tilespmem:s12+$0xFFFFE2F0];
	v2 =	vadd.f32 v9, v2  }
0x4c6: {  	v9 =	vld [tilespmem:s12+$0xFFFFE370];
	v3 =	vadd.f32 v4, v3  }
0x4c7: {  	v4 =	vld [tilespmem:s12+$0xFFFFE3F0];
	v2 =	vadd.f32 v2, v8  }
0x4c8: {  	v8 =	vld [tilespmem:s12+$0x70];
	v3 =	vadd.f32 v5, v3  }
0x4c9: {  	v5 =	vld [tilespmem:s12+$0xF0];
	v2 =	vadd.f32 v2, v7  }
0x4ca: {  	v7 =	vld [tilespmem:s12+$0x170];
	v3 =	vadd.f32 v6, v3  }
0x4cb: {  	v6 =	vld [tilespmem:s12+$0x1F0];
	[tilespmem:s10+$0x20] =	vst v2  }
0x4cc: {  	v2 =	vld [tilespmem:s12+$0x270];
	[tilespmem:s10+$0xFFFFFFC0] =	vst v3  }
0x4cd: {  	v14 =	vld [tilespmem:s12+$0x2F0]  }
0x4ce: {  	v15 =	vld [tilespmem:s12+$0x370]  }
0x4cf: {  	s11 =	sadd.s32 $0x80, s11;
	v16 =	vld [tilespmem:s12+$0x3F0]  }
0x4d0: {  	p0 =	slt.u32 s11, $0x380;
	v3 =	vld [tilespmem:s12+$0xFFFFE080]  }
0x4d1: {  	v0 =	vadd.f32 v1, v0;
	v1 =	vadd.f32 v11, v10;
	v17 =	vld [tilespmem:s12+$0xFFFFE100]  }
0x4d2: {  	v11 =	vadd.f32 v13, v12;
	v4 =	vadd.f32 v4, v9;
	v10 =	vld [tilespmem:s12+$0xFFFFE180]  }
0x4d3: {  	v5 =	vadd.f32 v5, v8;
	v6 =	vadd.f32 v6, v7;
	v9 =	vld [tilespmem:s12+$0xFFFFE200]  }
0x4d4: {  	v2 =	vadd.f32 v14, v2;
	v7 =	vld [tilespmem:s12+$0xFFFFE280];
	v8 =	vadd.f32 v16, v15  }
0x4d5: {  	v0 =	vadd.f32 v1, v0;
	v1 =	vadd.f32 v4, v11;
	v12 =	vld [tilespmem:s12+$0xFFFFE300]  }
0x4d6: {  	v5 =	vadd.f32 v6, v5;
	v11 =	vld [tilespmem:s12+$0xFFFFE380];
	v2 =	vadd.f32 v8, v2  }
0x4d7: {  	v6 =	vld [tilespmem:s12+$0x0];
	v4 =	vadd.f32 v10, v17  }
0x4d8: {  	v0 =	vadd.f32 v1, v0;
	v8 =	vld [tilespmem:s12+$0x80];
	v1 =	vadd.f32 v2, v5  }
0x4d9: {  	v2 =	vld [tilespmem:s12+$0x100];
	v5 =	vadd.f32 v7, v9  }
0x4da: {  	v7 =	vld [tilespmem:s12+$0x180];
	v0 =	vadd.f32 v1, v0  }
0x4db: {  	s10 =	sadd.s32 $0x80, s10;
	v1 =	vld [tilespmem:s12+$0x200];
	v9 =	vadd.f32 v11, v12  }
0x4dc: {  	v10 =	vld [tilespmem:s12+$0x280];
	[tilespmem:s10+$0x30] =	vst v0  }
0x4dd: {  	v0 =	vld [tilespmem:s12+$0x300];
	v6 =	vadd.f32 v8, v6;
	v5 =	vadd.f32 v9, v5  }
0x4de: {  	v8 =	vld [tilespmem:s12+$0x380]  }
0x4df: {  	v2 =	vadd.f32 v7, v2;
	v7 =	vld [tilespmem:s12+$0xFFFFE010]  }
0x4e0: {  	v9 =	vld [tilespmem:s12+$0xFFFFE090]  }
0x4e1: {  	v1 =	vadd.f32 v10, v1;
	v2 =	vadd.f32 v2, v6;
	v10 =	vld [tilespmem:s12+$0xFFFFE110]  }
0x4e2: {  	v11 =	vld [tilespmem:s12+$0xFFFFE190]  }
0x4e3: {  	v0 =	vadd.f32 v8, v0;
	v8 =	vld [tilespmem:s12+$0xFFFFE210]  }
0x4e4: {  	v12 =	vld [tilespmem:s12+$0xFFFFE290]  }
0x4e5: {  	v0 =	vadd.f32 v0, v1;
	v1 =	vld [tilespmem:s12+$0xFFFFE310];
	v7 =	vadd.f32 v9, v7  }
0x4e6: {  	v9 =	vld [tilespmem:s12+$0xFFFFE390]  }
0x4e7: {  	v6 =	vadd.f32 v0, v2;
	v0 =	vld [tilespmem:s12+$0x10];
	v2 =	vadd.f32 v11, v10  }
0x4e8: {  	v10 =	vld [tilespmem:s12+$0x90]  }
0x4e9: {  	v11 =	vld [tilespmem:s12+$0x110];
	v8 =	vadd.f32 v12, v8;
	v2 =	vadd.f32 v2, v7  }
0x4ea: {  	v7 =	vld [tilespmem:s12+$0x190]  }
0x4eb: {  	v12 =	vld [tilespmem:s12+$0x210];
	v1 =	vadd.f32 v9, v1  }
0x4ec: {  	v9 =	vld [tilespmem:s12+$0x290]  }
0x4ed: {  	v13 =	vld [tilespmem:s12+$0x310];
	v0 =	vadd.f32 v10, v0;
	v1 =	vadd.f32 v1, v8  }
0x4ee: {  	v8 =	vld [tilespmem:s12+$0x390]  }
0x4ef: {  	v7 =	vadd.f32 v7, v11;
	v1 =	vadd.f32 v1, v2;
	v2 =	vld [tilespmem:s12+$0xFFFFE020]  }
0x4f0: {  	v10 =	vld [tilespmem:s12+$0xFFFFE0A0]  }
0x4f1: {  	v9 =	vadd.f32 v9, v12;
	v0 =	vadd.f32 v7, v0;
	v7 =	vld [tilespmem:s12+$0xFFFFE120]  }
0x4f2: {  	v11 =	vld [tilespmem:s12+$0xFFFFE1A0]  }
0x4f3: {  	v8 =	vadd.f32 v8, v13;
	v12 =	vld [tilespmem:s12+$0xFFFFE220]  }
0x4f4: {  	v13 =	vld [tilespmem:s12+$0xFFFFE2A0]  }
0x4f5: {  	v8 =	vadd.f32 v8, v9;
	v9 =	vld [tilespmem:s12+$0xFFFFE320];
	v2 =	vadd.f32 v10, v2  }
0x4f6: {  	v10 =	vld [tilespmem:s12+$0xFFFFE3A0]  }
0x4f7: {  	v0 =	vadd.f32 v8, v0;
	v8 =	vld [tilespmem:s12+$0x20];
	v7 =	vadd.f32 v11, v7  }
0x4f8: {  	v11 =	vld [tilespmem:s12+$0xA0]  }
0x4f9: {  	v14 =	vld [tilespmem:s12+$0x120];
	v12 =	vadd.f32 v13, v12;
	v2 =	vadd.f32 v7, v2  }
0x4fa: {  	v0 =	vadd.f32 v0, v1;
	v1 =	vld [tilespmem:s12+$0x1A0]  }
0x4fb: {  	v7 =	vld [tilespmem:s12+$0x220];
	v9 =	vadd.f32 v10, v9  }
0x4fc: {  	[tilespmem:s10+$0xFFFFFFD0] =	vst v0;
	v0 =	vld [tilespmem:s12+$0x2A0]  }
0x4fd: {  	v10 =	vld [tilespmem:s12+$0x320];
	v8 =	vadd.f32 v11, v8;
	v9 =	vadd.f32 v9, v12  }
0x4fe: {  	v11 =	vld [tilespmem:s12+$0x3A0]  }
0x4ff: {  	v1 =	vadd.f32 v1, v14;
	v2 =	vadd.f32 v9, v2;
	v9 =	vld [tilespmem:s12+$0xFFFFE030]  }
0x500: {  	v12 =	vld [tilespmem:s12+$0xFFFFE0B0]  }
0x501: {  	v0 =	vadd.f32 v0, v7;
	v1 =	vadd.f32 v1, v8;
	v7 =	vld [tilespmem:s12+$0xFFFFE130]  }
0x502: {  	v8 =	vld [tilespmem:s12+$0xFFFFE1B0]  }
0x503: {  	v10 =	vadd.f32 v11, v10;
	v11 =	vld [tilespmem:s12+$0xFFFFE230]  }
0x504: {  	v13 =	vld [tilespmem:s12+$0xFFFFE2B0]  }
0x505: {  	v0 =	vadd.f32 v10, v0;
	v10 =	vld [tilespmem:s12+$0xFFFFE330];
	v9 =	vadd.f32 v12, v9  }
0x506: {  	v12 =	vld [tilespmem:s12+$0xFFFFE3B0]  }
0x507: {  	v0 =	vadd.f32 v0, v1;
	v1 =	vld [tilespmem:s12+$0x30];
	v7 =	vadd.f32 v8, v7  }
0x508: {  	v8 =	vld [tilespmem:s12+$0xB0]  }
0x509: {  	v14 =	vld [tilespmem:s12+$0x130];
	v11 =	vadd.f32 v13, v11;
	v7 =	vadd.f32 v7, v9  }
0x50a: {  	v0 =	vadd.f32 v0, v2;
	v2 =	vld [tilespmem:s12+$0x1B0]  }
0x50b: {  	v9 =	vld [tilespmem:s12+$0x230];
	v10 =	vadd.f32 v12, v10  }
0x50c: {  	[tilespmem:s10+$0xFFFFFFE0] =	vst v0;
	v0 =	vld [tilespmem:s12+$0x2B0]  }
0x50d: {  	v12 =	vld [tilespmem:s12+$0x330];
	v1 =	vadd.f32 v8, v1;
	v8 =	vadd.f32 v10, v11  }
0x50e: {  	v10 =	vld [tilespmem:s12+$0x3B0]  }
0x50f: {  	v2 =	vadd.f32 v2, v14;
	v7 =	vadd.f32 v8, v7;
	v8 =	vld [tilespmem:s12+$0xFFFFE040]  }
0x510: {  	v11 =	vld [tilespmem:s12+$0xFFFFE0C0]  }
0x511: {  	v0 =	vadd.f32 v0, v9;
	v1 =	vadd.f32 v2, v1;
	v2 =	vld [tilespmem:s12+$0xFFFFE140]  }
0x512: {  	v9 =	vld [tilespmem:s12+$0xFFFFE1C0]  }
0x513: {  	v10 =	vadd.f32 v10, v12;
	v12 =	vld [tilespmem:s12+$0xFFFFE240]  }
0x514: {  	v13 =	vld [tilespmem:s12+$0xFFFFE2C0]  }
0x515: {  	v0 =	vadd.f32 v10, v0;
	v10 =	vld [tilespmem:s12+$0xFFFFE340];
	v8 =	vadd.f32 v11, v8  }
0x516: {  	v11 =	vld [tilespmem:s12+$0xFFFFE3C0]  }
0x517: {  	v0 =	vadd.f32 v0, v1;
	v1 =	vld [tilespmem:s12+$0x40];
	v2 =	vadd.f32 v9, v2  }
0x518: {  	v9 =	vld [tilespmem:s12+$0xC0]  }
0x519: {  	v14 =	vld [tilespmem:s12+$0x140];
	v12 =	vadd.f32 v13, v12;
	v2 =	vadd.f32 v2, v8  }
0x51a: {  	v0 =	vadd.f32 v0, v7;
	v7 =	vld [tilespmem:s12+$0x1C0]  }
0x51b: {  	v8 =	vld [tilespmem:s12+$0x240];
	v10 =	vadd.f32 v11, v10  }
0x51c: {  	[tilespmem:s10+$0xFFFFFFF0] =	vst v0;
	v0 =	vld [tilespmem:s12+$0x2C0]  }
0x51d: {  	v11 =	vld [tilespmem:s12+$0x340];
	v1 =	vadd.f32 v9, v1;
	v9 =	vadd.f32 v10, v12  }
0x51e: {  	v10 =	vld [tilespmem:s12+$0x3C0]  }
0x51f: {  	v7 =	vadd.f32 v7, v14;
	v2 =	vadd.f32 v9, v2;
	v9 =	vld [tilespmem:s12+$0xFFFFE050]  }
0x520: {  	v12 =	vld [tilespmem:s12+$0xFFFFE0D0]  }
0x521: {  	v0 =	vadd.f32 v0, v8;
	v1 =	vadd.f32 v7, v1;
	v7 =	vld [tilespmem:s12+$0xFFFFE150]  }
0x522: {  	v8 =	vld [tilespmem:s12+$0xFFFFE1D0]  }
0x523: {  	v10 =	vadd.f32 v10, v11;
	v11 =	vld [tilespmem:s12+$0xFFFFE250]  }
0x524: {  	v13 =	vld [tilespmem:s12+$0xFFFFE2D0]  }
0x525: {  	v0 =	vadd.f32 v10, v0;
	v10 =	vld [tilespmem:s12+$0xFFFFE350];
	v9 =	vadd.f32 v12, v9  }
0x526: {  	v12 =	vld [tilespmem:s12+$0xFFFFE3D0]  }
0x527: {  	v0 =	vadd.f32 v0, v1;
	v1 =	vld [tilespmem:s12+$0x50];
	v7 =	vadd.f32 v8, v7  }
0x528: {  	v8 =	vld [tilespmem:s12+$0xD0]  }
0x529: {  	v14 =	vld [tilespmem:s12+$0x150];
	v11 =	vadd.f32 v13, v11;
	v7 =	vadd.f32 v7, v9  }
0x52a: {  	v0 =	vadd.f32 v0, v2;
	v2 =	vld [tilespmem:s12+$0x1D0]  }
0x52b: {  	v9 =	vld [tilespmem:s12+$0x250];
	v10 =	vadd.f32 v12, v10  }
0x52c: {  	[tilespmem:s10+$0x0] =	vst v0;
	v0 =	vld [tilespmem:s12+$0x2D0]  }
0x52d: {  	v12 =	vld [tilespmem:s12+$0x350];
	v1 =	vadd.f32 v8, v1;
	v8 =	vadd.f32 v10, v11  }
0x52e: {  	v10 =	vld [tilespmem:s12+$0x3D0]  }
0x52f: {  	v2 =	vadd.f32 v2, v14;
	v7 =	vadd.f32 v8, v7;
	v8 =	vld [tilespmem:s12+$0xFFFFE060]  }
0x530: {  	v11 =	vld [tilespmem:s12+$0xFFFFE0E0]  }
0x531: {  	v0 =	vadd.f32 v0, v9;
	v1 =	vadd.f32 v2, v1;
	v2 =	vld [tilespmem:s12+$0xFFFFE160]  }
0x532: {  	v9 =	vld [tilespmem:s12+$0xFFFFE1E0]  }
0x533: {  	v10 =	vadd.f32 v10, v12;
	v12 =	vld [tilespmem:s12+$0xFFFFE260]  }
0x534: {  	v13 =	vld [tilespmem:s12+$0xFFFFE2E0]  }
0x535: {  	v0 =	vadd.f32 v10, v0;
	v10 =	vld [tilespmem:s12+$0xFFFFE360];
	v8 =	vadd.f32 v11, v8  }
0x536: {  	v11 =	vld [tilespmem:s12+$0xFFFFE3E0]  }
0x537: {  	v0 =	vadd.f32 v0, v1;
	v1 =	vld [tilespmem:s12+$0x60];
	v2 =	vadd.f32 v9, v2  }
0x538: {  	v14 =	vld [tilespmem:s12+$0xE0]  }
0x539: {  	v15 =	vld [tilespmem:s12+$0x160];
	v12 =	vadd.f32 v13, v12;
	v2 =	vadd.f32 v2, v8  }
0x53a: {  	v0 =	vadd.f32 v0, v7;
	v7 =	vld [tilespmem:s12+$0x1E0]  }
.Ltmp3:
0x53b: {  	v8 =	vld [tilespmem:s12+$0x260];
	v13 =	vadd.f32 v11, v10;
	(pc) =	sbr.rel @p0 .LBB2_9-.Ltmp3, $4  }
0x53c: {  	[tilespmem:s10+$0x10] =	vst v0;
	v10 =	vld [tilespmem:s12+$0x2E0]  }
0x53d: {  	v9 =	vld [tilespmem:s12+$0x360];
	v11 =	vadd.f32 v14, v1;
	v0 =	vadd.f32 v13, v12  }
0x53e: {  	v12 =	vld [tilespmem:s12+$0x3E0]  }
0x53f: {  	v13 =	vld [tilespmem:s12+$0xFFFFE000];
	v14 =	vadd.f32 v7, v15;
	v7 =	vadd.f32 v0, v2;
	s12 =	sadd.s32 $0x400, s12  }
0x540: {  	_ =	sdelay $0x2  }
0x541: {  	v0 =	vadd.f32 v10, v8;
	v1 =	vadd.f32 v12, v9  }
0x542: {  	v2 =	vadd.f32 v3, v13  }
0x543: {  	v62 =	vadd.f32 v14, v11;
	v0 =	vadd.f32 v1, v0  }
0x544: {  	v63 =	vadd.f32 v4, v2  }
0x545: {  	s13 =	sadd.s32 $0x1, s13;
	v0 =	vadd.f32 v0, v62  }
0x546: {  	p0 =	sne.s32 s13, $0x40;
	v1 =	vadd.f32 v5, v63  }
.Ltmp4:
0x547: {  	v0 =	vadd.f32 v0, v7;
	(pc) =	sbr.rel @p0 .LBB2_2-.Ltmp4, $4  }
0x548: {  	v1 =	vadd.f32 v6, v1  }
0x549: {  	s11 =	sand.u32 $0x70, s14;
	s5 =	sadd.s32 s3, s5;
	[tilespmem:s10+$0x20] =	vst v0  }
0x54a: {  	s5 =	sadd.s32 s11, s5;
	[tilespmem:s10+$0xFFFFFFC0] =	vst v1  }
0x54b: {  	[hbm4b:s5+s24] =	stream.strided.scatter [tilespmem:s29], [sflag:$0x6], $0x400, s25, s24, $0x38;
	[tilespmem:$0x11800] =	vst v63  }
0x54c: {  	_ =	swait.ge [sflag:s31], $0x400  }
0x54d: {  	[sflag:s31] =	ssyncset.done $0x0  }
0x54e: {  	[sflag:s31] =	ssyncadd.s32 $0xFFFFFC00  }
0x54f: {  	_ =	swait.ge [sflag:s0], $0x400  }
0x550: {  	s10 =	rddreg [dreg:$0x6]  }
0x551: {  	s5 =	rddreg [dreg:$0x5];
	s10 =	sadd.s32 $0x1, s10  }
0x552: {  	p0 =	sne.s32 s10, s5  }
.Ltmp5:
0x553: {  	_ = 	snop;
	(pc) =	sbr.rel @p0 .LBB2_1-.Ltmp5, $3  }
0x554: {  	_ =	sdelay $0x1  }
0x555: {  	[sflag:s0] =	ssyncset.done $0x0  }
0x556: {  	[sflag:s0] =	ssyncadd.s32 $0xFFFFFC00  }
0x557: {  	_ =	sfence.sel $0x180000  }
0x558: {  	[bflag:$0x0] =	sbarrier.arrive $0xFFFF  }
0x559: {  	_ =	strace $0x90000047  }
0x55a: {  	s0 =	stileid.u32;
	[bflag:$0x2] =	sbarrier.arrive $0xFFFF  }
0x55b: {  	p0 =	sne.s32 s0, $0x0;
	s0 =	rddreg [dreg:$0x3]  }
0x55c: {  	s0 =	sadd.s32 @!p0 $0x100000, s0  }
0x55d: {  	[sflag:s0] =	ssyncadd.tile.s32 @!p0 $0x1;
	_ =	shalt  }
.Lfunc_end2:
_tile_overlayer_lowered:
.L_overlay_start_2:
0x55e: {  	(tag) =	ssettag $0x2  }
0x55f: {  	s0 =	rddreg [dreg:$0x0];
	s2 =	stileid.u32  }
0x560: {  	s1 =	rddreg [dreg:$0x1];
	p0 =	sne.s32 s2, $0x0  }
0x561: {  	s3 =	rddreg [dreg:$0x2];
	[bflag:$0x3] =	sbarrier.arrive $0xFFFF;
	s2 =	simm.s32 @!p0 $0x1C07  }
0x562: {  	[timem:s3], [sflag:s2] =	dma.local @!p0 [hbm:s0], s1  }
0x563: {  	s0 =	simm.s32 @!p0 $0x7  }
0x564: {  	_ =	swait.ge @!p0 [sflag:s0], s1  }
0x565: {  	s1 =	ssub.s32 @!p0 $0x0, s1;
	[sflag:s0] =	ssyncset.done @!p0 $0x0  }
0x566: {  	[sflag:s0] =	ssyncadd.s32 @!p0 s1  }
0x567: {  	[bflag:$0x3] =	sbarrier.arrive $0xFFFF  }
0x568: {  	_ =	shalt  }

</sc_bundles>
